<compile_context>
chip_gen: v7x
topology: tpu7x:2x2x1
jax: 0.10.2.dev20260603
libtpu: 0.0.44.dev20260713+nightly
codegen_flags: <defaults>
</compile_context>

<pallas_src>
import functools

import jax
import jax.numpy as jnp
from jax import lax
from jax.experimental import pallas as pl
from jax.experimental.pallas import tpu as pltpu
from jax.experimental.pallas import tpu_sc as plsc

N = 10000
E = 320000
D = 128
CW = 16
NC = 2
NS = 16
NW = NC * NS
L = 16
EPW = E // NW
C = 80
NCHUNK = EPW // C
SSC = 5
ICH = NCHUNK // SSC
NPAD = 10240
RPS = NPAD // NS


def _make_sc_agg(with_counts: bool):
    mesh = plsc.VectorSubcoreMesh(core_axis_name="c", subcore_axis_name="s")
    out_type = [jax.ShapeDtypeStruct((NC, NPAD, D), jnp.float32)]
    scratch = [
        pltpu.VMEM_SHARED((NPAD, D), jnp.float32),
        pltpu.VMEM((ICH, C), jnp.int32),
        pltpu.VMEM((ICH, C), jnp.int32),
        pltpu.VMEM((C, D), jnp.float32),
        pltpu.VMEM((C, D), jnp.float32),
        pltpu.VMEM((C, D), jnp.float32),
        pltpu.SemaphoreType.DMA,
        pltpu.SemaphoreType.DMA,
        pltpu.SemaphoreType.DMA,
        pltpu.SemaphoreType.DMA,
        pltpu.SemaphoreType.DMA,
        pltpu.SemaphoreType.DMA,
    ]
    if with_counts:
        out_type.append(jax.ShapeDtypeStruct((NW, NPAD), jnp.float32))
        scratch.append(pltpu.VMEM((NPAD,), jnp.float32))

    @functools.partial(pl.kernel, mesh=mesh, out_type=out_type,
                       scratch_types=scratch,
                       compiler_params=pltpu.CompilerParams(
                           needs_layout_passes=False))
    def sc_agg(*refs):
        if with_counts:
            (h_hbm, srcr, dstr, zrow,
             out_hbm, cnt_hbm, accum, srcv, dstv,
             rows0, rows1, rows2, sg0, sg1, sg2, ss0, ss1, ss2, cntloc) = refs
        else:
            (h_hbm, srcr, dstr, zrow,
             out_hbm, accum, srcv, dstv,
             rows0, rows1, rows2, sg0, sg1, sg2, ss0, ss1, ss2) = refs
        bufs = [(rows0, sg0, ss0), (rows1, sg1, ss1), (rows2, sg2, ss2)]
        c = lax.axis_index("c")
        s = lax.axis_index("s")
        wid = s * NC + c


        def hist(i):
            if with_counts:
                for j in range(C // L):
                    idx = dstv[i, pl.ds(j * L, L)]
                    cnts, last = plsc.scan_count(idx)
                    plsc.addupdate_scatter(
                        cntloc, [idx], cnts.astype(jnp.float32), mask=last)

        def gather(i, b):
            rows, sg, _ = bufs[b]
            pltpu.async_copy(h_hbm.at[srcv.at[i]], rows, sg)

        def wait_gather(i, b):
            rows, sg, _ = bufs[b]
            pltpu.make_async_copy(h_hbm.at[srcv.at[i]], rows, sg).wait()

        def scatter(i, b):
            rows, _, ss = bufs[b]
            pltpu.async_copy(rows, accum.at[dstv.at[i]], ss, add=True)

        def wait_scatter(i, b):
            rows, _, ss = bufs[b]
            pltpu.make_async_copy(rows, accum.at[dstv.at[i]], ss).wait()

        pltpu.sync_copy(zrow.at[pl.ds(s * RPS, RPS)], accum.at[pl.ds(s * RPS, RPS)])
        if with_counts:
            def zc(i, carry):
                cntloc[pl.ds(i * L, L)] = jnp.zeros((L,), jnp.float32)
                return carry
            lax.fori_loop(0, NPAD // L, zc, 0)
        plsc.subcore_barrier()

        assert (ICH - 4) % 3 == 0
        M = (ICH - 4) // 3

        def step(c, t):
            wait_scatter(c - 1, (t + 2) % 3)
            gather(c + 2, (t + 2) % 3)
            hist(c)
            wait_gather(c, t)
            scatter(c, t)

        def triple(k, carry):
            c0 = k * 3 + 1
            for t in range(3):
                step(c0 + t, (t + 1) % 3)
            return carry

        def outer(o, carry):
            pltpu.sync_copy(srcr.at[wid, o], srcv)
            pltpu.sync_copy(dstr.at[wid, o], dstv)
            gather(0, 0)
            gather(1, 1)
            gather(2, 2)
            hist(0)
            wait_gather(0, 0)
            scatter(0, 0)
            lax.fori_loop(0, M, triple, 0)
            for c in range(3 * M + 1, ICH):
                t = c % 3
                wait_scatter(c - 1, (t + 2) % 3)
                if c + 2 < ICH:
                    gather(c + 2, (c + 2) % 3)
                hist(c)
                wait_gather(c, t)
                scatter(c, t)
            wait_scatter(ICH - 1, (ICH - 1) % 3)
            return carry

        lax.fori_loop(0, SSC, outer, 0)
        plsc.subcore_barrier()

        pltpu.sync_copy(accum.at[pl.ds(s * RPS, RPS)],
                        out_hbm.at[c, pl.ds(s * RPS, RPS)])
        if with_counts:
            pltpu.sync_copy(cntloc, cnt_hbm.at[wid])

    return sc_agg


_sc_agg_l1 = _make_sc_agg(True)
_sc_agg_l2 = _make_sc_agg(False)

BLK = 2000


def _tc_pre_body(h_ref, wr_ref, b_ref, out_ref):
    out_ref[...] = (jnp.dot(h_ref[...], wr_ref[...],
                            preferred_element_type=jnp.float32) + b_ref[...])


def _tc1_body(parts_ref, cnt_ref, pre_ref, wl_ref, out_ref, invc_ref):
    cnt = jnp.sum(cnt_ref[...], axis=1, keepdims=True)
    invc = 1.0 / jnp.maximum(cnt, 1.0)
    mean = (parts_ref[0] + parts_ref[1]) * invc
    acc = (jnp.dot(mean, wl_ref[...], preferred_element_type=jnp.float32)
           + pre_ref[...])
    out_ref[...] = jnp.maximum(acc, 0.0)
    invc_ref[...] = jnp.broadcast_to(invc, (BLK, CW))


def _tc2_body(parts_ref, invc_ref, pre_ref, wl_ref, out_ref):
    invc = invc_ref[:, 0:1]
    mean = (parts_ref[0] + parts_ref[1]) * invc
    acc = (jnp.dot(mean, wl_ref[...], preferred_element_type=jnp.float32)
           + pre_ref[...])
    out_ref[...] = jnp.maximum(acc, 0.0)


def _tc_pre(h, Wr, b):
    return pl.pallas_call(
        _tc_pre_body,
        grid=(N // BLK,),
        in_specs=[
            pl.BlockSpec((BLK, D), lambda i: (i, 0)),
            pl.BlockSpec((D, D), lambda i: (0, 0)),
            pl.BlockSpec((1, D), lambda i: (0, 0)),
        ],
        out_specs=pl.BlockSpec((BLK, D), lambda i: (i, 0)),
        out_shape=jax.ShapeDtypeStruct((N, D), jnp.float32),
    )(h, Wr, b)


def _tc_layer1(parts, cntT, pre, Wl):
    return pl.pallas_call(
        _tc1_body,
        grid=(N // BLK,),
        in_specs=[
            pl.BlockSpec((NC, BLK, D), lambda i: (0, i, 0)),
            pl.BlockSpec((BLK, NW), lambda i: (i, 0)),
            pl.BlockSpec((BLK, D), lambda i: (i, 0)),
            pl.BlockSpec((D, D), lambda i: (0, 0)),
        ],
        out_specs=[
            pl.BlockSpec((BLK, D), lambda i: (i, 0)),
            pl.BlockSpec((BLK, CW), lambda i: (i, 0)),
        ],
        out_shape=[
            jax.ShapeDtypeStruct((N, D), jnp.float32),
            jax.ShapeDtypeStruct((N, CW), jnp.float32),
        ],
    )(parts, cntT, pre, Wl)


def _tc_layer2(parts, invc, pre, Wl):
    return pl.pallas_call(
        _tc2_body,
        grid=(N // BLK,),
        in_specs=[
            pl.BlockSpec((NC, BLK, D), lambda i: (0, i, 0)),
            pl.BlockSpec((BLK, CW), lambda i: (i, 0)),
            pl.BlockSpec((BLK, D), lambda i: (i, 0)),
            pl.BlockSpec((D, D), lambda i: (0, 0)),
        ],
        out_specs=pl.BlockSpec((BLK, D), lambda i: (i, 0)),
        out_shape=jax.ShapeDtypeStruct((N, D), jnp.float32),
    )(parts, invc, pre, Wl)


def kernel(x, adj, W1l, b1, W1r, W2l, b2, W2r):
    src = adj[0].astype(jnp.int32).reshape(NW, SSC, ICH, C)
    dst = adj[1].astype(jnp.int32).reshape(NW, SSC, ICH, C)
    zrow = jnp.zeros((NPAD, D), jnp.float32)

    pre1 = _tc_pre(x, W1r, b1.reshape(1, D))
    parts1, cnt = _sc_agg_l1(x, src, dst, zrow)
    h1, invc = _tc_layer1(parts1, cnt.T, pre1, W1l)
    pre2 = _tc_pre(h1, W2r, b2.reshape(1, D))
    (parts2,) = _sc_agg_l2(h1, src, dst, zrow)
    return _tc_layer2(parts2, invc, pre2, W2l)

# --- scband reference (transcript-rebuilt; emitter-appended) ---
"""Pipeline reference for scband-sage-65120294142416 (READ-ONLY COPY).

The authoritative reference and input builder live on the scoring server;
editing this copy changes nothing except your own understanding.
"""

import jax, jax.numpy as jnp
import numpy as np

N_NODES = 10000
N_EDGES = 320000
D_IN = 128
D_HID = 128


def setup_inputs(seed: int = 0) -> dict:
    key = jax.random.key(seed)
    ks = jax.random.split(key, 8)
    x = jax.random.normal(ks[0], (N_NODES, D_IN), dtype=jnp.float32)
    adj = jax.random.randint(ks[1], (2, N_EDGES), 0, N_NODES, dtype=jnp.int64)
    s1 = 1.0 / np.sqrt(D_IN)
    s2 = 1.0 / np.sqrt(D_HID)
    W1l = jax.random.uniform(ks[2], (D_IN, D_HID), jnp.float32, -s1, s1)
    W1r = jax.random.uniform(ks[3], (D_IN, D_HID), jnp.float32, -s1, s1)
    b1 = jax.random.uniform(ks[4], (D_HID,), jnp.float32, -s1, s1)
    W2l = jax.random.uniform(ks[5], (D_HID, D_HID), jnp.float32, -s2, s2)
    W2r = jax.random.uniform(ks[6], (D_HID, D_HID), jnp.float32, -s2, s2)
    b2 = jax.random.uniform(ks[7], (D_HID,), jnp.float32, -s2, s2)
    return {"x": x, "adj": adj, "W1l": W1l, "b1": b1, "W1r": W1r, "W2l": W2l, "b2": b2, "W2r": W2r}


def _sage_conv(h, src, dst, n_nodes, Wl, b, Wr):
    # mean aggregation of source-node features into destination nodes
    msg = jnp.take(h, src, axis=0)
    agg = jax.ops.segment_sum(msg, dst, num_segments=n_nodes)
    cnt = jax.ops.segment_sum(jnp.ones((src.shape[0],), h.dtype), dst, num_segments=n_nodes)
    mean = agg / jnp.clip(cnt, 1.0, None)[:, None]
    # out = lin_l(mean_neighbors) + lin_r(x)   (PyG SAGEConv, bias on lin_l)
    return mean @ Wl + b + h @ Wr


def reference(x, adj, W1l, b1, W1r, W2l, b2, W2r):
    src = adj[0]
    dst = adj[1]
    n = x.shape[0]
    h = _sage_conv(x, src, dst, n, W1l, b1, W1r)
    h = jax.nn.relu(h)
    # dropout is identity in eval mode
    h = _sage_conv(h, src, dst, n, W2l, b2, W2r)
    return jax.nn.relu(h)

if __name__ == "__main__":
    import jax
    _d = setup_inputs()
    print(jax.jit(kernel)(*tuple(_d.values())))

</pallas_src>

<mosaic_0001>
#map = affine_map<(d0, d1) -> (0, 0)>
#map1 = affine_map<(d0, d1) -> (0, 0, 0, 0)>
#map2 = affine_map<(d0, d1) -> (0, 0, 0)>
module attributes {stable_mosaic.version = 14 : i64} {
  func.func @sc_agg(%arg0: i32, %arg1: i32, %arg2: memref<10000x128xf32, #tpu.memory_space<hbm>>, %arg3: memref<32x5x25x80xi32, #tpu.memory_space<hbm>>, %arg4: memref<32x5x25x80xi32, #tpu.memory_space<hbm>>, %arg5: memref<10240x128xf32, #tpu.memory_space<hbm>>, %arg6: memref<2x10240x128xf32, #tpu.memory_space<hbm>>, %arg7: memref<32x10240xf32, #tpu.memory_space<hbm>>, %arg8: memref<10240x128xf32, #tpu.memory_space<vmem_shared>>, %arg9: memref<25x80xi32, #tpu.memory_space<vmem>>, %arg10: memref<25x80xi32, #tpu.memory_space<vmem>>, %arg11: memref<80x128xf32, #tpu.memory_space<vmem>>, %arg12: memref<80x128xf32, #tpu.memory_space<vmem>>, %arg13: memref<80x128xf32, #tpu.memory_space<vmem>>, %arg14: memref<!tpu.dma_semaphore, #tpu.memory_space<semaphore_mem>>, %arg15: memref<!tpu.dma_semaphore, #tpu.memory_space<semaphore_mem>>, %arg16: memref<!tpu.dma_semaphore, #tpu.memory_space<semaphore_mem>>, %arg17: memref<!tpu.dma_semaphore, #tpu.memory_space<semaphore_mem>>, %arg18: memref<!tpu.dma_semaphore, #tpu.memory_space<semaphore_mem>>, %arg19: memref<!tpu.dma_semaphore, #tpu.memory_space<semaphore_mem>>, %arg20: memref<10240xf32, #tpu.memory_space<vmem>>) attributes {dimension_semantics = [#tpu.dimension_semantics<core_parallel>, #tpu.dimension_semantics<subcore_parallel>], iteration_bounds = array<i64: 2, 16>, scalar_prefetch = 0 : i64, scratch_operands = 13 : i64, tpu.core_type = #tpu.core_type<sc_vector_subcore>, window_params = [{transform_indices = #map}, {transform_indices = #map1}, {transform_indices = #map1}, {transform_indices = #map}, {transform_indices = #map2}, {transform_indices = #map}]} {
    %mul3A = arith.constant 2 : i32
    %mul3A_0 = arith.muli %arg1, %mul3A : i32
    %add3A = arith.addi %mul3A_0, %arg0 : i32
    %mul3A_1 = arith.constant 640 : i32
    %mul3A_2 = arith.muli %arg1, %mul3A_1 : i32
    %mul3A_3 = arith.constant 640 : i32
    %mul3A_4 = arith.muli %arg1, %mul3A_3 : i32
    "tpu.region"() ({
      %run_scoped3A = tpu.sem_alloc : memref<!tpu.dma_semaphore, #tpu.memory_space<semaphore_mem>>
      %dma_start3A = arith.constant 0 : i32
      %dma_start3A_21 = tpu.memref_slice %arg8[%mul3A_4, %dma_start3A] : memref<10240x128xf32, #tpu.memory_space<vmem_shared>> -> memref<640x128xf32, #tpu.memory_space<vmem_shared>>
      %dma_start3A_22 = arith.constant 0 : i32
      %dma_start3A_23 = tpu.memref_slice %arg5[%mul3A_2, %dma_start3A_22] : memref<10240x128xf32, #tpu.memory_space<hbm>> -> memref<640x128xf32, #tpu.memory_space<hbm>>
      tpu.enqueue_dma source(%dma_start3A_23 : memref<640x128xf32, #tpu.memory_space<hbm>>) target(%dma_start3A_21 : memref<640x128xf32, #tpu.memory_space<vmem_shared>>) target_semaphore(%run_scoped3A : memref<!tpu.dma_semaphore, #tpu.memory_space<semaphore_mem>>)
      %dma_wait3A = arith.constant 0 : i32
      %dma_wait3A_24 = tpu.memref_slice %arg8[%mul3A_4, %dma_wait3A] : memref<10240x128xf32, #tpu.memory_space<vmem_shared>> -> memref<640x128xf32, #tpu.memory_space<vmem_shared>>
      %dma_wait3A_25 = arith.constant 0 : i32
      %dma_wait3A_26 = tpu.memref_slice %arg5[%mul3A_2, %dma_wait3A_25] : memref<10240x128xf32, #tpu.memory_space<hbm>> -> memref<640x128xf32, #tpu.memory_space<hbm>>
      tpu.wait_dma2 semaphore(%run_scoped3A : memref<!tpu.dma_semaphore, #tpu.memory_space<semaphore_mem>>) src(%dma_wait3A_26 : memref<640x128xf32, #tpu.memory_space<hbm>>) dst(%dma_wait3A_24 : memref<640x128xf32, #tpu.memory_space<vmem_shared>>)
      tpu.yield
    }) : () -> ()
    %scan3A = arith.constant 0 : i32
    %scan3A_5 = arith.constant 0 : i32
    %scan3A_6 = arith.constant 640 : i32
    %scan3A_7 = arith.addi %scan3A_5, %scan3A_6 : i32
    %scan3A_8 = arith.constant 1 : i32
    scf.for %scan3A_21 = %scan3A_5 to %scan3A_7 step %scan3A_8  : i32 {
      %broadcast_in_dim3A = arith.constant 0.000000e+00 : f32
      %broadcast_in_dim3A_22 = vector.broadcast %broadcast_in_dim3A : f32 to vector<16xf32>
      %mul3A_23 = arith.constant 16 : i32
      %mul3A_24 = arith.muli %scan3A_21, %mul3A_23 : i32
      %swap3A = arith.index_cast %mul3A_24 : i32 to index
      %swap3A_25 = tpu.vector_load %arg20[%swap3A] {strides = array<i32>} : memref<10240xf32, #tpu.memory_space<vmem>>, vector<16xf32>,
      tpu.vector_store %arg20[%swap3A], %broadcast_in_dim3A_22 {strides = array<i32>} : memref<10240xf32, #tpu.memory_space<vmem>>, vector<16xf32>,
    }
    %scan3A_9 = arith.constant 640 : i32
    %barrier3A = arith.constant 0 : index
    tpu.barrier barrier_id(%barrier3A)
    %scan3A_10 = arith.constant 0 : i32
    %scan3A_11 = arith.constant 0 : i32
    %scan3A_12 = arith.constant 5 : i32
    %scan3A_13 = arith.addi %scan3A_11, %scan3A_12 : i32
    %scan3A_14 = arith.constant 1 : i32
    scf.for %scan3A_21 = %scan3A_11 to %scan3A_13 step %scan3A_14  : i32 {
      "tpu.region"() ({
        %run_scoped3A = tpu.sem_alloc : memref<!tpu.dma_semaphore, #tpu.memory_space<semaphore_mem>>
        %dma_start3A_314 = arith.constant 0 : i32
        %dma_start3A_315 = arith.constant 0 : i32
        %dma_start3A_316 = tpu.memref_slice %arg3[%add3A, %scan3A_21, %dma_start3A_314, %dma_start3A_315] : memref<32x5x25x80xi32, #tpu.memory_space<hbm>> -> memref<1x1x25x80xi32, #tpu.memory_space<hbm>>
        %dma_start3A_317 = tpu.memref_squeeze %dma_start3A_316 : memref<1x1x25x80xi32, #tpu.memory_space<hbm>> -> memref<25x80xi32, #tpu.memory_space<hbm>>
        %dma_start3A_318 = arith.constant 0 : i32
        %dma_start3A_319 = arith.constant 0 : i32
        %dma_start3A_320 = tpu.memref_slice %arg3[%add3A, %scan3A_21, %dma_start3A_318, %dma_start3A_319] : memref<32x5x25x80xi32, #tpu.memory_space<hbm>> -> memref<1x1x25x80xi32, #tpu.memory_space<hbm>>
        %dma_start3A_321 = tpu.memref_squeeze %dma_start3A_320 : memref<1x1x25x80xi32, #tpu.memory_space<hbm>> -> memref<25x80xi32, #tpu.memory_space<hbm>>
        tpu.enqueue_dma source(%dma_start3A_321 : memref<25x80xi32, #tpu.memory_space<hbm>>) target(%arg9 : memref<25x80xi32, #tpu.memory_space<vmem>>) target_semaphore(%run_scoped3A : memref<!tpu.dma_semaphore, #tpu.memory_space<semaphore_mem>>)
        %dma_wait3A_322 = arith.constant 0 : i32
        %dma_wait3A_323 = arith.constant 0 : i32
        %dma_wait3A_324 = tpu.memref_slice %arg3[%add3A, %scan3A_21, %dma_wait3A_322, %dma_wait3A_323] : memref<32x5x25x80xi32, #tpu.memory_space<hbm>> -> memref<1x1x25x80xi32, #tpu.memory_space<hbm>>
        %dma_wait3A_325 = tpu.memref_squeeze %dma_wait3A_324 : memref<1x1x25x80xi32, #tpu.memory_space<hbm>> -> memref<25x80xi32, #tpu.memory_space<hbm>>
        %dma_wait3A_326 = arith.constant 0 : i32
        %dma_wait3A_327 = arith.constant 0 : i32
        %dma_wait3A_328 = tpu.memref_slice %arg3[%add3A, %scan3A_21, %dma_wait3A_326, %dma_wait3A_327] : memref<32x5x25x80xi32, #tpu.memory_space<hbm>> -> memref<1x1x25x80xi32, #tpu.memory_space<hbm>>
        %dma_wait3A_329 = tpu.memref_squeeze %dma_wait3A_328 : memref<1x1x25x80xi32, #tpu.memory_space<hbm>> -> memref<25x80xi32, #tpu.memory_space<hbm>>
        tpu.wait_dma2 semaphore(%run_scoped3A : memref<!tpu.dma_semaphore, #tpu.memory_space<semaphore_mem>>) src(%dma_wait3A_329 : memref<25x80xi32, #tpu.memory_space<hbm>>) dst(%arg9 : memref<25x80xi32, #tpu.memory_space<vmem>>)
        tpu.yield
      }) : () -> ()
      "tpu.region"() ({
        %run_scoped3A = tpu.sem_alloc : memref<!tpu.dma_semaphore, #tpu.memory_space<semaphore_mem>>
        %dma_start3A_314 = arith.constant 0 : i32
        %dma_start3A_315 = arith.constant 0 : i32
        %dma_start3A_316 = tpu.memref_slice %arg4[%add3A, %scan3A_21, %dma_start3A_314, %dma_start3A_315] : memref<32x5x25x80xi32, #tpu.memory_space<hbm>> -> memref<1x1x25x80xi32, #tpu.memory_space<hbm>>
        %dma_start3A_317 = tpu.memref_squeeze %dma_start3A_316 : memref<1x1x25x80xi32, #tpu.memory_space<hbm>> -> memref<25x80xi32, #tpu.memory_space<hbm>>
        %dma_start3A_318 = arith.constant 0 : i32
        %dma_start3A_319 = arith.constant 0 : i32
        %dma_start3A_320 = tpu.memref_slice %arg4[%add3A, %scan3A_21, %dma_start3A_318, %dma_start3A_319] : memref<32x5x25x80xi32, #tpu.memory_space<hbm>> -> memref<1x1x25x80xi32, #tpu.memory_space<hbm>>
        %dma_start3A_321 = tpu.memref_squeeze %dma_start3A_320 : memref<1x1x25x80xi32, #tpu.memory_space<hbm>> -> memref<25x80xi32, #tpu.memory_space<hbm>>
        tpu.enqueue_dma source(%dma_start3A_321 : memref<25x80xi32, #tpu.memory_space<hbm>>) target(%arg10 : memref<25x80xi32, #tpu.memory_space<vmem>>) target_semaphore(%run_scoped3A : memref<!tpu.dma_semaphore, #tpu.memory_space<semaphore_mem>>)
        %dma_wait3A_322 = arith.constant 0 : i32
        %dma_wait3A_323 = arith.constant 0 : i32
        %dma_wait3A_324 = tpu.memref_slice %arg4[%add3A, %scan3A_21, %dma_wait3A_322, %dma_wait3A_323] : memref<32x5x25x80xi32, #tpu.memory_space<hbm>> -> memref<1x1x25x80xi32, #tpu.memory_space<hbm>>
        %dma_wait3A_325 = tpu.memref_squeeze %dma_wait3A_324 : memref<1x1x25x80xi32, #tpu.memory_space<hbm>> -> memref<25x80xi32, #tpu.memory_space<hbm>>
        %dma_wait3A_326 = arith.constant 0 : i32
        %dma_wait3A_327 = arith.constant 0 : i32
        %dma_wait3A_328 = tpu.memref_slice %arg4[%add3A, %scan3A_21, %dma_wait3A_326, %dma_wait3A_327] : memref<32x5x25x80xi32, #tpu.memory_space<hbm>> -> memref<1x1x25x80xi32, #tpu.memory_space<hbm>>
        %dma_wait3A_329 = tpu.memref_squeeze %dma_wait3A_328 : memref<1x1x25x80xi32, #tpu.memory_space<hbm>> -> memref<25x80xi32, #tpu.memory_space<hbm>>
        tpu.wait_dma2 semaphore(%run_scoped3A : memref<!tpu.dma_semaphore, #tpu.memory_space<semaphore_mem>>) src(%dma_wait3A_329 : memref<25x80xi32, #tpu.memory_space<hbm>>) dst(%arg10 : memref<25x80xi32, #tpu.memory_space<vmem>>)
        tpu.yield
      }) : () -> ()
      %dma_start3A = arith.constant 0 : i32
      %dma_start3A_22 = arith.constant 0 : i32
      %dma_start3A_23 = tpu.memref_slice %arg9[%dma_start3A, %dma_start3A_22] : memref<25x80xi32, #tpu.memory_space<vmem>> -> memref<1x80xi32, #tpu.memory_space<vmem>>
      %dma_start3A_24 = tpu.memref_squeeze %dma_start3A_23 : memref<1x80xi32, #tpu.memory_space<vmem>> -> memref<80xi32, #tpu.memory_space<vmem>>
      %dma_start3A_25 = arith.constant 0 : i32
      %dma_start3A_26 = arith.constant 0 : i32
      %dma_start3A_27 = tpu.memref_slice %arg2[%dma_start3A_25, %dma_start3A_26] : memref<10000x128xf32, #tpu.memory_space<hbm>> -> memref<10000x128xf32, #tpu.memory_space<hbm>>
      tpu.enqueue_indirect_dma source(%dma_start3A_27 : memref<10000x128xf32, #tpu.memory_space<hbm>>) target(%arg11 : memref<80x128xf32, #tpu.memory_space<vmem>>) offsets(%dma_start3A_24 : memref<80xi32, #tpu.memory_space<vmem>>) semaphore(%arg14 : memref<!tpu.dma_semaphore, #tpu.memory_space<semaphore_mem>>)
      %dma_start3A_28 = arith.constant 1 : i32
      %dma_start3A_29 = arith.constant 0 : i32
      %dma_start3A_30 = tpu.memref_slice %arg9[%dma_start3A_28, %dma_start3A_29] : memref<25x80xi32, #tpu.memory_space<vmem>> -> memref<1x80xi32, #tpu.memory_space<vmem>>
      %dma_start3A_31 = tpu.memref_squeeze %dma_start3A_30 : memref<1x80xi32, #tpu.memory_space<vmem>> -> memref<80xi32, #tpu.memory_space<vmem>>
      %dma_start3A_32 = arith.constant 0 : i32
      %dma_start3A_33 = arith.constant 0 : i32
      %dma_start3A_34 = tpu.memref_slice %arg2[%dma_start3A_32, %dma_start3A_33] : memref<10000x128xf32, #tpu.memory_space<hbm>> -> memref<10000x128xf32, #tpu.memory_space<hbm>>
      tpu.enqueue_indirect_dma source(%dma_start3A_34 : memref<10000x128xf32, #tpu.memory_space<hbm>>) target(%arg12 : memref<80x128xf32, #tpu.memory_space<vmem>>) offsets(%dma_start3A_31 : memref<80xi32, #tpu.memory_space<vmem>>) semaphore(%arg15 : memref<!tpu.dma_semaphore, #tpu.memory_space<semaphore_mem>>)
      %dma_start3A_35 = arith.constant 2 : i32
      %dma_start3A_36 = arith.constant 0 : i32
      %dma_start3A_37 = tpu.memref_slice %arg9[%dma_start3A_35, %dma_start3A_36] : memref<25x80xi32, #tpu.memory_space<vmem>> -> memref<1x80xi32, #tpu.memory_space<vmem>>
      %dma_start3A_38 = tpu.memref_squeeze %dma_start3A_37 : memref<1x80xi32, #tpu.memory_space<vmem>> -> memref<80xi32, #tpu.memory_space<vmem>>
      %dma_start3A_39 = arith.constant 0 : i32
      %dma_start3A_40 = arith.constant 0 : i32
      %dma_start3A_41 = tpu.memref_slice %arg2[%dma_start3A_39, %dma_start3A_40] : memref<10000x128xf32, #tpu.memory_space<hbm>> -> memref<10000x128xf32, #tpu.memory_space<hbm>>
      tpu.enqueue_indirect_dma source(%dma_start3A_41 : memref<10000x128xf32, #tpu.memory_space<hbm>>) target(%arg13 : memref<80x128xf32, #tpu.memory_space<vmem>>) offsets(%dma_start3A_38 : memref<80xi32, #tpu.memory_space<vmem>>) semaphore(%arg16 : memref<!tpu.dma_semaphore, #tpu.memory_space<semaphore_mem>>)
      %get3A = arith.constant 0 : i32
      %get3A_42 = arith.index_cast %get3A : i32 to index
      %get3A_43 = arith.constant 0 : index
      %get3A_44 = tpu.vector_load %arg10[%get3A_42, %get3A_43] {strides = array<i32>} : memref<25x80xi32, #tpu.memory_space<vmem>>, vector<16xi32>,
      %broadcast_in_dim3A = arith.constant true
      %broadcast_in_dim3A_45 = vector.broadcast %broadcast_in_dim3A : i1 to vector<16xi1>
      %unique3A, %unique3A_46 = tpu.scan_count mask(%broadcast_in_dim3A_45 : vector<16xi1>) value(%get3A_44 : vector<16xi32>) : vector<16xi1>, vector<16xi32>
      %convert_element_type3A = arith.sitofp %unique3A_46 : vector<16xi32> to vector<16xf32>
      tpu.vector_store_idx %arg20[%get3A_44], %convert_element_type3A masked %unique3A {add = true} : memref<10240xf32, #tpu.memory_space<vmem>>[vector<16xi32>], vector<16xf32>, vector<16xi1>
      %get3A_47 = arith.constant 0 : i32
      %get3A_48 = arith.index_cast %get3A_47 : i32 to index
      %get3A_49 = arith.constant 16 : index
      %get3A_50 = tpu.vector_load %arg10[%get3A_48, %get3A_49] {strides = array<i32>} : memref<25x80xi32, #tpu.memory_space<vmem>>, vector<16xi32>,
      %broadcast_in_dim3A_51 = arith.constant true
      %broadcast_in_dim3A_52 = vector.broadcast %broadcast_in_dim3A_51 : i1 to vector<16xi1>
      %unique3A_53, %unique3A_54 = tpu.scan_count mask(%broadcast_in_dim3A_52 : vector<16xi1>) value(%get3A_50 : vector<16xi32>) : vector<16xi1>, vector<16xi32>
      %convert_element_type3A_55 = arith.sitofp %unique3A_54 : vector<16xi32> to vector<16xf32>
      tpu.vector_store_idx %arg20[%get3A_50], %convert_element_type3A_55 masked %unique3A_53 {add = true} : memref<10240xf32, #tpu.memory_space<vmem>>[vector<16xi32>], vector<16xf32>, vector<16xi1>
      %get3A_56 = arith.constant 0 : i32
      %get3A_57 = arith.index_cast %get3A_56 : i32 to index
      %get3A_58 = arith.constant 32 : index
      %get3A_59 = tpu.vector_load %arg10[%get3A_57, %get3A_58] {strides = array<i32>} : memref<25x80xi32, #tpu.memory_space<vmem>>, vector<16xi32>,
      %broadcast_in_dim3A_60 = arith.constant true
      %broadcast_in_dim3A_61 = vector.broadcast %broadcast_in_dim3A_60 : i1 to vector<16xi1>
      %unique3A_62, %unique3A_63 = tpu.scan_count mask(%broadcast_in_dim3A_61 : vector<16xi1>) value(%get3A_59 : vector<16xi32>) : vector<16xi1>, vector<16xi32>
      %convert_element_type3A_64 = arith.sitofp %unique3A_63 : vector<16xi32> to vector<16xf32>
      tpu.vector_store_idx %arg20[%get3A_59], %convert_element_type3A_64 masked %unique3A_62 {add = true} : memref<10240xf32, #tpu.memory_space<vmem>>[vector<16xi32>], vector<16xf32>, vector<16xi1>
      %get3A_65 = arith.constant 0 : i32
      %get3A_66 = arith.index_cast %get3A_65 : i32 to index
      %get3A_67 = arith.constant 48 : index
      %get3A_68 = tpu.vector_load %arg10[%get3A_66, %get3A_67] {strides = array<i32>} : memref<25x80xi32, #tpu.memory_space<vmem>>, vector<16xi32>,
      %broadcast_in_dim3A_69 = arith.constant true
      %broadcast_in_dim3A_70 = vector.broadcast %broadcast_in_dim3A_69 : i1 to vector<16xi1>
      %unique3A_71, %unique3A_72 = tpu.scan_count mask(%broadcast_in_dim3A_70 : vector<16xi1>) value(%get3A_68 : vector<16xi32>) : vector<16xi1>, vector<16xi32>
      %convert_element_type3A_73 = arith.sitofp %unique3A_72 : vector<16xi32> to vector<16xf32>
      tpu.vector_store_idx %arg20[%get3A_68], %convert_element_type3A_73 masked %unique3A_71 {add = true} : memref<10240xf32, #tpu.memory_space<vmem>>[vector<16xi32>], vector<16xf32>, vector<16xi1>
      %get3A_74 = arith.constant 0 : i32
      %get3A_75 = arith.index_cast %get3A_74 : i32 to index
      %get3A_76 = arith.constant 64 : index
      %get3A_77 = tpu.vector_load %arg10[%get3A_75, %get3A_76] {strides = array<i32>} : memref<25x80xi32, #tpu.memory_space<vmem>>, vector<16xi32>,
      %broadcast_in_dim3A_78 = arith.constant true
      %broadcast_in_dim3A_79 = vector.broadcast %broadcast_in_dim3A_78 : i1 to vector<16xi1>
      %unique3A_80, %unique3A_81 = tpu.scan_count mask(%broadcast_in_dim3A_79 : vector<16xi1>) value(%get3A_77 : vector<16xi32>) : vector<16xi1>, vector<16xi32>
      %convert_element_type3A_82 = arith.sitofp %unique3A_81 : vector<16xi32> to vector<16xf32>
      tpu.vector_store_idx %arg20[%get3A_77], %convert_element_type3A_82 masked %unique3A_80 {add = true} : memref<10240xf32, #tpu.memory_space<vmem>>[vector<16xi32>], vector<16xf32>, vector<16xi1>
      %dma_wait3A = arith.constant 0 : i32
      %dma_wait3A_83 = arith.constant 0 : i32
      %dma_wait3A_84 = tpu.memref_slice %arg9[%dma_wait3A, %dma_wait3A_83] : memref<25x80xi32, #tpu.memory_space<vmem>> -> memref<1x80xi32, #tpu.memory_space<vmem>>
      %dma_wait3A_85 = tpu.memref_squeeze %dma_wait3A_84 : memref<1x80xi32, #tpu.memory_space<vmem>> -> memref<80xi32, #tpu.memory_space<vmem>>
      %dma_wait3A_86 = arith.constant 0 : i32
      %dma_wait3A_87 = arith.constant 0 : i32
      %dma_wait3A_88 = tpu.memref_slice %arg2[%dma_wait3A_86, %dma_wait3A_87] : memref<10000x128xf32, #tpu.memory_space<hbm>> -> memref<10000x128xf32, #tpu.memory_space<hbm>>
      tpu.wait_indirect_dma semaphore(%arg14 : memref<!tpu.dma_semaphore, #tpu.memory_space<semaphore_mem>>) src(%dma_wait3A_88 : memref<10000x128xf32, #tpu.memory_space<hbm>>) dst(%arg11 : memref<80x128xf32, #tpu.memory_space<vmem>>)
      %dma_start3A_89 = arith.constant 0 : i32
      %dma_start3A_90 = arith.constant 0 : i32
      %dma_start3A_91 = tpu.memref_slice %arg10[%dma_start3A_89, %dma_start3A_90] : memref<25x80xi32, #tpu.memory_space<vmem>> -> memref<1x80xi32, #tpu.memory_space<vmem>>
      %dma_start3A_92 = tpu.memref_squeeze %dma_start3A_91 : memref<1x80xi32, #tpu.memory_space<vmem>> -> memref<80xi32, #tpu.memory_space<vmem>>
      %dma_start3A_93 = arith.constant 0 : i32
      %dma_start3A_94 = arith.constant 0 : i32
      %dma_start3A_95 = tpu.memref_slice %arg8[%dma_start3A_93, %dma_start3A_94] : memref<10240x128xf32, #tpu.memory_space<vmem_shared>> -> memref<10240x128xf32, #tpu.memory_space<vmem_shared>>
      tpu.enqueue_indirect_dma source(%arg11 : memref<80x128xf32, #tpu.memory_space<vmem>>) target(%dma_start3A_95 : memref<10240x128xf32, #tpu.memory_space<vmem_shared>>) offsets(%dma_start3A_92 : memref<80xi32, #tpu.memory_space<vmem>>) semaphore(%arg17 : memref<!tpu.dma_semaphore, #tpu.memory_space<semaphore_mem>>) {add = true}
      %scan3A_96 = arith.constant 0 : i32
      %scan3A_97 = arith.constant 0 : i32
      %scan3A_98 = arith.constant 7 : i32
      %scan3A_99 = arith.addi %scan3A_97, %scan3A_98 : i32
      %scan3A_100 = arith.constant 1 : i32
      scf.for %scan3A_314 = %scan3A_97 to %scan3A_99 step %scan3A_100  : i32 {
        %mul3A_315 = arith.constant 3 : i32
        %mul3A_316 = arith.muli %scan3A_314, %mul3A_315 : i32
        %add3A_317 = arith.constant 1 : i32
        %add3A_318 = arith.addi %mul3A_316, %add3A_317 : i32
        %add3A_319 = arith.constant 0 : i32
        %add3A_320 = arith.addi %add3A_318, %add3A_319 : i32
        %sub3A = arith.constant 1 : i32
        %sub3A_321 = arith.subi %add3A_320, %sub3A : i32
        %dma_wait3A_322 = arith.constant 0 : i32
        %dma_wait3A_323 = tpu.memref_slice %arg10[%sub3A_321, %dma_wait3A_322] : memref<25x80xi32, #tpu.memory_space<vmem>> -> memref<1x80xi32, #tpu.memory_space<vmem>>
        %dma_wait3A_324 = tpu.memref_squeeze %dma_wait3A_323 : memref<1x80xi32, #tpu.memory_space<vmem>> -> memref<80xi32, #tpu.memory_space<vmem>>
        %dma_wait3A_325 = arith.constant 0 : i32
        %dma_wait3A_326 = arith.constant 0 : i32
        %dma_wait3A_327 = tpu.memref_slice %arg8[%dma_wait3A_325, %dma_wait3A_326] : memref<10240x128xf32, #tpu.memory_space<vmem_shared>> -> memref<10240x128xf32, #tpu.memory_space<vmem_shared>>
        tpu.wait_indirect_dma semaphore(%arg17 : memref<!tpu.dma_semaphore, #tpu.memory_space<semaphore_mem>>) src(%arg11 : memref<80x128xf32, #tpu.memory_space<vmem>>) dst(%dma_wait3A_327 : memref<10240x128xf32, #tpu.memory_space<vmem_shared>>)
        %add3A_328 = arith.constant 2 : i32
        %add3A_329 = arith.addi %add3A_320, %add3A_328 : i32
        %dma_start3A_330 = arith.constant 0 : i32
        %dma_start3A_331 = tpu.memref_slice %arg9[%add3A_329, %dma_start3A_330] : memref<25x80xi32, #tpu.memory_space<vmem>> -> memref<1x80xi32, #tpu.memory_space<vmem>>
        %dma_start3A_332 = tpu.memref_squeeze %dma_start3A_331 : memref<1x80xi32, #tpu.memory_space<vmem>> -> memref<80xi32, #tpu.memory_space<vmem>>
        %dma_start3A_333 = arith.constant 0 : i32
        %dma_start3A_334 = arith.constant 0 : i32
        %dma_start3A_335 = tpu.memref_slice %arg2[%dma_start3A_333, %dma_start3A_334] : memref<10000x128xf32, #tpu.memory_space<hbm>> -> memref<10000x128xf32, #tpu.memory_space<hbm>>
        tpu.enqueue_indirect_dma source(%dma_start3A_335 : memref<10000x128xf32, #tpu.memory_space<hbm>>) target(%arg11 : memref<80x128xf32, #tpu.memory_space<vmem>>) offsets(%dma_start3A_332 : memref<80xi32, #tpu.memory_space<vmem>>) semaphore(%arg14 : memref<!tpu.dma_semaphore, #tpu.memory_space<semaphore_mem>>)
        %get3A_336 = arith.index_cast %add3A_320 : i32 to index
        %get3A_337 = arith.constant 0 : index
        %get3A_338 = tpu.vector_load %arg10[%get3A_336, %get3A_337] {strides = array<i32>} : memref<25x80xi32, #tpu.memory_space<vmem>>, vector<16xi32>,
        %broadcast_in_dim3A_339 = arith.constant true
        %broadcast_in_dim3A_340 = vector.broadcast %broadcast_in_dim3A_339 : i1 to vector<16xi1>
        %unique3A_341, %unique3A_342 = tpu.scan_count mask(%broadcast_in_dim3A_340 : vector<16xi1>) value(%get3A_338 : vector<16xi32>) : vector<16xi1>, vector<16xi32>
        %convert_element_type3A_343 = arith.sitofp %unique3A_342 : vector<16xi32> to vector<16xf32>
        tpu.vector_store_idx %arg20[%get3A_338], %convert_element_type3A_343 masked %unique3A_341 {add = true} : memref<10240xf32, #tpu.memory_space<vmem>>[vector<16xi32>], vector<16xf32>, vector<16xi1>
        %get3A_344 = arith.index_cast %add3A_320 : i32 to index
        %get3A_345 = arith.constant 16 : index
        %get3A_346 = tpu.vector_load %arg10[%get3A_344, %get3A_345] {strides = array<i32>} : memref<25x80xi32, #tpu.memory_space<vmem>>, vector<16xi32>,
        %broadcast_in_dim3A_347 = arith.constant true
        %broadcast_in_dim3A_348 = vector.broadcast %broadcast_in_dim3A_347 : i1 to vector<16xi1>
        %unique3A_349, %unique3A_350 = tpu.scan_count mask(%broadcast_in_dim3A_348 : vector<16xi1>) value(%get3A_346 : vector<16xi32>) : vector<16xi1>, vector<16xi32>
        %convert_element_type3A_351 = arith.sitofp %unique3A_350 : vector<16xi32> to vector<16xf32>
        tpu.vector_store_idx %arg20[%get3A_346], %convert_element_type3A_351 masked %unique3A_349 {add = true} : memref<10240xf32, #tpu.memory_space<vmem>>[vector<16xi32>], vector<16xf32>, vector<16xi1>
        %get3A_352 = arith.index_cast %add3A_320 : i32 to index
        %get3A_353 = arith.constant 32 : index
        %get3A_354 = tpu.vector_load %arg10[%get3A_352, %get3A_353] {strides = array<i32>} : memref<25x80xi32, #tpu.memory_space<vmem>>, vector<16xi32>,
        %broadcast_in_dim3A_355 = arith.constant true
        %broadcast_in_dim3A_356 = vector.broadcast %broadcast_in_dim3A_355 : i1 to vector<16xi1>
        %unique3A_357, %unique3A_358 = tpu.scan_count mask(%broadcast_in_dim3A_356 : vector<16xi1>) value(%get3A_354 : vector<16xi32>) : vector<16xi1>, vector<16xi32>
        %convert_element_type3A_359 = arith.sitofp %unique3A_358 : vector<16xi32> to vector<16xf32>
        tpu.vector_store_idx %arg20[%get3A_354], %convert_element_type3A_359 masked %unique3A_357 {add = true} : memref<10240xf32, #tpu.memory_space<vmem>>[vector<16xi32>], vector<16xf32>, vector<16xi1>
        %get3A_360 = arith.index_cast %add3A_320 : i32 to index
        %get3A_361 = arith.constant 48 : index
        %get3A_362 = tpu.vector_load %arg10[%get3A_360, %get3A_361] {strides = array<i32>} : memref<25x80xi32, #tpu.memory_space<vmem>>, vector<16xi32>,
        %broadcast_in_dim3A_363 = arith.constant true
        %broadcast_in_dim3A_364 = vector.broadcast %broadcast_in_dim3A_363 : i1 to vector<16xi1>
        %unique3A_365, %unique3A_366 = tpu.scan_count mask(%broadcast_in_dim3A_364 : vector<16xi1>) value(%get3A_362 : vector<16xi32>) : vector<16xi1>, vector<16xi32>
        %convert_element_type3A_367 = arith.sitofp %unique3A_366 : vector<16xi32> to vector<16xf32>
        tpu.vector_store_idx %arg20[%get3A_362], %convert_element_type3A_367 masked %unique3A_365 {add = true} : memref<10240xf32, #tpu.memory_space<vmem>>[vector<16xi32>], vector<16xf32>, vector<16xi1>
        %get3A_368 = arith.index_cast %add3A_320 : i32 to index
        %get3A_369 = arith.constant 64 : index
        %get3A_370 = tpu.vector_load %arg10[%get3A_368, %get3A_369] {strides = array<i32>} : memref<25x80xi32, #tpu.memory_space<vmem>>, vector<16xi32>,
        %broadcast_in_dim3A_371 = arith.constant true
        %broadcast_in_dim3A_372 = vector.broadcast %broadcast_in_dim3A_371 : i1 to vector<16xi1>
        %unique3A_373, %unique3A_374 = tpu.scan_count mask(%broadcast_in_dim3A_372 : vector<16xi1>) value(%get3A_370 : vector<16xi32>) : vector<16xi1>, vector<16xi32>
        %convert_element_type3A_375 = arith.sitofp %unique3A_374 : vector<16xi32> to vector<16xf32>
        tpu.vector_store_idx %arg20[%get3A_370], %convert_element_type3A_375 masked %unique3A_373 {add = true} : memref<10240xf32, #tpu.memory_space<vmem>>[vector<16xi32>], vector<16xf32>, vector<16xi1>
        %dma_wait3A_376 = arith.constant 0 : i32
        %dma_wait3A_377 = tpu.memref_slice %arg9[%add3A_320, %dma_wait3A_376] : memref<25x80xi32, #tpu.memory_space<vmem>> -> memref<1x80xi32, #tpu.memory_space<vmem>>
        %dma_wait3A_378 = tpu.memref_squeeze %dma_wait3A_377 : memref<1x80xi32, #tpu.memory_space<vmem>> -> memref<80xi32, #tpu.memory_space<vmem>>
        %dma_wait3A_379 = arith.constant 0 : i32
        %dma_wait3A_380 = arith.constant 0 : i32
        %dma_wait3A_381 = tpu.memref_slice %arg2[%dma_wait3A_379, %dma_wait3A_380] : memref<10000x128xf32, #tpu.memory_space<hbm>> -> memref<10000x128xf32, #tpu.memory_space<hbm>>
        tpu.wait_indirect_dma semaphore(%arg15 : memref<!tpu.dma_semaphore, #tpu.memory_space<semaphore_mem>>) src(%dma_wait3A_381 : memref<10000x128xf32, #tpu.memory_space<hbm>>) dst(%arg12 : memref<80x128xf32, #tpu.memory_space<vmem>>)
        %dma_start3A_382 = arith.constant 0 : i32
        %dma_start3A_383 = tpu.memref_slice %arg10[%add3A_320, %dma_start3A_382] : memref<25x80xi32, #tpu.memory_space<vmem>> -> memref<1x80xi32, #tpu.memory_space<vmem>>
        %dma_start3A_384 = tpu.memref_squeeze %dma_start3A_383 : memref<1x80xi32, #tpu.memory_space<vmem>> -> memref<80xi32, #tpu.memory_space<vmem>>
        %dma_start3A_385 = arith.constant 0 : i32
        %dma_start3A_386 = arith.constant 0 : i32
        %dma_start3A_387 = tpu.memref_slice %arg8[%dma_start3A_385, %dma_start3A_386] : memref<10240x128xf32, #tpu.memory_space<vmem_shared>> -> memref<10240x128xf32, #tpu.memory_space<vmem_shared>>
        tpu.enqueue_indirect_dma source(%arg12 : memref<80x128xf32, #tpu.memory_space<vmem>>) target(%dma_start3A_387 : memref<10240x128xf32, #tpu.memory_space<vmem_shared>>) offsets(%dma_start3A_384 : memref<80xi32, #tpu.memory_space<vmem>>) semaphore(%arg18 : memref<!tpu.dma_semaphore, #tpu.memory_space<semaphore_mem>>) {add = true}
        %add3A_388 = arith.constant 1 : i32
        %add3A_389 = arith.addi %add3A_318, %add3A_388 : i32
        %sub3A_390 = arith.constant 1 : i32
        %sub3A_391 = arith.subi %add3A_389, %sub3A_390 : i32
        %dma_wait3A_392 = arith.constant 0 : i32
        %dma_wait3A_393 = tpu.memref_slice %arg10[%sub3A_391, %dma_wait3A_392] : memref<25x80xi32, #tpu.memory_space<vmem>> -> memref<1x80xi32, #tpu.memory_space<vmem>>
        %dma_wait3A_394 = tpu.memref_squeeze %dma_wait3A_393 : memref<1x80xi32, #tpu.memory_space<vmem>> -> memref<80xi32, #tpu.memory_space<vmem>>
        %dma_wait3A_395 = arith.constant 0 : i32
        %dma_wait3A_396 = arith.constant 0 : i32
        %dma_wait3A_397 = tpu.memref_slice %arg8[%dma_wait3A_395, %dma_wait3A_396] : memref<10240x128xf32, #tpu.memory_space<vmem_shared>> -> memref<10240x128xf32, #tpu.memory_space<vmem_shared>>
        tpu.wait_indirect_dma semaphore(%arg18 : memref<!tpu.dma_semaphore, #tpu.memory_space<semaphore_mem>>) src(%arg12 : memref<80x128xf32, #tpu.memory_space<vmem>>) dst(%dma_wait3A_397 : memref<10240x128xf32, #tpu.memory_space<vmem_shared>>)
        %add3A_398 = arith.constant 2 : i32
        %add3A_399 = arith.addi %add3A_389, %add3A_398 : i32
        %dma_start3A_400 = arith.constant 0 : i32
        %dma_start3A_401 = tpu.memref_slice %arg9[%add3A_399, %dma_start3A_400] : memref<25x80xi32, #tpu.memory_space<vmem>> -> memref<1x80xi32, #tpu.memory_space<vmem>>
        %dma_start3A_402 = tpu.memref_squeeze %dma_start3A_401 : memref<1x80xi32, #tpu.memory_space<vmem>> -> memref<80xi32, #tpu.memory_space<vmem>>
        %dma_start3A_403 = arith.constant 0 : i32
        %dma_start3A_404 = arith.constant 0 : i32
        %dma_start3A_405 = tpu.memref_slice %arg2[%dma_start3A_403, %dma_start3A_404] : memref<10000x128xf32, #tpu.memory_space<hbm>> -> memref<10000x128xf32, #tpu.memory_space<hbm>>
        tpu.enqueue_indirect_dma source(%dma_start3A_405 : memref<10000x128xf32, #tpu.memory_space<hbm>>) target(%arg12 : memref<80x128xf32, #tpu.memory_space<vmem>>) offsets(%dma_start3A_402 : memref<80xi32, #tpu.memory_space<vmem>>) semaphore(%arg15 : memref<!tpu.dma_semaphore, #tpu.memory_space<semaphore_mem>>)
        %get3A_406 = arith.index_cast %add3A_389 : i32 to index
        %get3A_407 = arith.constant 0 : index
        %get3A_408 = tpu.vector_load %arg10[%get3A_406, %get3A_407] {strides = array<i32>} : memref<25x80xi32, #tpu.memory_space<vmem>>, vector<16xi32>,
        %broadcast_in_dim3A_409 = arith.constant true
        %broadcast_in_dim3A_410 = vector.broadcast %broadcast_in_dim3A_409 : i1 to vector<16xi1>
        %unique3A_411, %unique3A_412 = tpu.scan_count mask(%broadcast_in_dim3A_410 : vector<16xi1>) value(%get3A_408 : vector<16xi32>) : vector<16xi1>, vector<16xi32>
        %convert_element_type3A_413 = arith.sitofp %unique3A_412 : vector<16xi32> to vector<16xf32>
        tpu.vector_store_idx %arg20[%get3A_408], %convert_element_type3A_413 masked %unique3A_411 {add = true} : memref<10240xf32, #tpu.memory_space<vmem>>[vector<16xi32>], vector<16xf32>, vector<16xi1>
        %get3A_414 = arith.index_cast %add3A_389 : i32 to index
        %get3A_415 = arith.constant 16 : index
        %get3A_416 = tpu.vector_load %arg10[%get3A_414, %get3A_415] {strides = array<i32>} : memref<25x80xi32, #tpu.memory_space<vmem>>, vector<16xi32>,
        %broadcast_in_dim3A_417 = arith.constant true
        %broadcast_in_dim3A_418 = vector.broadcast %broadcast_in_dim3A_417 : i1 to vector<16xi1>
        %unique3A_419, %unique3A_420 = tpu.scan_count mask(%broadcast_in_dim3A_418 : vector<16xi1>) value(%get3A_416 : vector<16xi32>) : vector<16xi1>, vector<16xi32>
        %convert_element_type3A_421 = arith.sitofp %unique3A_420 : vector<16xi32> to vector<16xf32>
        tpu.vector_store_idx %arg20[%get3A_416], %convert_element_type3A_421 masked %unique3A_419 {add = true} : memref<10240xf32, #tpu.memory_space<vmem>>[vector<16xi32>], vector<16xf32>, vector<16xi1>
        %get3A_422 = arith.index_cast %add3A_389 : i32 to index
        %get3A_423 = arith.constant 32 : index
        %get3A_424 = tpu.vector_load %arg10[%get3A_422, %get3A_423] {strides = array<i32>} : memref<25x80xi32, #tpu.memory_space<vmem>>, vector<16xi32>,
        %broadcast_in_dim3A_425 = arith.constant true
        %broadcast_in_dim3A_426 = vector.broadcast %broadcast_in_dim3A_425 : i1 to vector<16xi1>
        %unique3A_427, %unique3A_428 = tpu.scan_count mask(%broadcast_in_dim3A_426 : vector<16xi1>) value(%get3A_424 : vector<16xi32>) : vector<16xi1>, vector<16xi32>
        %convert_element_type3A_429 = arith.sitofp %unique3A_428 : vector<16xi32> to vector<16xf32>
        tpu.vector_store_idx %arg20[%get3A_424], %convert_element_type3A_429 masked %unique3A_427 {add = true} : memref<10240xf32, #tpu.memory_space<vmem>>[vector<16xi32>], vector<16xf32>, vector<16xi1>
        %get3A_430 = arith.index_cast %add3A_389 : i32 to index
        %get3A_431 = arith.constant 48 : index
        %get3A_432 = tpu.vector_load %arg10[%get3A_430, %get3A_431] {strides = array<i32>} : memref<25x80xi32, #tpu.memory_space<vmem>>, vector<16xi32>,
        %broadcast_in_dim3A_433 = arith.constant true
        %broadcast_in_dim3A_434 = vector.broadcast %broadcast_in_dim3A_433 : i1 to vector<16xi1>
        %unique3A_435, %unique3A_436 = tpu.scan_count mask(%broadcast_in_dim3A_434 : vector<16xi1>) value(%get3A_432 : vector<16xi32>) : vector<16xi1>, vector<16xi32>
        %convert_element_type3A_437 = arith.sitofp %unique3A_436 : vector<16xi32> to vector<16xf32>
        tpu.vector_store_idx %arg20[%get3A_432], %convert_element_type3A_437 masked %unique3A_435 {add = true} : memref<10240xf32, #tpu.memory_space<vmem>>[vector<16xi32>], vector<16xf32>, vector<16xi1>
        %get3A_438 = arith.index_cast %add3A_389 : i32 to index
        %get3A_439 = arith.constant 64 : index
        %get3A_440 = tpu.vector_load %arg10[%get3A_438, %get3A_439] {strides = array<i32>} : memref<25x80xi32, #tpu.memory_space<vmem>>, vector<16xi32>,
        %broadcast_in_dim3A_441 = arith.constant true
        %broadcast_in_dim3A_442 = vector.broadcast %broadcast_in_dim3A_441 : i1 to vector<16xi1>
        %unique3A_443, %unique3A_444 = tpu.scan_count mask(%broadcast_in_dim3A_442 : vector<16xi1>) value(%get3A_440 : vector<16xi32>) : vector<16xi1>, vector<16xi32>
        %convert_element_type3A_445 = arith.sitofp %unique3A_444 : vector<16xi32> to vector<16xf32>
        tpu.vector_store_idx %arg20[%get3A_440], %convert_element_type3A_445 masked %unique3A_443 {add = true} : memref<10240xf32, #tpu.memory_space<vmem>>[vector<16xi32>], vector<16xf32>, vector<16xi1>
        %dma_wait3A_446 = arith.constant 0 : i32
        %dma_wait3A_447 = tpu.memref_slice %arg9[%add3A_389, %dma_wait3A_446] : memref<25x80xi32, #tpu.memory_space<vmem>> -> memref<1x80xi32, #tpu.memory_space<vmem>>
        %dma_wait3A_448 = tpu.memref_squeeze %dma_wait3A_447 : memref<1x80xi32, #tpu.memory_space<vmem>> -> memref<80xi32, #tpu.memory_space<vmem>>
        %dma_wait3A_449 = arith.constant 0 : i32
        %dma_wait3A_450 = arith.constant 0 : i32
        %dma_wait3A_451 = tpu.memref_slice %arg2[%dma_wait3A_449, %dma_wait3A_450] : memref<10000x128xf32, #tpu.memory_space<hbm>> -> memref<10000x128xf32, #tpu.memory_space<hbm>>
        tpu.wait_indirect_dma semaphore(%arg16 : memref<!tpu.dma_semaphore, #tpu.memory_space<semaphore_mem>>) src(%dma_wait3A_451 : memref<10000x128xf32, #tpu.memory_space<hbm>>) dst(%arg13 : memref<80x128xf32, #tpu.memory_space<vmem>>)
        %dma_start3A_452 = arith.constant 0 : i32
        %dma_start3A_453 = tpu.memref_slice %arg10[%add3A_389, %dma_start3A_452] : memref<25x80xi32, #tpu.memory_space<vmem>> -> memref<1x80xi32, #tpu.memory_space<vmem>>
        %dma_start3A_454 = tpu.memref_squeeze %dma_start3A_453 : memref<1x80xi32, #tpu.memory_space<vmem>> -> memref<80xi32, #tpu.memory_space<vmem>>
        %dma_start3A_455 = arith.constant 0 : i32
        %dma_start3A_456 = arith.constant 0 : i32
        %dma_start3A_457 = tpu.memref_slice %arg8[%dma_start3A_455, %dma_start3A_456] : memref<10240x128xf32, #tpu.memory_space<vmem_shared>> -> memref<10240x128xf32, #tpu.memory_space<vmem_shared>>
        tpu.enqueue_indirect_dma source(%arg13 : memref<80x128xf32, #tpu.memory_space<vmem>>) target(%dma_start3A_457 : memref<10240x128xf32, #tpu.memory_space<vmem_shared>>) offsets(%dma_start3A_454 : memref<80xi32, #tpu.memory_space<vmem>>) semaphore(%arg19 : memref<!tpu.dma_semaphore, #tpu.memory_space<semaphore_mem>>) {add = true}
        %add3A_458 = arith.constant 2 : i32
        %add3A_459 = arith.addi %add3A_318, %add3A_458 : i32
        %sub3A_460 = arith.constant 1 : i32
        %sub3A_461 = arith.subi %add3A_459, %sub3A_460 : i32
        %dma_wait3A_462 = arith.constant 0 : i32
        %dma_wait3A_463 = tpu.memref_slice %arg10[%sub3A_461, %dma_wait3A_462] : memref<25x80xi32, #tpu.memory_space<vmem>> -> memref<1x80xi32, #tpu.memory_space<vmem>>
        %dma_wait3A_464 = tpu.memref_squeeze %dma_wait3A_463 : memref<1x80xi32, #tpu.memory_space<vmem>> -> memref<80xi32, #tpu.memory_space<vmem>>
        %dma_wait3A_465 = arith.constant 0 : i32
        %dma_wait3A_466 = arith.constant 0 : i32
        %dma_wait3A_467 = tpu.memref_slice %arg8[%dma_wait3A_465, %dma_wait3A_466] : memref<10240x128xf32, #tpu.memory_space<vmem_shared>> -> memref<10240x128xf32, #tpu.memory_space<vmem_shared>>
        tpu.wait_indirect_dma semaphore(%arg19 : memref<!tpu.dma_semaphore, #tpu.memory_space<semaphore_mem>>) src(%arg13 : memref<80x128xf32, #tpu.memory_space<vmem>>) dst(%dma_wait3A_467 : memref<10240x128xf32, #tpu.memory_space<vmem_shared>>)
        %add3A_468 = arith.constant 2 : i32
        %add3A_469 = arith.addi %add3A_459, %add3A_468 : i32
        %dma_start3A_470 = arith.constant 0 : i32
        %dma_start3A_471 = tpu.memref_slice %arg9[%add3A_469, %dma_start3A_470] : memref<25x80xi32, #tpu.memory_space<vmem>> -> memref<1x80xi32, #tpu.memory_space<vmem>>
        %dma_start3A_472 = tpu.memref_squeeze %dma_start3A_471 : memref<1x80xi32, #tpu.memory_space<vmem>> -> memref<80xi32, #tpu.memory_space<vmem>>
        %dma_start3A_473 = arith.constant 0 : i32
        %dma_start3A_474 = arith.constant 0 : i32
        %dma_start3A_475 = tpu.memref_slice %arg2[%dma_start3A_473, %dma_start3A_474] : memref<10000x128xf32, #tpu.memory_space<hbm>> -> memref<10000x128xf32, #tpu.memory_space<hbm>>
        tpu.enqueue_indirect_dma source(%dma_start3A_475 : memref<10000x128xf32, #tpu.memory_space<hbm>>) target(%arg13 : memref<80x128xf32, #tpu.memory_space<vmem>>) offsets(%dma_start3A_472 : memref<80xi32, #tpu.memory_space<vmem>>) semaphore(%arg16 : memref<!tpu.dma_semaphore, #tpu.memory_space<semaphore_mem>>)
        %get3A_476 = arith.index_cast %add3A_459 : i32 to index
        %get3A_477 = arith.constant 0 : index
        %get3A_478 = tpu.vector_load %arg10[%get3A_476, %get3A_477] {strides = array<i32>} : memref<25x80xi32, #tpu.memory_space<vmem>>, vector<16xi32>,
        %broadcast_in_dim3A_479 = arith.constant true
        %broadcast_in_dim3A_480 = vector.broadcast %broadcast_in_dim3A_479 : i1 to vector<16xi1>
        %unique3A_481, %unique3A_482 = tpu.scan_count mask(%broadcast_in_dim3A_480 : vector<16xi1>) value(%get3A_478 : vector<16xi32>) : vector<16xi1>, vector<16xi32>
        %convert_element_type3A_483 = arith.sitofp %unique3A_482 : vector<16xi32> to vector<16xf32>
        tpu.vector_store_idx %arg20[%get3A_478], %convert_element_type3A_483 masked %unique3A_481 {add = true} : memref<10240xf32, #tpu.memory_space<vmem>>[vector<16xi32>], vector<16xf32>, vector<16xi1>
        %get3A_484 = arith.index_cast %add3A_459 : i32 to index
        %get3A_485 = arith.constant 16 : index
        %get3A_486 = tpu.vector_load %arg10[%get3A_484, %get3A_485] {strides = array<i32>} : memref<25x80xi32, #tpu.memory_space<vmem>>, vector<16xi32>,
        %broadcast_in_dim3A_487 = arith.constant true
        %broadcast_in_dim3A_488 = vector.broadcast %broadcast_in_dim3A_487 : i1 to vector<16xi1>
        %unique3A_489, %unique3A_490 = tpu.scan_count mask(%broadcast_in_dim3A_488 : vector<16xi1>) value(%get3A_486 : vector<16xi32>) : vector<16xi1>, vector<16xi32>
        %convert_element_type3A_491 = arith.sitofp %unique3A_490 : vector<16xi32> to vector<16xf32>
        tpu.vector_store_idx %arg20[%get3A_486], %convert_element_type3A_491 masked %unique3A_489 {add = true} : memref<10240xf32, #tpu.memory_space<vmem>>[vector<16xi32>], vector<16xf32>, vector<16xi1>
        %get3A_492 = arith.index_cast %add3A_459 : i32 to index
        %get3A_493 = arith.constant 32 : index
        %get3A_494 = tpu.vector_load %arg10[%get3A_492, %get3A_493] {strides = array<i32>} : memref<25x80xi32, #tpu.memory_space<vmem>>, vector<16xi32>,
        %broadcast_in_dim3A_495 = arith.constant true
        %broadcast_in_dim3A_496 = vector.broadcast %broadcast_in_dim3A_495 : i1 to vector<16xi1>
        %unique3A_497, %unique3A_498 = tpu.scan_count mask(%broadcast_in_dim3A_496 : vector<16xi1>) value(%get3A_494 : vector<16xi32>) : vector<16xi1>, vector<16xi32>
        %convert_element_type3A_499 = arith.sitofp %unique3A_498 : vector<16xi32> to vector<16xf32>
        tpu.vector_store_idx %arg20[%get3A_494], %convert_element_type3A_499 masked %unique3A_497 {add = true} : memref<10240xf32, #tpu.memory_space<vmem>>[vector<16xi32>], vector<16xf32>, vector<16xi1>
        %get3A_500 = arith.index_cast %add3A_459 : i32 to index
        %get3A_501 = arith.constant 48 : index
        %get3A_502 = tpu.vector_load %arg10[%get3A_500, %get3A_501] {strides = array<i32>} : memref<25x80xi32, #tpu.memory_space<vmem>>, vector<16xi32>,
        %broadcast_in_dim3A_503 = arith.constant true
        %broadcast_in_dim3A_504 = vector.broadcast %broadcast_in_dim3A_503 : i1 to vector<16xi1>
        %unique3A_505, %unique3A_506 = tpu.scan_count mask(%broadcast_in_dim3A_504 : vector<16xi1>) value(%get3A_502 : vector<16xi32>) : vector<16xi1>, vector<16xi32>
        %convert_element_type3A_507 = arith.sitofp %unique3A_506 : vector<16xi32> to vector<16xf32>
        tpu.vector_store_idx %arg20[%get3A_502], %convert_element_type3A_507 masked %unique3A_505 {add = true} : memref<10240xf32, #tpu.memory_space<vmem>>[vector<16xi32>], vector<16xf32>, vector<16xi1>
        %get3A_508 = arith.index_cast %add3A_459 : i32 to index
        %get3A_509 = arith.constant 64 : index
        %get3A_510 = tpu.vector_load %arg10[%get3A_508, %get3A_509] {strides = array<i32>} : memref<25x80xi32, #tpu.memory_space<vmem>>, vector<16xi32>,
        %broadcast_in_dim3A_511 = arith.constant true
        %broadcast_in_dim3A_512 = vector.broadcast %broadcast_in_dim3A_511 : i1 to vector<16xi1>
        %unique3A_513, %unique3A_514 = tpu.scan_count mask(%broadcast_in_dim3A_512 : vector<16xi1>) value(%get3A_510 : vector<16xi32>) : vector<16xi1>, vector<16xi32>
        %convert_element_type3A_515 = arith.sitofp %unique3A_514 : vector<16xi32> to vector<16xf32>
        tpu.vector_store_idx %arg20[%get3A_510], %convert_element_type3A_515 masked %unique3A_513 {add = true} : memref<10240xf32, #tpu.memory_space<vmem>>[vector<16xi32>], vector<16xf32>, vector<16xi1>
        %dma_wait3A_516 = arith.constant 0 : i32
        %dma_wait3A_517 = tpu.memref_slice %arg9[%add3A_459, %dma_wait3A_516] : memref<25x80xi32, #tpu.memory_space<vmem>> -> memref<1x80xi32, #tpu.memory_space<vmem>>
        %dma_wait3A_518 = tpu.memref_squeeze %dma_wait3A_517 : memref<1x80xi32, #tpu.memory_space<vmem>> -> memref<80xi32, #tpu.memory_space<vmem>>
        %dma_wait3A_519 = arith.constant 0 : i32
        %dma_wait3A_520 = arith.constant 0 : i32
        %dma_wait3A_521 = tpu.memref_slice %arg2[%dma_wait3A_519, %dma_wait3A_520] : memref<10000x128xf32, #tpu.memory_space<hbm>> -> memref<10000x128xf32, #tpu.memory_space<hbm>>
        tpu.wait_indirect_dma semaphore(%arg14 : memref<!tpu.dma_semaphore, #tpu.memory_space<semaphore_mem>>) src(%dma_wait3A_521 : memref<10000x128xf32, #tpu.memory_space<hbm>>) dst(%arg11 : memref<80x128xf32, #tpu.memory_space<vmem>>)
        %dma_start3A_522 = arith.constant 0 : i32
        %dma_start3A_523 = tpu.memref_slice %arg10[%add3A_459, %dma_start3A_522] : memref<25x80xi32, #tpu.memory_space<vmem>> -> memref<1x80xi32, #tpu.memory_space<vmem>>
        %dma_start3A_524 = tpu.memref_squeeze %dma_start3A_523 : memref<1x80xi32, #tpu.memory_space<vmem>> -> memref<80xi32, #tpu.memory_space<vmem>>
        %dma_start3A_525 = arith.constant 0 : i32
        %dma_start3A_526 = arith.constant 0 : i32
        %dma_start3A_527 = tpu.memref_slice %arg8[%dma_start3A_525, %dma_start3A_526] : memref<10240x128xf32, #tpu.memory_space<vmem_shared>> -> memref<10240x128xf32, #tpu.memory_space<vmem_shared>>
        tpu.enqueue_indirect_dma source(%arg11 : memref<80x128xf32, #tpu.memory_space<vmem>>) target(%dma_start3A_527 : memref<10240x128xf32, #tpu.memory_space<vmem_shared>>) offsets(%dma_start3A_524 : memref<80xi32, #tpu.memory_space<vmem>>) semaphore(%arg17 : memref<!tpu.dma_semaphore, #tpu.memory_space<semaphore_mem>>) {add = true}
      }
      %scan3A_101 = arith.constant 7 : i32
      %dma_wait3A_102 = arith.constant 21 : i32
      %dma_wait3A_103 = arith.constant 0 : i32
      %dma_wait3A_104 = tpu.memref_slice %arg10[%dma_wait3A_102, %dma_wait3A_103] : memref<25x80xi32, #tpu.memory_space<vmem>> -> memref<1x80xi32, #tpu.memory_space<vmem>>
      %dma_wait3A_105 = tpu.memref_squeeze %dma_wait3A_104 : memref<1x80xi32, #tpu.memory_space<vmem>> -> memref<80xi32, #tpu.memory_space<vmem>>
      %dma_wait3A_106 = arith.constant 0 : i32
      %dma_wait3A_107 = arith.constant 0 : i32
      %dma_wait3A_108 = tpu.memref_slice %arg8[%dma_wait3A_106, %dma_wait3A_107] : memref<10240x128xf32, #tpu.memory_space<vmem_shared>> -> memref<10240x128xf32, #tpu.memory_space<vmem_shared>>
      tpu.wait_indirect_dma semaphore(%arg17 : memref<!tpu.dma_semaphore, #tpu.memory_space<semaphore_mem>>) src(%arg11 : memref<80x128xf32, #tpu.memory_space<vmem>>) dst(%dma_wait3A_108 : memref<10240x128xf32, #tpu.memory_space<vmem_shared>>)
      %dma_start3A_109 = arith.constant 24 : i32
      %dma_start3A_110 = arith.constant 0 : i32
      %dma_start3A_111 = tpu.memref_slice %arg9[%dma_start3A_109, %dma_start3A_110] : memref<25x80xi32, #tpu.memory_space<vmem>> -> memref<1x80xi32, #tpu.memory_space<vmem>>
      %dma_start3A_112 = tpu.memref_squeeze %dma_start3A_111 : memref<1x80xi32, #tpu.memory_space<vmem>> -> memref<80xi32, #tpu.memory_space<vmem>>
      %dma_start3A_113 = arith.constant 0 : i32
      %dma_start3A_114 = arith.constant 0 : i32
      %dma_start3A_115 = tpu.memref_slice %arg2[%dma_start3A_113, %dma_start3A_114] : memref<10000x128xf32, #tpu.memory_space<hbm>> -> memref<10000x128xf32, #tpu.memory_space<hbm>>
      tpu.enqueue_indirect_dma source(%dma_start3A_115 : memref<10000x128xf32, #tpu.memory_space<hbm>>) target(%arg11 : memref<80x128xf32, #tpu.memory_space<vmem>>) offsets(%dma_start3A_112 : memref<80xi32, #tpu.memory_space<vmem>>) semaphore(%arg14 : memref<!tpu.dma_semaphore, #tpu.memory_space<semaphore_mem>>)
      %get3A_116 = arith.constant 22 : i32
      %get3A_117 = arith.index_cast %get3A_116 : i32 to index
      %get3A_118 = arith.constant 0 : index
      %get3A_119 = tpu.vector_load %arg10[%get3A_117, %get3A_118] {strides = array<i32>} : memref<25x80xi32, #tpu.memory_space<vmem>>, vector<16xi32>,
      %broadcast_in_dim3A_120 = arith.constant true
      %broadcast_in_dim3A_121 = vector.broadcast %broadcast_in_dim3A_120 : i1 to vector<16xi1>
      %unique3A_122, %unique3A_123 = tpu.scan_count mask(%broadcast_in_dim3A_121 : vector<16xi1>) value(%get3A_119 : vector<16xi32>) : vector<16xi1>, vector<16xi32>
      %convert_element_type3A_124 = arith.sitofp %unique3A_123 : vector<16xi32> to vector<16xf32>
      tpu.vector_store_idx %arg20[%get3A_119], %convert_element_type3A_124 masked %unique3A_122 {add = true} : memref<10240xf32, #tpu.memory_space<vmem>>[vector<16xi32>], vector<16xf32>, vector<16xi1>
      %get3A_125 = arith.constant 22 : i32
      %get3A_126 = arith.index_cast %get3A_125 : i32 to index
      %get3A_127 = arith.constant 16 : index
      %get3A_128 = tpu.vector_load %arg10[%get3A_126, %get3A_127] {strides = array<i32>} : memref<25x80xi32, #tpu.memory_space<vmem>>, vector<16xi32>,
      %broadcast_in_dim3A_129 = arith.constant true
      %broadcast_in_dim3A_130 = vector.broadcast %broadcast_in_dim3A_129 : i1 to vector<16xi1>
      %unique3A_131, %unique3A_132 = tpu.scan_count mask(%broadcast_in_dim3A_130 : vector<16xi1>) value(%get3A_128 : vector<16xi32>) : vector<16xi1>, vector<16xi32>
      %convert_element_type3A_133 = arith.sitofp %unique3A_132 : vector<16xi32> to vector<16xf32>
      tpu.vector_store_idx %arg20[%get3A_128], %convert_element_type3A_133 masked %unique3A_131 {add = true} : memref<10240xf32, #tpu.memory_space<vmem>>[vector<16xi32>], vector<16xf32>, vector<16xi1>
      %get3A_134 = arith.constant 22 : i32
      %get3A_135 = arith.index_cast %get3A_134 : i32 to index
      %get3A_136 = arith.constant 32 : index
      %get3A_137 = tpu.vector_load %arg10[%get3A_135, %get3A_136] {strides = array<i32>} : memref<25x80xi32, #tpu.memory_space<vmem>>, vector<16xi32>,
      %broadcast_in_dim3A_138 = arith.constant true
      %broadcast_in_dim3A_139 = vector.broadcast %broadcast_in_dim3A_138 : i1 to vector<16xi1>
      %unique3A_140, %unique3A_141 = tpu.scan_count mask(%broadcast_in_dim3A_139 : vector<16xi1>) value(%get3A_137 : vector<16xi32>) : vector<16xi1>, vector<16xi32>
      %convert_element_type3A_142 = arith.sitofp %unique3A_141 : vector<16xi32> to vector<16xf32>
      tpu.vector_store_idx %arg20[%get3A_137], %convert_element_type3A_142 masked %unique3A_140 {add = true} : memref<10240xf32, #tpu.memory_space<vmem>>[vector<16xi32>], vector<16xf32>, vector<16xi1>
      %get3A_143 = arith.constant 22 : i32
      %get3A_144 = arith.index_cast %get3A_143 : i32 to index
      %get3A_145 = arith.constant 48 : index
      %get3A_146 = tpu.vector_load %arg10[%get3A_144, %get3A_145] {strides = array<i32>} : memref<25x80xi32, #tpu.memory_space<vmem>>, vector<16xi32>,
      %broadcast_in_dim3A_147 = arith.constant true
      %broadcast_in_dim3A_148 = vector.broadcast %broadcast_in_dim3A_147 : i1 to vector<16xi1>
      %unique3A_149, %unique3A_150 = tpu.scan_count mask(%broadcast_in_dim3A_148 : vector<16xi1>) value(%get3A_146 : vector<16xi32>) : vector<16xi1>, vector<16xi32>
      %convert_element_type3A_151 = arith.sitofp %unique3A_150 : vector<16xi32> to vector<16xf32>
      tpu.vector_store_idx %arg20[%get3A_146], %convert_element_type3A_151 masked %unique3A_149 {add = true} : memref<10240xf32, #tpu.memory_space<vmem>>[vector<16xi32>], vector<16xf32>, vector<16xi1>
      %get3A_152 = arith.constant 22 : i32
      %get3A_153 = arith.index_cast %get3A_152 : i32 to index
      %get3A_154 = arith.constant 64 : index
      %get3A_155 = tpu.vector_load %arg10[%get3A_153, %get3A_154] {strides = array<i32>} : memref<25x80xi32, #tpu.memory_space<vmem>>, vector<16xi32>,
      %broadcast_in_dim3A_156 = arith.constant true
      %broadcast_in_dim3A_157 = vector.broadcast %broadcast_in_dim3A_156 : i1 to vector<16xi1>
      %unique3A_158, %unique3A_159 = tpu.scan_count mask(%broadcast_in_dim3A_157 : vector<16xi1>) value(%get3A_155 : vector<16xi32>) : vector<16xi1>, vector<16xi32>
      %convert_element_type3A_160 = arith.sitofp %unique3A_159 : vector<16xi32> to vector<16xf32>
      tpu.vector_store_idx %arg20[%get3A_155], %convert_element_type3A_160 masked %unique3A_158 {add = true} : memref<10240xf32, #tpu.memory_space<vmem>>[vector<16xi32>], vector<16xf32>, vector<16xi1>
      %dma_wait3A_161 = arith.constant 22 : i32
      %dma_wait3A_162 = arith.constant 0 : i32
      %dma_wait3A_163 = tpu.memref_slice %arg9[%dma_wait3A_161, %dma_wait3A_162] : memref<25x80xi32, #tpu.memory_space<vmem>> -> memref<1x80xi32, #tpu.memory_space<vmem>>
      %dma_wait3A_164 = tpu.memref_squeeze %dma_wait3A_163 : memref<1x80xi32, #tpu.memory_space<vmem>> -> memref<80xi32, #tpu.memory_space<vmem>>
      %dma_wait3A_165 = arith.constant 0 : i32
      %dma_wait3A_166 = arith.constant 0 : i32
      %dma_wait3A_167 = tpu.memref_slice %arg2[%dma_wait3A_165, %dma_wait3A_166] : memref<10000x128xf32, #tpu.memory_space<hbm>> -> memref<10000x128xf32, #tpu.memory_space<hbm>>
      tpu.wait_indirect_dma semaphore(%arg15 : memref<!tpu.dma_semaphore, #tpu.memory_space<semaphore_mem>>) src(%dma_wait3A_167 : memref<10000x128xf32, #tpu.memory_space<hbm>>) dst(%arg12 : memref<80x128xf32, #tpu.memory_space<vmem>>)
      %dma_start3A_168 = arith.constant 22 : i32
      %dma_start3A_169 = arith.constant 0 : i32
      %dma_start3A_170 = tpu.memref_slice %arg10[%dma_start3A_168, %dma_start3A_169] : memref<25x80xi32, #tpu.memory_space<vmem>> -> memref<1x80xi32, #tpu.memory_space<vmem>>
      %dma_start3A_171 = tpu.memref_squeeze %dma_start3A_170 : memref<1x80xi32, #tpu.memory_space<vmem>> -> memref<80xi32, #tpu.memory_space<vmem>>
      %dma_start3A_172 = arith.constant 0 : i32
      %dma_start3A_173 = arith.constant 0 : i32
      %dma_start3A_174 = tpu.memref_slice %arg8[%dma_start3A_172, %dma_start3A_173] : memref<10240x128xf32, #tpu.memory_space<vmem_shared>> -> memref<10240x128xf32, #tpu.memory_space<vmem_shared>>
      tpu.enqueue_indirect_dma source(%arg12 : memref<80x128xf32, #tpu.memory_space<vmem>>) target(%dma_start3A_174 : memref<10240x128xf32, #tpu.memory_space<vmem_shared>>) offsets(%dma_start3A_171 : memref<80xi32, #tpu.memory_space<vmem>>) semaphore(%arg18 : memref<!tpu.dma_semaphore, #tpu.memory_space<semaphore_mem>>) {add = true}
      %dma_wait3A_175 = arith.constant 22 : i32
      %dma_wait3A_176 = arith.constant 0 : i32
      %dma_wait3A_177 = tpu.memref_slice %arg10[%dma_wait3A_175, %dma_wait3A_176] : memref<25x80xi32, #tpu.memory_space<vmem>> -> memref<1x80xi32, #tpu.memory_space<vmem>>
      %dma_wait3A_178 = tpu.memref_squeeze %dma_wait3A_177 : memref<1x80xi32, #tpu.memory_space<vmem>> -> memref<80xi32, #tpu.memory_space<vmem>>
      %dma_wait3A_179 = arith.constant 0 : i32
      %dma_wait3A_180 = arith.constant 0 : i32
      %dma_wait3A_181 = tpu.memref_slice %arg8[%dma_wait3A_179, %dma_wait3A_180] : memref<10240x128xf32, #tpu.memory_space<vmem_shared>> -> memref<10240x128xf32, #tpu.memory_space<vmem_shared>>
      tpu.wait_indirect_dma semaphore(%arg18 : memref<!tpu.dma_semaphore, #tpu.memory_space<semaphore_mem>>) src(%arg12 : memref<80x128xf32, #tpu.memory_space<vmem>>) dst(%dma_wait3A_181 : memref<10240x128xf32, #tpu.memory_space<vmem_shared>>)
      %get3A_182 = arith.constant 23 : i32
      %get3A_183 = arith.index_cast %get3A_182 : i32 to index
      %get3A_184 = arith.constant 0 : index
      %get3A_185 = tpu.vector_load %arg10[%get3A_183, %get3A_184] {strides = array<i32>} : memref<25x80xi32, #tpu.memory_space<vmem>>, vector<16xi32>,
      %broadcast_in_dim3A_186 = arith.constant true
      %broadcast_in_dim3A_187 = vector.broadcast %broadcast_in_dim3A_186 : i1 to vector<16xi1>
      %unique3A_188, %unique3A_189 = tpu.scan_count mask(%broadcast_in_dim3A_187 : vector<16xi1>) value(%get3A_185 : vector<16xi32>) : vector<16xi1>, vector<16xi32>
      %convert_element_type3A_190 = arith.sitofp %unique3A_189 : vector<16xi32> to vector<16xf32>
      tpu.vector_store_idx %arg20[%get3A_185], %convert_element_type3A_190 masked %unique3A_188 {add = true} : memref<10240xf32, #tpu.memory_space<vmem>>[vector<16xi32>], vector<16xf32>, vector<16xi1>
      %get3A_191 = arith.constant 23 : i32
      %get3A_192 = arith.index_cast %get3A_191 : i32 to index
      %get3A_193 = arith.constant 16 : index
      %get3A_194 = tpu.vector_load %arg10[%get3A_192, %get3A_193] {strides = array<i32>} : memref<25x80xi32, #tpu.memory_space<vmem>>, vector<16xi32>,
      %broadcast_in_dim3A_195 = arith.constant true
      %broadcast_in_dim3A_196 = vector.broadcast %broadcast_in_dim3A_195 : i1 to vector<16xi1>
      %unique3A_197, %unique3A_198 = tpu.scan_count mask(%broadcast_in_dim3A_196 : vector<16xi1>) value(%get3A_194 : vector<16xi32>) : vector<16xi1>, vector<16xi32>
      %convert_element_type3A_199 = arith.sitofp %unique3A_198 : vector<16xi32> to vector<16xf32>
      tpu.vector_store_idx %arg20[%get3A_194], %convert_element_type3A_199 masked %unique3A_197 {add = true} : memref<10240xf32, #tpu.memory_space<vmem>>[vector<16xi32>], vector<16xf32>, vector<16xi1>
      %get3A_200 = arith.constant 23 : i32
      %get3A_201 = arith.index_cast %get3A_200 : i32 to index
      %get3A_202 = arith.constant 32 : index
      %get3A_203 = tpu.vector_load %arg10[%get3A_201, %get3A_202] {strides = array<i32>} : memref<25x80xi32, #tpu.memory_space<vmem>>, vector<16xi32>,
      %broadcast_in_dim3A_204 = arith.constant true
      %broadcast_in_dim3A_205 = vector.broadcast %broadcast_in_dim3A_204 : i1 to vector<16xi1>
      %unique3A_206, %unique3A_207 = tpu.scan_count mask(%broadcast_in_dim3A_205 : vector<16xi1>) value(%get3A_203 : vector<16xi32>) : vector<16xi1>, vector<16xi32>
      %convert_element_type3A_208 = arith.sitofp %unique3A_207 : vector<16xi32> to vector<16xf32>
      tpu.vector_store_idx %arg20[%get3A_203], %convert_element_type3A_208 masked %unique3A_206 {add = true} : memref<10240xf32, #tpu.memory_space<vmem>>[vector<16xi32>], vector<16xf32>, vector<16xi1>
      %get3A_209 = arith.constant 23 : i32
      %get3A_210 = arith.index_cast %get3A_209 : i32 to index
      %get3A_211 = arith.constant 48 : index
      %get3A_212 = tpu.vector_load %arg10[%get3A_210, %get3A_211] {strides = array<i32>} : memref<25x80xi32, #tpu.memory_space<vmem>>, vector<16xi32>,
      %broadcast_in_dim3A_213 = arith.constant true
      %broadcast_in_dim3A_214 = vector.broadcast %broadcast_in_dim3A_213 : i1 to vector<16xi1>
      %unique3A_215, %unique3A_216 = tpu.scan_count mask(%broadcast_in_dim3A_214 : vector<16xi1>) value(%get3A_212 : vector<16xi32>) : vector<16xi1>, vector<16xi32>
      %convert_element_type3A_217 = arith.sitofp %unique3A_216 : vector<16xi32> to vector<16xf32>
      tpu.vector_store_idx %arg20[%get3A_212], %convert_element_type3A_217 masked %unique3A_215 {add = true} : memref<10240xf32, #tpu.memory_space<vmem>>[vector<16xi32>], vector<16xf32>, vector<16xi1>
      %get3A_218 = arith.constant 23 : i32
      %get3A_219 = arith.index_cast %get3A_218 : i32 to index
      %get3A_220 = arith.constant 64 : index
      %get3A_221 = tpu.vector_load %arg10[%get3A_219, %get3A_220] {strides = array<i32>} : memref<25x80xi32, #tpu.memory_space<vmem>>, vector<16xi32>,
      %broadcast_in_dim3A_222 = arith.constant true
      %broadcast_in_dim3A_223 = vector.broadcast %broadcast_in_dim3A_222 : i1 to vector<16xi1>
      %unique3A_224, %unique3A_225 = tpu.scan_count mask(%broadcast_in_dim3A_223 : vector<16xi1>) value(%get3A_221 : vector<16xi32>) : vector<16xi1>, vector<16xi32>
      %convert_element_type3A_226 = arith.sitofp %unique3A_225 : vector<16xi32> to vector<16xf32>
      tpu.vector_store_idx %arg20[%get3A_221], %convert_element_type3A_226 masked %unique3A_224 {add = true} : memref<10240xf32, #tpu.memory_space<vmem>>[vector<16xi32>], vector<16xf32>, vector<16xi1>
      %dma_wait3A_227 = arith.constant 23 : i32
      %dma_wait3A_228 = arith.constant 0 : i32
      %dma_wait3A_229 = tpu.memref_slice %arg9[%dma_wait3A_227, %dma_wait3A_228] : memref<25x80xi32, #tpu.memory_space<vmem>> -> memref<1x80xi32, #tpu.memory_space<vmem>>
      %dma_wait3A_230 = tpu.memref_squeeze %dma_wait3A_229 : memref<1x80xi32, #tpu.memory_space<vmem>> -> memref<80xi32, #tpu.memory_space<vmem>>
      %dma_wait3A_231 = arith.constant 0 : i32
      %dma_wait3A_232 = arith.constant 0 : i32
      %dma_wait3A_233 = tpu.memref_slice %arg2[%dma_wait3A_231, %dma_wait3A_232] : memref<10000x128xf32, #tpu.memory_space<hbm>> -> memref<10000x128xf32, #tpu.memory_space<hbm>>
      tpu.wait_indirect_dma semaphore(%arg16 : memref<!tpu.dma_semaphore, #tpu.memory_space<semaphore_mem>>) src(%dma_wait3A_233 : memref<10000x128xf32, #tpu.memory_space<hbm>>) dst(%arg13 : memref<80x128xf32, #tpu.memory_space<vmem>>)
      %dma_start3A_234 = arith.constant 23 : i32
      %dma_start3A_235 = arith.constant 0 : i32
      %dma_start3A_236 = tpu.memref_slice %arg10[%dma_start3A_234, %dma_start3A_235] : memref<25x80xi32, #tpu.memory_space<vmem>> -> memref<1x80xi32, #tpu.memory_space<vmem>>
      %dma_start3A_237 = tpu.memref_squeeze %dma_start3A_236 : memref<1x80xi32, #tpu.memory_space<vmem>> -> memref<80xi32, #tpu.memory_space<vmem>>
      %dma_start3A_238 = arith.constant 0 : i32
      %dma_start3A_239 = arith.constant 0 : i32
      %dma_start3A_240 = tpu.memref_slice %arg8[%dma_start3A_238, %dma_start3A_239] : memref<10240x128xf32, #tpu.memory_space<vmem_shared>> -> memref<10240x128xf32, #tpu.memory_space<vmem_shared>>
      tpu.enqueue_indirect_dma source(%arg13 : memref<80x128xf32, #tpu.memory_space<vmem>>) target(%dma_start3A_240 : memref<10240x128xf32, #tpu.memory_space<vmem_shared>>) offsets(%dma_start3A_237 : memref<80xi32, #tpu.memory_space<vmem>>) semaphore(%arg19 : memref<!tpu.dma_semaphore, #tpu.memory_space<semaphore_mem>>) {add = true}
      %dma_wait3A_241 = arith.constant 23 : i32
      %dma_wait3A_242 = arith.constant 0 : i32
      %dma_wait3A_243 = tpu.memref_slice %arg10[%dma_wait3A_241, %dma_wait3A_242] : memref<25x80xi32, #tpu.memory_space<vmem>> -> memref<1x80xi32, #tpu.memory_space<vmem>>
      %dma_wait3A_244 = tpu.memref_squeeze %dma_wait3A_243 : memref<1x80xi32, #tpu.memory_space<vmem>> -> memref<80xi32, #tpu.memory_space<vmem>>
      %dma_wait3A_245 = arith.constant 0 : i32
      %dma_wait3A_246 = arith.constant 0 : i32
      %dma_wait3A_247 = tpu.memref_slice %arg8[%dma_wait3A_245, %dma_wait3A_246] : memref<10240x128xf32, #tpu.memory_space<vmem_shared>> -> memref<10240x128xf32, #tpu.memory_space<vmem_shared>>
      tpu.wait_indirect_dma semaphore(%arg19 : memref<!tpu.dma_semaphore, #tpu.memory_space<semaphore_mem>>) src(%arg13 : memref<80x128xf32, #tpu.memory_space<vmem>>) dst(%dma_wait3A_247 : memref<10240x128xf32, #tpu.memory_space<vmem_shared>>)
      %get3A_248 = arith.constant 24 : i32
      %get3A_249 = arith.index_cast %get3A_248 : i32 to index
      %get3A_250 = arith.constant 0 : index
      %get3A_251 = tpu.vector_load %arg10[%get3A_249, %get3A_250] {strides = array<i32>} : memref<25x80xi32, #tpu.memory_space<vmem>>, vector<16xi32>,
      %broadcast_in_dim3A_252 = arith.constant true
      %broadcast_in_dim3A_253 = vector.broadcast %broadcast_in_dim3A_252 : i1 to vector<16xi1>
      %unique3A_254, %unique3A_255 = tpu.scan_count mask(%broadcast_in_dim3A_253 : vector<16xi1>) value(%get3A_251 : vector<16xi32>) : vector<16xi1>, vector<16xi32>
      %convert_element_type3A_256 = arith.sitofp %unique3A_255 : vector<16xi32> to vector<16xf32>
      tpu.vector_store_idx %arg20[%get3A_251], %convert_element_type3A_256 masked %unique3A_254 {add = true} : memref<10240xf32, #tpu.memory_space<vmem>>[vector<16xi32>], vector<16xf32>, vector<16xi1>
      %get3A_257 = arith.constant 24 : i32
      %get3A_258 = arith.index_cast %get3A_257 : i32 to index
      %get3A_259 = arith.constant 16 : index
      %get3A_260 = tpu.vector_load %arg10[%get3A_258, %get3A_259] {strides = array<i32>} : memref<25x80xi32, #tpu.memory_space<vmem>>, vector<16xi32>,
      %broadcast_in_dim3A_261 = arith.constant true
      %broadcast_in_dim3A_262 = vector.broadcast %broadcast_in_dim3A_261 : i1 to vector<16xi1>
      %unique3A_263, %unique3A_264 = tpu.scan_count mask(%broadcast_in_dim3A_262 : vector<16xi1>) value(%get3A_260 : vector<16xi32>) : vector<16xi1>, vector<16xi32>
      %convert_element_type3A_265 = arith.sitofp %unique3A_264 : vector<16xi32> to vector<16xf32>
      tpu.vector_store_idx %arg20[%get3A_260], %convert_element_type3A_265 masked %unique3A_263 {add = true} : memref<10240xf32, #tpu.memory_space<vmem>>[vector<16xi32>], vector<16xf32>, vector<16xi1>
      %get3A_266 = arith.constant 24 : i32
      %get3A_267 = arith.index_cast %get3A_266 : i32 to index
      %get3A_268 = arith.constant 32 : index
      %get3A_269 = tpu.vector_load %arg10[%get3A_267, %get3A_268] {strides = array<i32>} : memref<25x80xi32, #tpu.memory_space<vmem>>, vector<16xi32>,
      %broadcast_in_dim3A_270 = arith.constant true
      %broadcast_in_dim3A_271 = vector.broadcast %broadcast_in_dim3A_270 : i1 to vector<16xi1>
      %unique3A_272, %unique3A_273 = tpu.scan_count mask(%broadcast_in_dim3A_271 : vector<16xi1>) value(%get3A_269 : vector<16xi32>) : vector<16xi1>, vector<16xi32>
      %convert_element_type3A_274 = arith.sitofp %unique3A_273 : vector<16xi32> to vector<16xf32>
      tpu.vector_store_idx %arg20[%get3A_269], %convert_element_type3A_274 masked %unique3A_272 {add = true} : memref<10240xf32, #tpu.memory_space<vmem>>[vector<16xi32>], vector<16xf32>, vector<16xi1>
      %get3A_275 = arith.constant 24 : i32
      %get3A_276 = arith.index_cast %get3A_275 : i32 to index
      %get3A_277 = arith.constant 48 : index
      %get3A_278 = tpu.vector_load %arg10[%get3A_276, %get3A_277] {strides = array<i32>} : memref<25x80xi32, #tpu.memory_space<vmem>>, vector<16xi32>,
      %broadcast_in_dim3A_279 = arith.constant true
      %broadcast_in_dim3A_280 = vector.broadcast %broadcast_in_dim3A_279 : i1 to vector<16xi1>
      %unique3A_281, %unique3A_282 = tpu.scan_count mask(%broadcast_in_dim3A_280 : vector<16xi1>) value(%get3A_278 : vector<16xi32>) : vector<16xi1>, vector<16xi32>
      %convert_element_type3A_283 = arith.sitofp %unique3A_282 : vector<16xi32> to vector<16xf32>
      tpu.vector_store_idx %arg20[%get3A_278], %convert_element_type3A_283 masked %unique3A_281 {add = true} : memref<10240xf32, #tpu.memory_space<vmem>>[vector<16xi32>], vector<16xf32>, vector<16xi1>
      %get3A_284 = arith.constant 24 : i32
      %get3A_285 = arith.index_cast %get3A_284 : i32 to index
      %get3A_286 = arith.constant 64 : index
      %get3A_287 = tpu.vector_load %arg10[%get3A_285, %get3A_286] {strides = array<i32>} : memref<25x80xi32, #tpu.memory_space<vmem>>, vector<16xi32>,
      %broadcast_in_dim3A_288 = arith.constant true
      %broadcast_in_dim3A_289 = vector.broadcast %broadcast_in_dim3A_288 : i1 to vector<16xi1>
      %unique3A_290, %unique3A_291 = tpu.scan_count mask(%broadcast_in_dim3A_289 : vector<16xi1>) value(%get3A_287 : vector<16xi32>) : vector<16xi1>, vector<16xi32>
      %convert_element_type3A_292 = arith.sitofp %unique3A_291 : vector<16xi32> to vector<16xf32>
      tpu.vector_store_idx %arg20[%get3A_287], %convert_element_type3A_292 masked %unique3A_290 {add = true} : memref<10240xf32, #tpu.memory_space<vmem>>[vector<16xi32>], vector<16xf32>, vector<16xi1>
      %dma_wait3A_293 = arith.constant 24 : i32
      %dma_wait3A_294 = arith.constant 0 : i32
      %dma_wait3A_295 = tpu.memref_slice %arg9[%dma_wait3A_293, %dma_wait3A_294] : memref<25x80xi32, #tpu.memory_space<vmem>> -> memref<1x80xi32, #tpu.memory_space<vmem>>
      %dma_wait3A_296 = tpu.memref_squeeze %dma_wait3A_295 : memref<1x80xi32, #tpu.memory_space<vmem>> -> memref<80xi32, #tpu.memory_space<vmem>>
      %dma_wait3A_297 = arith.constant 0 : i32
      %dma_wait3A_298 = arith.constant 0 : i32
      %dma_wait3A_299 = tpu.memref_slice %arg2[%dma_wait3A_297, %dma_wait3A_298] : memref<10000x128xf32, #tpu.memory_space<hbm>> -> memref<10000x128xf32, #tpu.memory_space<hbm>>
      tpu.wait_indirect_dma semaphore(%arg14 : memref<!tpu.dma_semaphore, #tpu.memory_space<semaphore_mem>>) src(%dma_wait3A_299 : memref<10000x128xf32, #tpu.memory_space<hbm>>) dst(%arg11 : memref<80x128xf32, #tpu.memory_space<vmem>>)
      %dma_start3A_300 = arith.constant 24 : i32
      %dma_start3A_301 = arith.constant 0 : i32
      %dma_start3A_302 = tpu.memref_slice %arg10[%dma_start3A_300, %dma_start3A_301] : memref<25x80xi32, #tpu.memory_space<vmem>> -> memref<1x80xi32, #tpu.memory_space<vmem>>
      %dma_start3A_303 = tpu.memref_squeeze %dma_start3A_302 : memref<1x80xi32, #tpu.memory_space<vmem>> -> memref<80xi32, #tpu.memory_space<vmem>>
      %dma_start3A_304 = arith.constant 0 : i32
      %dma_start3A_305 = arith.constant 0 : i32
      %dma_start3A_306 = tpu.memref_slice %arg8[%dma_start3A_304, %dma_start3A_305] : memref<10240x128xf32, #tpu.memory_space<vmem_shared>> -> memref<10240x128xf32, #tpu.memory_space<vmem_shared>>
      tpu.enqueue_indirect_dma source(%arg11 : memref<80x128xf32, #tpu.memory_space<vmem>>) target(%dma_start3A_306 : memref<10240x128xf32, #tpu.memory_space<vmem_shared>>) offsets(%dma_start3A_303 : memref<80xi32, #tpu.memory_space<vmem>>) semaphore(%arg17 : memref<!tpu.dma_semaphore, #tpu.memory_space<semaphore_mem>>) {add = true}
      %dma_wait3A_307 = arith.constant 24 : i32
      %dma_wait3A_308 = arith.constant 0 : i32
      %dma_wait3A_309 = tpu.memref_slice %arg10[%dma_wait3A_307, %dma_wait3A_308] : memref<25x80xi32, #tpu.memory_space<vmem>> -> memref<1x80xi32, #tpu.memory_space<vmem>>
      %dma_wait3A_310 = tpu.memref_squeeze %dma_wait3A_309 : memref<1x80xi32, #tpu.memory_space<vmem>> -> memref<80xi32, #tpu.memory_space<vmem>>
      %dma_wait3A_311 = arith.constant 0 : i32
      %dma_wait3A_312 = arith.constant 0 : i32
      %dma_wait3A_313 = tpu.memref_slice %arg8[%dma_wait3A_311, %dma_wait3A_312] : memref<10240x128xf32, #tpu.memory_space<vmem_shared>> -> memref<10240x128xf32, #tpu.memory_space<vmem_shared>>
      tpu.wait_indirect_dma semaphore(%arg17 : memref<!tpu.dma_semaphore, #tpu.memory_space<semaphore_mem>>) src(%arg11 : memref<80x128xf32, #tpu.memory_space<vmem>>) dst(%dma_wait3A_313 : memref<10240x128xf32, #tpu.memory_space<vmem_shared>>)
    }
    %scan3A_15 = arith.constant 5 : i32
    %barrier3A_16 = arith.constant 0 : index
    tpu.barrier barrier_id(%barrier3A_16)
    %mul3A_17 = arith.constant 640 : i32
    %mul3A_18 = arith.muli %arg1, %mul3A_17 : i32
    %mul3A_19 = arith.constant 640 : i32
    %mul3A_20 = arith.muli %arg1, %mul3A_19 : i32
    "tpu.region"() ({
      %run_scoped3A = tpu.sem_alloc : memref<!tpu.dma_semaphore, #tpu.memory_space<semaphore_mem>>
      %dma_start3A = arith.constant 0 : i32
      %dma_start3A_21 = tpu.memref_slice %arg6[%arg0, %mul3A_20, %dma_start3A] : memref<2x10240x128xf32, #tpu.memory_space<hbm>> -> memref<1x640x128xf32, #tpu.memory_space<hbm>>
      %dma_start3A_22 = tpu.memref_squeeze %dma_start3A_21 : memref<1x640x128xf32, #tpu.memory_space<hbm>> -> memref<640x128xf32, #tpu.memory_space<hbm>>
      %dma_start3A_23 = arith.constant 0 : i32
      %dma_start3A_24 = tpu.memref_slice %arg8[%mul3A_18, %dma_start3A_23] : memref<10240x128xf32, #tpu.memory_space<vmem_shared>> -> memref<640x128xf32, #tpu.memory_space<vmem_shared>>
      tpu.enqueue_dma source(%dma_start3A_24 : memref<640x128xf32, #tpu.memory_space<vmem_shared>>) target(%dma_start3A_22 : memref<640x128xf32, #tpu.memory_space<hbm>>) target_semaphore(%run_scoped3A : memref<!tpu.dma_semaphore, #tpu.memory_space<semaphore_mem>>)
      %dma_wait3A = arith.constant 0 : i32
      %dma_wait3A_25 = tpu.memref_slice %arg6[%arg0, %mul3A_20, %dma_wait3A] : memref<2x10240x128xf32, #tpu.memory_space<hbm>> -> memref<1x640x128xf32, #tpu.memory_space<hbm>>
      %dma_wait3A_26 = tpu.memref_squeeze %dma_wait3A_25 : memref<1x640x128xf32, #tpu.memory_space<hbm>> -> memref<640x128xf32, #tpu.memory_space<hbm>>
      %dma_wait3A_27 = arith.constant 0 : i32
      %dma_wait3A_28 = tpu.memref_slice %arg8[%mul3A_18, %dma_wait3A_27] : memref<10240x128xf32, #tpu.memory_space<vmem_shared>> -> memref<640x128xf32, #tpu.memory_space<vmem_shared>>
      tpu.wait_dma2 semaphore(%run_scoped3A : memref<!tpu.dma_semaphore, #tpu.memory_space<semaphore_mem>>) src(%dma_wait3A_28 : memref<640x128xf32, #tpu.memory_space<vmem_shared>>) dst(%dma_wait3A_26 : memref<640x128xf32, #tpu.memory_space<hbm>>)
      tpu.yield
    }) : () -> ()
    "tpu.region"() ({
      %run_scoped3A = tpu.sem_alloc : memref<!tpu.dma_semaphore, #tpu.memory_space<semaphore_mem>>
      %dma_start3A = arith.constant 0 : i32
      %dma_start3A_21 = tpu.memref_slice %arg7[%add3A, %dma_start3A] : memref<32x10240xf32, #tpu.memory_space<hbm>> -> memref<1x10240xf32, #tpu.memory_space<hbm>>
      %dma_start3A_22 = tpu.memref_squeeze %dma_start3A_21 : memref<1x10240xf32, #tpu.memory_space<hbm>> -> memref<10240xf32, #tpu.memory_space<hbm>>
      %dma_start3A_23 = arith.constant 0 : i32
      %dma_start3A_24 = tpu.memref_slice %arg7[%add3A, %dma_start3A_23] : memref<32x10240xf32, #tpu.memory_space<hbm>> -> memref<1x10240xf32, #tpu.memory_space<hbm>>
      %dma_start3A_25 = tpu.memref_squeeze %dma_start3A_24 : memref<1x10240xf32, #tpu.memory_space<hbm>> -> memref<10240xf32, #tpu.memory_space<hbm>>
      tpu.enqueue_dma source(%arg20 : memref<10240xf32, #tpu.memory_space<vmem>>) target(%dma_start3A_25 : memref<10240xf32, #tpu.memory_space<hbm>>) target_semaphore(%run_scoped3A : memref<!tpu.dma_semaphore, #tpu.memory_space<semaphore_mem>>)
      %dma_wait3A = arith.constant 0 : i32
      %dma_wait3A_26 = tpu.memref_slice %arg7[%add3A, %dma_wait3A] : memref<32x10240xf32, #tpu.memory_space<hbm>> -> memref<1x10240xf32, #tpu.memory_space<hbm>>
      %dma_wait3A_27 = tpu.memref_squeeze %dma_wait3A_26 : memref<1x10240xf32, #tpu.memory_space<hbm>> -> memref<10240xf32, #tpu.memory_space<hbm>>
      %dma_wait3A_28 = arith.constant 0 : i32
      %dma_wait3A_29 = tpu.memref_slice %arg7[%add3A, %dma_wait3A_28] : memref<32x10240xf32, #tpu.memory_space<hbm>> -> memref<1x10240xf32, #tpu.memory_space<hbm>>
      %dma_wait3A_30 = tpu.memref_squeeze %dma_wait3A_29 : memref<1x10240xf32, #tpu.memory_space<hbm>> -> memref<10240xf32, #tpu.memory_space<hbm>>
      tpu.wait_dma2 semaphore(%run_scoped3A : memref<!tpu.dma_semaphore, #tpu.memory_space<semaphore_mem>>) src(%arg20 : memref<10240xf32, #tpu.memory_space<vmem>>) dst(%dma_wait3A_30 : memref<10240xf32, #tpu.memory_space<hbm>>)
      tpu.yield
    }) : () -> ()
    return
  }
}

#map = affine_map<(d0, d1) -> (0, 0)>
#map1 = affine_map<(d0, d1) -> (0, 0, 0, 0)>
#map2 = affine_map<(d0, d1) -> (0, 0, 0)>
module attributes {stable_mosaic.version = 14 : i64} {
  func.func @sc_agg(%arg0: i32, %arg1: i32, %arg2: memref<10000x128xf32, #tpu.memory_space<hbm>>, %arg3: memref<32x5x25x80xi32, #tpu.memory_space<hbm>>, %arg4: memref<32x5x25x80xi32, #tpu.memory_space<hbm>>, %arg5: memref<10240x128xf32, #tpu.memory_space<hbm>>, %arg6: memref<2x10240x128xf32, #tpu.memory_space<hbm>>, %arg7: memref<10240x128xf32, #tpu.memory_space<vmem_shared>>, %arg8: memref<25x80xi32, #tpu.memory_space<vmem>>, %arg9: memref<25x80xi32, #tpu.memory_space<vmem>>, %arg10: memref<80x128xf32, #tpu.memory_space<vmem>>, %arg11: memref<80x128xf32, #tpu.memory_space<vmem>>, %arg12: memref<80x128xf32, #tpu.memory_space<vmem>>, %arg13: memref<!tpu.dma_semaphore, #tpu.memory_space<semaphore_mem>>, %arg14: memref<!tpu.dma_semaphore, #tpu.memory_space<semaphore_mem>>, %arg15: memref<!tpu.dma_semaphore, #tpu.memory_space<semaphore_mem>>, %arg16: memref<!tpu.dma_semaphore, #tpu.memory_space<semaphore_mem>>, %arg17: memref<!tpu.dma_semaphore, #tpu.memory_space<semaphore_mem>>, %arg18: memref<!tpu.dma_semaphore, #tpu.memory_space<semaphore_mem>>) attributes {dimension_semantics = [#tpu.dimension_semantics<core_parallel>, #tpu.dimension_semantics<subcore_parallel>], iteration_bounds = array<i64: 2, 16>, scalar_prefetch = 0 : i64, scratch_operands = 12 : i64, tpu.core_type = #tpu.core_type<sc_vector_subcore>, window_params = [{transform_indices = #map}, {transform_indices = #map1}, {transform_indices = #map1}, {transform_indices = #map}, {transform_indices = #map2}]} {
    %mul3A = arith.constant 2 : i32
    %mul3A_0 = arith.muli %arg1, %mul3A : i32
    %add3A = arith.addi %mul3A_0, %arg0 : i32
    %mul3A_1 = arith.constant 640 : i32
    %mul3A_2 = arith.muli %arg1, %mul3A_1 : i32
    %mul3A_3 = arith.constant 640 : i32
    %mul3A_4 = arith.muli %arg1, %mul3A_3 : i32
    "tpu.region"() ({
      %run_scoped3A = tpu.sem_alloc : memref<!tpu.dma_semaphore, #tpu.memory_space<semaphore_mem>>
      %dma_start3A = arith.constant 0 : i32
      %dma_start3A_15 = tpu.memref_slice %arg7[%mul3A_4, %dma_start3A] : memref<10240x128xf32, #tpu.memory_space<vmem_shared>> -> memref<640x128xf32, #tpu.memory_space<vmem_shared>>
      %dma_start3A_16 = arith.constant 0 : i32
      %dma_start3A_17 = tpu.memref_slice %arg5[%mul3A_2, %dma_start3A_16] : memref<10240x128xf32, #tpu.memory_space<hbm>> -> memref<640x128xf32, #tpu.memory_space<hbm>>
      tpu.enqueue_dma source(%dma_start3A_17 : memref<640x128xf32, #tpu.memory_space<hbm>>) target(%dma_start3A_15 : memref<640x128xf32, #tpu.memory_space<vmem_shared>>) target_semaphore(%run_scoped3A : memref<!tpu.dma_semaphore, #tpu.memory_space<semaphore_mem>>)
      %dma_wait3A = arith.constant 0 : i32
      %dma_wait3A_18 = tpu.memref_slice %arg7[%mul3A_4, %dma_wait3A] : memref<10240x128xf32, #tpu.memory_space<vmem_shared>> -> memref<640x128xf32, #tpu.memory_space<vmem_shared>>
      %dma_wait3A_19 = arith.constant 0 : i32
      %dma_wait3A_20 = tpu.memref_slice %arg5[%mul3A_2, %dma_wait3A_19] : memref<10240x128xf32, #tpu.memory_space<hbm>> -> memref<640x128xf32, #tpu.memory_space<hbm>>
      tpu.wait_dma2 semaphore(%run_scoped3A : memref<!tpu.dma_semaphore, #tpu.memory_space<semaphore_mem>>) src(%dma_wait3A_20 : memref<640x128xf32, #tpu.memory_space<hbm>>) dst(%dma_wait3A_18 : memref<640x128xf32, #tpu.memory_space<vmem_shared>>)
      tpu.yield
    }) : () -> ()
    %barrier3A = arith.constant 0 : index
    tpu.barrier barrier_id(%barrier3A)
    %scan3A = arith.constant 0 : i32
    %scan3A_5 = arith.constant 0 : i32
    %scan3A_6 = arith.constant 5 : i32
    %scan3A_7 = arith.addi %scan3A_5, %scan3A_6 : i32
    %scan3A_8 = arith.constant 1 : i32
    scf.for %scan3A_15 = %scan3A_5 to %scan3A_7 step %scan3A_8  : i32 {
      "tpu.region"() ({
        %run_scoped3A = tpu.sem_alloc : memref<!tpu.dma_semaphore, #tpu.memory_space<semaphore_mem>>
        %dma_start3A_132 = arith.constant 0 : i32
        %dma_start3A_133 = arith.constant 0 : i32
        %dma_start3A_134 = tpu.memref_slice %arg3[%add3A, %scan3A_15, %dma_start3A_132, %dma_start3A_133] : memref<32x5x25x80xi32, #tpu.memory_space<hbm>> -> memref<1x1x25x80xi32, #tpu.memory_space<hbm>>
        %dma_start3A_135 = tpu.memref_squeeze %dma_start3A_134 : memref<1x1x25x80xi32, #tpu.memory_space<hbm>> -> memref<25x80xi32, #tpu.memory_space<hbm>>
        %dma_start3A_136 = arith.constant 0 : i32
        %dma_start3A_137 = arith.constant 0 : i32
        %dma_start3A_138 = tpu.memref_slice %arg3[%add3A, %scan3A_15, %dma_start3A_136, %dma_start3A_137] : memref<32x5x25x80xi32, #tpu.memory_space<hbm>> -> memref<1x1x25x80xi32, #tpu.memory_space<hbm>>
        %dma_start3A_139 = tpu.memref_squeeze %dma_start3A_138 : memref<1x1x25x80xi32, #tpu.memory_space<hbm>> -> memref<25x80xi32, #tpu.memory_space<hbm>>
        tpu.enqueue_dma source(%dma_start3A_139 : memref<25x80xi32, #tpu.memory_space<hbm>>) target(%arg8 : memref<25x80xi32, #tpu.memory_space<vmem>>) target_semaphore(%run_scoped3A : memref<!tpu.dma_semaphore, #tpu.memory_space<semaphore_mem>>)
        %dma_wait3A_140 = arith.constant 0 : i32
        %dma_wait3A_141 = arith.constant 0 : i32
        %dma_wait3A_142 = tpu.memref_slice %arg3[%add3A, %scan3A_15, %dma_wait3A_140, %dma_wait3A_141] : memref<32x5x25x80xi32, #tpu.memory_space<hbm>> -> memref<1x1x25x80xi32, #tpu.memory_space<hbm>>
        %dma_wait3A_143 = tpu.memref_squeeze %dma_wait3A_142 : memref<1x1x25x80xi32, #tpu.memory_space<hbm>> -> memref<25x80xi32, #tpu.memory_space<hbm>>
        %dma_wait3A_144 = arith.constant 0 : i32
        %dma_wait3A_145 = arith.constant 0 : i32
        %dma_wait3A_146 = tpu.memref_slice %arg3[%add3A, %scan3A_15, %dma_wait3A_144, %dma_wait3A_145] : memref<32x5x25x80xi32, #tpu.memory_space<hbm>> -> memref<1x1x25x80xi32, #tpu.memory_space<hbm>>
        %dma_wait3A_147 = tpu.memref_squeeze %dma_wait3A_146 : memref<1x1x25x80xi32, #tpu.memory_space<hbm>> -> memref<25x80xi32, #tpu.memory_space<hbm>>
        tpu.wait_dma2 semaphore(%run_scoped3A : memref<!tpu.dma_semaphore, #tpu.memory_space<semaphore_mem>>) src(%dma_wait3A_147 : memref<25x80xi32, #tpu.memory_space<hbm>>) dst(%arg8 : memref<25x80xi32, #tpu.memory_space<vmem>>)
        tpu.yield
      }) : () -> ()
      "tpu.region"() ({
        %run_scoped3A = tpu.sem_alloc : memref<!tpu.dma_semaphore, #tpu.memory_space<semaphore_mem>>
        %dma_start3A_132 = arith.constant 0 : i32
        %dma_start3A_133 = arith.constant 0 : i32
        %dma_start3A_134 = tpu.memref_slice %arg4[%add3A, %scan3A_15, %dma_start3A_132, %dma_start3A_133] : memref<32x5x25x80xi32, #tpu.memory_space<hbm>> -> memref<1x1x25x80xi32, #tpu.memory_space<hbm>>
        %dma_start3A_135 = tpu.memref_squeeze %dma_start3A_134 : memref<1x1x25x80xi32, #tpu.memory_space<hbm>> -> memref<25x80xi32, #tpu.memory_space<hbm>>
        %dma_start3A_136 = arith.constant 0 : i32
        %dma_start3A_137 = arith.constant 0 : i32
        %dma_start3A_138 = tpu.memref_slice %arg4[%add3A, %scan3A_15, %dma_start3A_136, %dma_start3A_137] : memref<32x5x25x80xi32, #tpu.memory_space<hbm>> -> memref<1x1x25x80xi32, #tpu.memory_space<hbm>>
        %dma_start3A_139 = tpu.memref_squeeze %dma_start3A_138 : memref<1x1x25x80xi32, #tpu.memory_space<hbm>> -> memref<25x80xi32, #tpu.memory_space<hbm>>
        tpu.enqueue_dma source(%dma_start3A_139 : memref<25x80xi32, #tpu.memory_space<hbm>>) target(%arg9 : memref<25x80xi32, #tpu.memory_space<vmem>>) target_semaphore(%run_scoped3A : memref<!tpu.dma_semaphore, #tpu.memory_space<semaphore_mem>>)
        %dma_wait3A_140 = arith.constant 0 : i32
        %dma_wait3A_141 = arith.constant 0 : i32
        %dma_wait3A_142 = tpu.memref_slice %arg4[%add3A, %scan3A_15, %dma_wait3A_140, %dma_wait3A_141] : memref<32x5x25x80xi32, #tpu.memory_space<hbm>> -> memref<1x1x25x80xi32, #tpu.memory_space<hbm>>
        %dma_wait3A_143 = tpu.memref_squeeze %dma_wait3A_142 : memref<1x1x25x80xi32, #tpu.memory_space<hbm>> -> memref<25x80xi32, #tpu.memory_space<hbm>>
        %dma_wait3A_144 = arith.constant 0 : i32
        %dma_wait3A_145 = arith.constant 0 : i32
        %dma_wait3A_146 = tpu.memref_slice %arg4[%add3A, %scan3A_15, %dma_wait3A_144, %dma_wait3A_145] : memref<32x5x25x80xi32, #tpu.memory_space<hbm>> -> memref<1x1x25x80xi32, #tpu.memory_space<hbm>>
        %dma_wait3A_147 = tpu.memref_squeeze %dma_wait3A_146 : memref<1x1x25x80xi32, #tpu.memory_space<hbm>> -> memref<25x80xi32, #tpu.memory_space<hbm>>
        tpu.wait_dma2 semaphore(%run_scoped3A : memref<!tpu.dma_semaphore, #tpu.memory_space<semaphore_mem>>) src(%dma_wait3A_147 : memref<25x80xi32, #tpu.memory_space<hbm>>) dst(%arg9 : memref<25x80xi32, #tpu.memory_space<vmem>>)
        tpu.yield
      }) : () -> ()
      %dma_start3A = arith.constant 0 : i32
      %dma_start3A_16 = arith.constant 0 : i32
      %dma_start3A_17 = tpu.memref_slice %arg8[%dma_start3A, %dma_start3A_16] : memref<25x80xi32, #tpu.memory_space<vmem>> -> memref<1x80xi32, #tpu.memory_space<vmem>>
      %dma_start3A_18 = tpu.memref_squeeze %dma_start3A_17 : memref<1x80xi32, #tpu.memory_space<vmem>> -> memref<80xi32, #tpu.memory_space<vmem>>
      %dma_start3A_19 = arith.constant 0 : i32
      %dma_start3A_20 = arith.constant 0 : i32
      %dma_start3A_21 = tpu.memref_slice %arg2[%dma_start3A_19, %dma_start3A_20] : memref<10000x128xf32, #tpu.memory_space<hbm>> -> memref<10000x128xf32, #tpu.memory_space<hbm>>
      tpu.enqueue_indirect_dma source(%dma_start3A_21 : memref<10000x128xf32, #tpu.memory_space<hbm>>) target(%arg10 : memref<80x128xf32, #tpu.memory_space<vmem>>) offsets(%dma_start3A_18 : memref<80xi32, #tpu.memory_space<vmem>>) semaphore(%arg13 : memref<!tpu.dma_semaphore, #tpu.memory_space<semaphore_mem>>)
      %dma_start3A_22 = arith.constant 1 : i32
      %dma_start3A_23 = arith.constant 0 : i32
      %dma_start3A_24 = tpu.memref_slice %arg8[%dma_start3A_22, %dma_start3A_23] : memref<25x80xi32, #tpu.memory_space<vmem>> -> memref<1x80xi32, #tpu.memory_space<vmem>>
      %dma_start3A_25 = tpu.memref_squeeze %dma_start3A_24 : memref<1x80xi32, #tpu.memory_space<vmem>> -> memref<80xi32, #tpu.memory_space<vmem>>
      %dma_start3A_26 = arith.constant 0 : i32
      %dma_start3A_27 = arith.constant 0 : i32
      %dma_start3A_28 = tpu.memref_slice %arg2[%dma_start3A_26, %dma_start3A_27] : memref<10000x128xf32, #tpu.memory_space<hbm>> -> memref<10000x128xf32, #tpu.memory_space<hbm>>
      tpu.enqueue_indirect_dma source(%dma_start3A_28 : memref<10000x128xf32, #tpu.memory_space<hbm>>) target(%arg11 : memref<80x128xf32, #tpu.memory_space<vmem>>) offsets(%dma_start3A_25 : memref<80xi32, #tpu.memory_space<vmem>>) semaphore(%arg14 : memref<!tpu.dma_semaphore, #tpu.memory_space<semaphore_mem>>)
      %dma_start3A_29 = arith.constant 2 : i32
      %dma_start3A_30 = arith.constant 0 : i32
      %dma_start3A_31 = tpu.memref_slice %arg8[%dma_start3A_29, %dma_start3A_30] : memref<25x80xi32, #tpu.memory_space<vmem>> -> memref<1x80xi32, #tpu.memory_space<vmem>>
      %dma_start3A_32 = tpu.memref_squeeze %dma_start3A_31 : memref<1x80xi32, #tpu.memory_space<vmem>> -> memref<80xi32, #tpu.memory_space<vmem>>
      %dma_start3A_33 = arith.constant 0 : i32
      %dma_start3A_34 = arith.constant 0 : i32
      %dma_start3A_35 = tpu.memref_slice %arg2[%dma_start3A_33, %dma_start3A_34] : memref<10000x128xf32, #tpu.memory_space<hbm>> -> memref<10000x128xf32, #tpu.memory_space<hbm>>
      tpu.enqueue_indirect_dma source(%dma_start3A_35 : memref<10000x128xf32, #tpu.memory_space<hbm>>) target(%arg12 : memref<80x128xf32, #tpu.memory_space<vmem>>) offsets(%dma_start3A_32 : memref<80xi32, #tpu.memory_space<vmem>>) semaphore(%arg15 : memref<!tpu.dma_semaphore, #tpu.memory_space<semaphore_mem>>)
      %dma_wait3A = arith.constant 0 : i32
      %dma_wait3A_36 = arith.constant 0 : i32
      %dma_wait3A_37 = tpu.memref_slice %arg8[%dma_wait3A, %dma_wait3A_36] : memref<25x80xi32, #tpu.memory_space<vmem>> -> memref<1x80xi32, #tpu.memory_space<vmem>>
      %dma_wait3A_38 = tpu.memref_squeeze %dma_wait3A_37 : memref<1x80xi32, #tpu.memory_space<vmem>> -> memref<80xi32, #tpu.memory_space<vmem>>
      %dma_wait3A_39 = arith.constant 0 : i32
      %dma_wait3A_40 = arith.constant 0 : i32
      %dma_wait3A_41 = tpu.memref_slice %arg2[%dma_wait3A_39, %dma_wait3A_40] : memref<10000x128xf32, #tpu.memory_space<hbm>> -> memref<10000x128xf32, #tpu.memory_space<hbm>>
      tpu.wait_indirect_dma semaphore(%arg13 : memref<!tpu.dma_semaphore, #tpu.memory_space<semaphore_mem>>) src(%dma_wait3A_41 : memref<10000x128xf32, #tpu.memory_space<hbm>>) dst(%arg10 : memref<80x128xf32, #tpu.memory_space<vmem>>)
      %dma_start3A_42 = arith.constant 0 : i32
      %dma_start3A_43 = arith.constant 0 : i32
      %dma_start3A_44 = tpu.memref_slice %arg9[%dma_start3A_42, %dma_start3A_43] : memref<25x80xi32, #tpu.memory_space<vmem>> -> memref<1x80xi32, #tpu.memory_space<vmem>>
      %dma_start3A_45 = tpu.memref_squeeze %dma_start3A_44 : memref<1x80xi32, #tpu.memory_space<vmem>> -> memref<80xi32, #tpu.memory_space<vmem>>
      %dma_start3A_46 = arith.constant 0 : i32
      %dma_start3A_47 = arith.constant 0 : i32
      %dma_start3A_48 = tpu.memref_slice %arg7[%dma_start3A_46, %dma_start3A_47] : memref<10240x128xf32, #tpu.memory_space<vmem_shared>> -> memref<10240x128xf32, #tpu.memory_space<vmem_shared>>
      tpu.enqueue_indirect_dma source(%arg10 : memref<80x128xf32, #tpu.memory_space<vmem>>) target(%dma_start3A_48 : memref<10240x128xf32, #tpu.memory_space<vmem_shared>>) offsets(%dma_start3A_45 : memref<80xi32, #tpu.memory_space<vmem>>) semaphore(%arg16 : memref<!tpu.dma_semaphore, #tpu.memory_space<semaphore_mem>>) {add = true}
      %scan3A_49 = arith.constant 0 : i32
      %scan3A_50 = arith.constant 0 : i32
      %scan3A_51 = arith.constant 7 : i32
      %scan3A_52 = arith.addi %scan3A_50, %scan3A_51 : i32
      %scan3A_53 = arith.constant 1 : i32
      scf.for %scan3A_132 = %scan3A_50 to %scan3A_52 step %scan3A_53  : i32 {
        %mul3A_133 = arith.constant 3 : i32
        %mul3A_134 = arith.muli %scan3A_132, %mul3A_133 : i32
        %add3A_135 = arith.constant 1 : i32
        %add3A_136 = arith.addi %mul3A_134, %add3A_135 : i32
        %add3A_137 = arith.constant 0 : i32
        %add3A_138 = arith.addi %add3A_136, %add3A_137 : i32
        %sub3A = arith.constant 1 : i32
        %sub3A_139 = arith.subi %add3A_138, %sub3A : i32
        %dma_wait3A_140 = arith.constant 0 : i32
        %dma_wait3A_141 = tpu.memref_slice %arg9[%sub3A_139, %dma_wait3A_140] : memref<25x80xi32, #tpu.memory_space<vmem>> -> memref<1x80xi32, #tpu.memory_space<vmem>>
        %dma_wait3A_142 = tpu.memref_squeeze %dma_wait3A_141 : memref<1x80xi32, #tpu.memory_space<vmem>> -> memref<80xi32, #tpu.memory_space<vmem>>
        %dma_wait3A_143 = arith.constant 0 : i32
        %dma_wait3A_144 = arith.constant 0 : i32
        %dma_wait3A_145 = tpu.memref_slice %arg7[%dma_wait3A_143, %dma_wait3A_144] : memref<10240x128xf32, #tpu.memory_space<vmem_shared>> -> memref<10240x128xf32, #tpu.memory_space<vmem_shared>>
        tpu.wait_indirect_dma semaphore(%arg16 : memref<!tpu.dma_semaphore, #tpu.memory_space<semaphore_mem>>) src(%arg10 : memref<80x128xf32, #tpu.memory_space<vmem>>) dst(%dma_wait3A_145 : memref<10240x128xf32, #tpu.memory_space<vmem_shared>>)
        %add3A_146 = arith.constant 2 : i32
        %add3A_147 = arith.addi %add3A_138, %add3A_146 : i32
        %dma_start3A_148 = arith.constant 0 : i32
        %dma_start3A_149 = tpu.memref_slice %arg8[%add3A_147, %dma_start3A_148] : memref<25x80xi32, #tpu.memory_space<vmem>> -> memref<1x80xi32, #tpu.memory_space<vmem>>
        %dma_start3A_150 = tpu.memref_squeeze %dma_start3A_149 : memref<1x80xi32, #tpu.memory_space<vmem>> -> memref<80xi32, #tpu.memory_space<vmem>>
        %dma_start3A_151 = arith.constant 0 : i32
        %dma_start3A_152 = arith.constant 0 : i32
        %dma_start3A_153 = tpu.memref_slice %arg2[%dma_start3A_151, %dma_start3A_152] : memref<10000x128xf32, #tpu.memory_space<hbm>> -> memref<10000x128xf32, #tpu.memory_space<hbm>>
        tpu.enqueue_indirect_dma source(%dma_start3A_153 : memref<10000x128xf32, #tpu.memory_space<hbm>>) target(%arg10 : memref<80x128xf32, #tpu.memory_space<vmem>>) offsets(%dma_start3A_150 : memref<80xi32, #tpu.memory_space<vmem>>) semaphore(%arg13 : memref<!tpu.dma_semaphore, #tpu.memory_space<semaphore_mem>>)
        %dma_wait3A_154 = arith.constant 0 : i32
        %dma_wait3A_155 = tpu.memref_slice %arg8[%add3A_138, %dma_wait3A_154] : memref<25x80xi32, #tpu.memory_space<vmem>> -> memref<1x80xi32, #tpu.memory_space<vmem>>
        %dma_wait3A_156 = tpu.memref_squeeze %dma_wait3A_155 : memref<1x80xi32, #tpu.memory_space<vmem>> -> memref<80xi32, #tpu.memory_space<vmem>>
        %dma_wait3A_157 = arith.constant 0 : i32
        %dma_wait3A_158 = arith.constant 0 : i32
        %dma_wait3A_159 = tpu.memref_slice %arg2[%dma_wait3A_157, %dma_wait3A_158] : memref<10000x128xf32, #tpu.memory_space<hbm>> -> memref<10000x128xf32, #tpu.memory_space<hbm>>
        tpu.wait_indirect_dma semaphore(%arg14 : memref<!tpu.dma_semaphore, #tpu.memory_space<semaphore_mem>>) src(%dma_wait3A_159 : memref<10000x128xf32, #tpu.memory_space<hbm>>) dst(%arg11 : memref<80x128xf32, #tpu.memory_space<vmem>>)
        %dma_start3A_160 = arith.constant 0 : i32
        %dma_start3A_161 = tpu.memref_slice %arg9[%add3A_138, %dma_start3A_160] : memref<25x80xi32, #tpu.memory_space<vmem>> -> memref<1x80xi32, #tpu.memory_space<vmem>>
        %dma_start3A_162 = tpu.memref_squeeze %dma_start3A_161 : memref<1x80xi32, #tpu.memory_space<vmem>> -> memref<80xi32, #tpu.memory_space<vmem>>
        %dma_start3A_163 = arith.constant 0 : i32
        %dma_start3A_164 = arith.constant 0 : i32
        %dma_start3A_165 = tpu.memref_slice %arg7[%dma_start3A_163, %dma_start3A_164] : memref<10240x128xf32, #tpu.memory_space<vmem_shared>> -> memref<10240x128xf32, #tpu.memory_space<vmem_shared>>
        tpu.enqueue_indirect_dma source(%arg11 : memref<80x128xf32, #tpu.memory_space<vmem>>) target(%dma_start3A_165 : memref<10240x128xf32, #tpu.memory_space<vmem_shared>>) offsets(%dma_start3A_162 : memref<80xi32, #tpu.memory_space<vmem>>) semaphore(%arg17 : memref<!tpu.dma_semaphore, #tpu.memory_space<semaphore_mem>>) {add = true}
        %add3A_166 = arith.constant 1 : i32
        %add3A_167 = arith.addi %add3A_136, %add3A_166 : i32
        %sub3A_168 = arith.constant 1 : i32
        %sub3A_169 = arith.subi %add3A_167, %sub3A_168 : i32
        %dma_wait3A_170 = arith.constant 0 : i32
        %dma_wait3A_171 = tpu.memref_slice %arg9[%sub3A_169, %dma_wait3A_170] : memref<25x80xi32, #tpu.memory_space<vmem>> -> memref<1x80xi32, #tpu.memory_space<vmem>>
        %dma_wait3A_172 = tpu.memref_squeeze %dma_wait3A_171 : memref<1x80xi32, #tpu.memory_space<vmem>> -> memref<80xi32, #tpu.memory_space<vmem>>
        %dma_wait3A_173 = arith.constant 0 : i32
        %dma_wait3A_174 = arith.constant 0 : i32
        %dma_wait3A_175 = tpu.memref_slice %arg7[%dma_wait3A_173, %dma_wait3A_174] : memref<10240x128xf32, #tpu.memory_space<vmem_shared>> -> memref<10240x128xf32, #tpu.memory_space<vmem_shared>>
        tpu.wait_indirect_dma semaphore(%arg17 : memref<!tpu.dma_semaphore, #tpu.memory_space<semaphore_mem>>) src(%arg11 : memref<80x128xf32, #tpu.memory_space<vmem>>) dst(%dma_wait3A_175 : memref<10240x128xf32, #tpu.memory_space<vmem_shared>>)
        %add3A_176 = arith.constant 2 : i32
        %add3A_177 = arith.addi %add3A_167, %add3A_176 : i32
        %dma_start3A_178 = arith.constant 0 : i32
        %dma_start3A_179 = tpu.memref_slice %arg8[%add3A_177, %dma_start3A_178] : memref<25x80xi32, #tpu.memory_space<vmem>> -> memref<1x80xi32, #tpu.memory_space<vmem>>
        %dma_start3A_180 = tpu.memref_squeeze %dma_start3A_179 : memref<1x80xi32, #tpu.memory_space<vmem>> -> memref<80xi32, #tpu.memory_space<vmem>>
        %dma_start3A_181 = arith.constant 0 : i32
        %dma_start3A_182 = arith.constant 0 : i32
        %dma_start3A_183 = tpu.memref_slice %arg2[%dma_start3A_181, %dma_start3A_182] : memref<10000x128xf32, #tpu.memory_space<hbm>> -> memref<10000x128xf32, #tpu.memory_space<hbm>>
        tpu.enqueue_indirect_dma source(%dma_start3A_183 : memref<10000x128xf32, #tpu.memory_space<hbm>>) target(%arg11 : memref<80x128xf32, #tpu.memory_space<vmem>>) offsets(%dma_start3A_180 : memref<80xi32, #tpu.memory_space<vmem>>) semaphore(%arg14 : memref<!tpu.dma_semaphore, #tpu.memory_space<semaphore_mem>>)
        %dma_wait3A_184 = arith.constant 0 : i32
        %dma_wait3A_185 = tpu.memref_slice %arg8[%add3A_167, %dma_wait3A_184] : memref<25x80xi32, #tpu.memory_space<vmem>> -> memref<1x80xi32, #tpu.memory_space<vmem>>
        %dma_wait3A_186 = tpu.memref_squeeze %dma_wait3A_185 : memref<1x80xi32, #tpu.memory_space<vmem>> -> memref<80xi32, #tpu.memory_space<vmem>>
        %dma_wait3A_187 = arith.constant 0 : i32
        %dma_wait3A_188 = arith.constant 0 : i32
        %dma_wait3A_189 = tpu.memref_slice %arg2[%dma_wait3A_187, %dma_wait3A_188] : memref<10000x128xf32, #tpu.memory_space<hbm>> -> memref<10000x128xf32, #tpu.memory_space<hbm>>
        tpu.wait_indirect_dma semaphore(%arg15 : memref<!tpu.dma_semaphore, #tpu.memory_space<semaphore_mem>>) src(%dma_wait3A_189 : memref<10000x128xf32, #tpu.memory_space<hbm>>) dst(%arg12 : memref<80x128xf32, #tpu.memory_space<vmem>>)
        %dma_start3A_190 = arith.constant 0 : i32
        %dma_start3A_191 = tpu.memref_slice %arg9[%add3A_167, %dma_start3A_190] : memref<25x80xi32, #tpu.memory_space<vmem>> -> memref<1x80xi32, #tpu.memory_space<vmem>>
        %dma_start3A_192 = tpu.memref_squeeze %dma_start3A_191 : memref<1x80xi32, #tpu.memory_space<vmem>> -> memref<80xi32, #tpu.memory_space<vmem>>
        %dma_start3A_193 = arith.constant 0 : i32
        %dma_start3A_194 = arith.constant 0 : i32
        %dma_start3A_195 = tpu.memref_slice %arg7[%dma_start3A_193, %dma_start3A_194] : memref<10240x128xf32, #tpu.memory_space<vmem_shared>> -> memref<10240x128xf32, #tpu.memory_space<vmem_shared>>
        tpu.enqueue_indirect_dma source(%arg12 : memref<80x128xf32, #tpu.memory_space<vmem>>) target(%dma_start3A_195 : memref<10240x128xf32, #tpu.memory_space<vmem_shared>>) offsets(%dma_start3A_192 : memref<80xi32, #tpu.memory_space<vmem>>) semaphore(%arg18 : memref<!tpu.dma_semaphore, #tpu.memory_space<semaphore_mem>>) {add = true}
        %add3A_196 = arith.constant 2 : i32
        %add3A_197 = arith.addi %add3A_136, %add3A_196 : i32
        %sub3A_198 = arith.constant 1 : i32
        %sub3A_199 = arith.subi %add3A_197, %sub3A_198 : i32
        %dma_wait3A_200 = arith.constant 0 : i32
        %dma_wait3A_201 = tpu.memref_slice %arg9[%sub3A_199, %dma_wait3A_200] : memref<25x80xi32, #tpu.memory_space<vmem>> -> memref<1x80xi32, #tpu.memory_space<vmem>>
        %dma_wait3A_202 = tpu.memref_squeeze %dma_wait3A_201 : memref<1x80xi32, #tpu.memory_space<vmem>> -> memref<80xi32, #tpu.memory_space<vmem>>
        %dma_wait3A_203 = arith.constant 0 : i32
        %dma_wait3A_204 = arith.constant 0 : i32
        %dma_wait3A_205 = tpu.memref_slice %arg7[%dma_wait3A_203, %dma_wait3A_204] : memref<10240x128xf32, #tpu.memory_space<vmem_shared>> -> memref<10240x128xf32, #tpu.memory_space<vmem_shared>>
        tpu.wait_indirect_dma semaphore(%arg18 : memref<!tpu.dma_semaphore, #tpu.memory_space<semaphore_mem>>) src(%arg12 : memref<80x128xf32, #tpu.memory_space<vmem>>) dst(%dma_wait3A_205 : memref<10240x128xf32, #tpu.memory_space<vmem_shared>>)
        %add3A_206 = arith.constant 2 : i32
        %add3A_207 = arith.addi %add3A_197, %add3A_206 : i32
        %dma_start3A_208 = arith.constant 0 : i32
        %dma_start3A_209 = tpu.memref_slice %arg8[%add3A_207, %dma_start3A_208] : memref<25x80xi32, #tpu.memory_space<vmem>> -> memref<1x80xi32, #tpu.memory_space<vmem>>
        %dma_start3A_210 = tpu.memref_squeeze %dma_start3A_209 : memref<1x80xi32, #tpu.memory_space<vmem>> -> memref<80xi32, #tpu.memory_space<vmem>>
        %dma_start3A_211 = arith.constant 0 : i32
        %dma_start3A_212 = arith.constant 0 : i32
        %dma_start3A_213 = tpu.memref_slice %arg2[%dma_start3A_211, %dma_start3A_212] : memref<10000x128xf32, #tpu.memory_space<hbm>> -> memref<10000x128xf32, #tpu.memory_space<hbm>>
        tpu.enqueue_indirect_dma source(%dma_start3A_213 : memref<10000x128xf32, #tpu.memory_space<hbm>>) target(%arg12 : memref<80x128xf32, #tpu.memory_space<vmem>>) offsets(%dma_start3A_210 : memref<80xi32, #tpu.memory_space<vmem>>) semaphore(%arg15 : memref<!tpu.dma_semaphore, #tpu.memory_space<semaphore_mem>>)
        %dma_wait3A_214 = arith.constant 0 : i32
        %dma_wait3A_215 = tpu.memref_slice %arg8[%add3A_197, %dma_wait3A_214] : memref<25x80xi32, #tpu.memory_space<vmem>> -> memref<1x80xi32, #tpu.memory_space<vmem>>
        %dma_wait3A_216 = tpu.memref_squeeze %dma_wait3A_215 : memref<1x80xi32, #tpu.memory_space<vmem>> -> memref<80xi32, #tpu.memory_space<vmem>>
        %dma_wait3A_217 = arith.constant 0 : i32
        %dma_wait3A_218 = arith.constant 0 : i32
        %dma_wait3A_219 = tpu.memref_slice %arg2[%dma_wait3A_217, %dma_wait3A_218] : memref<10000x128xf32, #tpu.memory_space<hbm>> -> memref<10000x128xf32, #tpu.memory_space<hbm>>
        tpu.wait_indirect_dma semaphore(%arg13 : memref<!tpu.dma_semaphore, #tpu.memory_space<semaphore_mem>>) src(%dma_wait3A_219 : memref<10000x128xf32, #tpu.memory_space<hbm>>) dst(%arg10 : memref<80x128xf32, #tpu.memory_space<vmem>>)
        %dma_start3A_220 = arith.constant 0 : i32
        %dma_start3A_221 = tpu.memref_slice %arg9[%add3A_197, %dma_start3A_220] : memref<25x80xi32, #tpu.memory_space<vmem>> -> memref<1x80xi32, #tpu.memory_space<vmem>>
        %dma_start3A_222 = tpu.memref_squeeze %dma_start3A_221 : memref<1x80xi32, #tpu.memory_space<vmem>> -> memref<80xi32, #tpu.memory_space<vmem>>
        %dma_start3A_223 = arith.constant 0 : i32
        %dma_start3A_224 = arith.constant 0 : i32
        %dma_start3A_225 = tpu.memref_slice %arg7[%dma_start3A_223, %dma_start3A_224] : memref<10240x128xf32, #tpu.memory_space<vmem_shared>> -> memref<10240x128xf32, #tpu.memory_space<vmem_shared>>
        tpu.enqueue_indirect_dma source(%arg10 : memref<80x128xf32, #tpu.memory_space<vmem>>) target(%dma_start3A_225 : memref<10240x128xf32, #tpu.memory_space<vmem_shared>>) offsets(%dma_start3A_222 : memref<80xi32, #tpu.memory_space<vmem>>) semaphore(%arg16 : memref<!tpu.dma_semaphore, #tpu.memory_space<semaphore_mem>>) {add = true}
      }
      %scan3A_54 = arith.constant 7 : i32
      %dma_wait3A_55 = arith.constant 21 : i32
      %dma_wait3A_56 = arith.constant 0 : i32
      %dma_wait3A_57 = tpu.memref_slice %arg9[%dma_wait3A_55, %dma_wait3A_56] : memref<25x80xi32, #tpu.memory_space<vmem>> -> memref<1x80xi32, #tpu.memory_space<vmem>>
      %dma_wait3A_58 = tpu.memref_squeeze %dma_wait3A_57 : memref<1x80xi32, #tpu.memory_space<vmem>> -> memref<80xi32, #tpu.memory_space<vmem>>
      %dma_wait3A_59 = arith.constant 0 : i32
      %dma_wait3A_60 = arith.constant 0 : i32
      %dma_wait3A_61 = tpu.memref_slice %arg7[%dma_wait3A_59, %dma_wait3A_60] : memref<10240x128xf32, #tpu.memory_space<vmem_shared>> -> memref<10240x128xf32, #tpu.memory_space<vmem_shared>>
      tpu.wait_indirect_dma semaphore(%arg16 : memref<!tpu.dma_semaphore, #tpu.memory_space<semaphore_mem>>) src(%arg10 : memref<80x128xf32, #tpu.memory_space<vmem>>) dst(%dma_wait3A_61 : memref<10240x128xf32, #tpu.memory_space<vmem_shared>>)
      %dma_start3A_62 = arith.constant 24 : i32
      %dma_start3A_63 = arith.constant 0 : i32
      %dma_start3A_64 = tpu.memref_slice %arg8[%dma_start3A_62, %dma_start3A_63] : memref<25x80xi32, #tpu.memory_space<vmem>> -> memref<1x80xi32, #tpu.memory_space<vmem>>
      %dma_start3A_65 = tpu.memref_squeeze %dma_start3A_64 : memref<1x80xi32, #tpu.memory_space<vmem>> -> memref<80xi32, #tpu.memory_space<vmem>>
      %dma_start3A_66 = arith.constant 0 : i32
      %dma_start3A_67 = arith.constant 0 : i32
      %dma_start3A_68 = tpu.memref_slice %arg2[%dma_start3A_66, %dma_start3A_67] : memref<10000x128xf32, #tpu.memory_space<hbm>> -> memref<10000x128xf32, #tpu.memory_space<hbm>>
      tpu.enqueue_indirect_dma source(%dma_start3A_68 : memref<10000x128xf32, #tpu.memory_space<hbm>>) target(%arg10 : memref<80x128xf32, #tpu.memory_space<vmem>>) offsets(%dma_start3A_65 : memref<80xi32, #tpu.memory_space<vmem>>) semaphore(%arg13 : memref<!tpu.dma_semaphore, #tpu.memory_space<semaphore_mem>>)
      %dma_wait3A_69 = arith.constant 22 : i32
      %dma_wait3A_70 = arith.constant 0 : i32
      %dma_wait3A_71 = tpu.memref_slice %arg8[%dma_wait3A_69, %dma_wait3A_70] : memref<25x80xi32, #tpu.memory_space<vmem>> -> memref<1x80xi32, #tpu.memory_space<vmem>>
      %dma_wait3A_72 = tpu.memref_squeeze %dma_wait3A_71 : memref<1x80xi32, #tpu.memory_space<vmem>> -> memref<80xi32, #tpu.memory_space<vmem>>
      %dma_wait3A_73 = arith.constant 0 : i32
      %dma_wait3A_74 = arith.constant 0 : i32
      %dma_wait3A_75 = tpu.memref_slice %arg2[%dma_wait3A_73, %dma_wait3A_74] : memref<10000x128xf32, #tpu.memory_space<hbm>> -> memref<10000x128xf32, #tpu.memory_space<hbm>>
      tpu.wait_indirect_dma semaphore(%arg14 : memref<!tpu.dma_semaphore, #tpu.memory_space<semaphore_mem>>) src(%dma_wait3A_75 : memref<10000x128xf32, #tpu.memory_space<hbm>>) dst(%arg11 : memref<80x128xf32, #tpu.memory_space<vmem>>)
      %dma_start3A_76 = arith.constant 22 : i32
      %dma_start3A_77 = arith.constant 0 : i32
      %dma_start3A_78 = tpu.memref_slice %arg9[%dma_start3A_76, %dma_start3A_77] : memref<25x80xi32, #tpu.memory_space<vmem>> -> memref<1x80xi32, #tpu.memory_space<vmem>>
      %dma_start3A_79 = tpu.memref_squeeze %dma_start3A_78 : memref<1x80xi32, #tpu.memory_space<vmem>> -> memref<80xi32, #tpu.memory_space<vmem>>
      %dma_start3A_80 = arith.constant 0 : i32
      %dma_start3A_81 = arith.constant 0 : i32
      %dma_start3A_82 = tpu.memref_slice %arg7[%dma_start3A_80, %dma_start3A_81] : memref<10240x128xf32, #tpu.memory_space<vmem_shared>> -> memref<10240x128xf32, #tpu.memory_space<vmem_shared>>
      tpu.enqueue_indirect_dma source(%arg11 : memref<80x128xf32, #tpu.memory_space<vmem>>) target(%dma_start3A_82 : memref<10240x128xf32, #tpu.memory_space<vmem_shared>>) offsets(%dma_start3A_79 : memref<80xi32, #tpu.memory_space<vmem>>) semaphore(%arg17 : memref<!tpu.dma_semaphore, #tpu.memory_space<semaphore_mem>>) {add = true}
      %dma_wait3A_83 = arith.constant 22 : i32
      %dma_wait3A_84 = arith.constant 0 : i32
      %dma_wait3A_85 = tpu.memref_slice %arg9[%dma_wait3A_83, %dma_wait3A_84] : memref<25x80xi32, #tpu.memory_space<vmem>> -> memref<1x80xi32, #tpu.memory_space<vmem>>
      %dma_wait3A_86 = tpu.memref_squeeze %dma_wait3A_85 : memref<1x80xi32, #tpu.memory_space<vmem>> -> memref<80xi32, #tpu.memory_space<vmem>>
      %dma_wait3A_87 = arith.constant 0 : i32
      %dma_wait3A_88 = arith.constant 0 : i32
      %dma_wait3A_89 = tpu.memref_slice %arg7[%dma_wait3A_87, %dma_wait3A_88] : memref<10240x128xf32, #tpu.memory_space<vmem_shared>> -> memref<10240x128xf32, #tpu.memory_space<vmem_shared>>
      tpu.wait_indirect_dma semaphore(%arg17 : memref<!tpu.dma_semaphore, #tpu.memory_space<semaphore_mem>>) src(%arg11 : memref<80x128xf32, #tpu.memory_space<vmem>>) dst(%dma_wait3A_89 : memref<10240x128xf32, #tpu.memory_space<vmem_shared>>)
      %dma_wait3A_90 = arith.constant 23 : i32
      %dma_wait3A_91 = arith.constant 0 : i32
      %dma_wait3A_92 = tpu.memref_slice %arg8[%dma_wait3A_90, %dma_wait3A_91] : memref<25x80xi32, #tpu.memory_space<vmem>> -> memref<1x80xi32, #tpu.memory_space<vmem>>
      %dma_wait3A_93 = tpu.memref_squeeze %dma_wait3A_92 : memref<1x80xi32, #tpu.memory_space<vmem>> -> memref<80xi32, #tpu.memory_space<vmem>>
      %dma_wait3A_94 = arith.constant 0 : i32
      %dma_wait3A_95 = arith.constant 0 : i32
      %dma_wait3A_96 = tpu.memref_slice %arg2[%dma_wait3A_94, %dma_wait3A_95] : memref<10000x128xf32, #tpu.memory_space<hbm>> -> memref<10000x128xf32, #tpu.memory_space<hbm>>
      tpu.wait_indirect_dma semaphore(%arg15 : memref<!tpu.dma_semaphore, #tpu.memory_space<semaphore_mem>>) src(%dma_wait3A_96 : memref<10000x128xf32, #tpu.memory_space<hbm>>) dst(%arg12 : memref<80x128xf32, #tpu.memory_space<vmem>>)
      %dma_start3A_97 = arith.constant 23 : i32
      %dma_start3A_98 = arith.constant 0 : i32
      %dma_start3A_99 = tpu.memref_slice %arg9[%dma_start3A_97, %dma_start3A_98] : memref<25x80xi32, #tpu.memory_space<vmem>> -> memref<1x80xi32, #tpu.memory_space<vmem>>
      %dma_start3A_100 = tpu.memref_squeeze %dma_start3A_99 : memref<1x80xi32, #tpu.memory_space<vmem>> -> memref<80xi32, #tpu.memory_space<vmem>>
      %dma_start3A_101 = arith.constant 0 : i32
      %dma_start3A_102 = arith.constant 0 : i32
      %dma_start3A_103 = tpu.memref_slice %arg7[%dma_start3A_101, %dma_start3A_102] : memref<10240x128xf32, #tpu.memory_space<vmem_shared>> -> memref<10240x128xf32, #tpu.memory_space<vmem_shared>>
      tpu.enqueue_indirect_dma source(%arg12 : memref<80x128xf32, #tpu.memory_space<vmem>>) target(%dma_start3A_103 : memref<10240x128xf32, #tpu.memory_space<vmem_shared>>) offsets(%dma_start3A_100 : memref<80xi32, #tpu.memory_space<vmem>>) semaphore(%arg18 : memref<!tpu.dma_semaphore, #tpu.memory_space<semaphore_mem>>) {add = true}
      %dma_wait3A_104 = arith.constant 23 : i32
      %dma_wait3A_105 = arith.constant 0 : i32
      %dma_wait3A_106 = tpu.memref_slice %arg9[%dma_wait3A_104, %dma_wait3A_105] : memref<25x80xi32, #tpu.memory_space<vmem>> -> memref<1x80xi32, #tpu.memory_space<vmem>>
      %dma_wait3A_107 = tpu.memref_squeeze %dma_wait3A_106 : memref<1x80xi32, #tpu.memory_space<vmem>> -> memref<80xi32, #tpu.memory_space<vmem>>
      %dma_wait3A_108 = arith.constant 0 : i32
      %dma_wait3A_109 = arith.constant 0 : i32
      %dma_wait3A_110 = tpu.memref_slice %arg7[%dma_wait3A_108, %dma_wait3A_109] : memref<10240x128xf32, #tpu.memory_space<vmem_shared>> -> memref<10240x128xf32, #tpu.memory_space<vmem_shared>>
      tpu.wait_indirect_dma semaphore(%arg18 : memref<!tpu.dma_semaphore, #tpu.memory_space<semaphore_mem>>) src(%arg12 : memref<80x128xf32, #tpu.memory_space<vmem>>) dst(%dma_wait3A_110 : memref<10240x128xf32, #tpu.memory_space<vmem_shared>>)
      %dma_wait3A_111 = arith.constant 24 : i32
      %dma_wait3A_112 = arith.constant 0 : i32
      %dma_wait3A_113 = tpu.memref_slice %arg8[%dma_wait3A_111, %dma_wait3A_112] : memref<25x80xi32, #tpu.memory_space<vmem>> -> memref<1x80xi32, #tpu.memory_space<vmem>>
      %dma_wait3A_114 = tpu.memref_squeeze %dma_wait3A_113 : memref<1x80xi32, #tpu.memory_space<vmem>> -> memref<80xi32, #tpu.memory_space<vmem>>
      %dma_wait3A_115 = arith.constant 0 : i32
      %dma_wait3A_116 = arith.constant 0 : i32
      %dma_wait3A_117 = tpu.memref_slice %arg2[%dma_wait3A_115, %dma_wait3A_116] : memref<10000x128xf32, #tpu.memory_space<hbm>> -> memref<10000x128xf32, #tpu.memory_space<hbm>>
      tpu.wait_indirect_dma semaphore(%arg13 : memref<!tpu.dma_semaphore, #tpu.memory_space<semaphore_mem>>) src(%dma_wait3A_117 : memref<10000x128xf32, #tpu.memory_space<hbm>>) dst(%arg10 : memref<80x128xf32, #tpu.memory_space<vmem>>)
      %dma_start3A_118 = arith.constant 24 : i32
      %dma_start3A_119 = arith.constant 0 : i32
      %dma_start3A_120 = tpu.memref_slice %arg9[%dma_start3A_118, %dma_start3A_119] : memref<25x80xi32, #tpu.memory_space<vmem>> -> memref<1x80xi32, #tpu.memory_space<vmem>>
      %dma_start3A_121 = tpu.memref_squeeze %dma_start3A_120 : memref<1x80xi32, #tpu.memory_space<vmem>> -> memref<80xi32, #tpu.memory_space<vmem>>
      %dma_start3A_122 = arith.constant 0 : i32
      %dma_start3A_123 = arith.constant 0 : i32
      %dma_start3A_124 = tpu.memref_slice %arg7[%dma_start3A_122, %dma_start3A_123] : memref<10240x128xf32, #tpu.memory_space<vmem_shared>> -> memref<10240x128xf32, #tpu.memory_space<vmem_shared>>
      tpu.enqueue_indirect_dma source(%arg10 : memref<80x128xf32, #tpu.memory_space<vmem>>) target(%dma_start3A_124 : memref<10240x128xf32, #tpu.memory_space<vmem_shared>>) offsets(%dma_start3A_121 : memref<80xi32, #tpu.memory_space<vmem>>) semaphore(%arg16 : memref<!tpu.dma_semaphore, #tpu.memory_space<semaphore_mem>>) {add = true}
      %dma_wait3A_125 = arith.constant 24 : i32
      %dma_wait3A_126 = arith.constant 0 : i32
      %dma_wait3A_127 = tpu.memref_slice %arg9[%dma_wait3A_125, %dma_wait3A_126] : memref<25x80xi32, #tpu.memory_space<vmem>> -> memref<1x80xi32, #tpu.memory_space<vmem>>
      %dma_wait3A_128 = tpu.memref_squeeze %dma_wait3A_127 : memref<1x80xi32, #tpu.memory_space<vmem>> -> memref<80xi32, #tpu.memory_space<vmem>>
      %dma_wait3A_129 = arith.constant 0 : i32
      %dma_wait3A_130 = arith.constant 0 : i32
      %dma_wait3A_131 = tpu.memref_slice %arg7[%dma_wait3A_129, %dma_wait3A_130] : memref<10240x128xf32, #tpu.memory_space<vmem_shared>> -> memref<10240x128xf32, #tpu.memory_space<vmem_shared>>
      tpu.wait_indirect_dma semaphore(%arg16 : memref<!tpu.dma_semaphore, #tpu.memory_space<semaphore_mem>>) src(%arg10 : memref<80x128xf32, #tpu.memory_space<vmem>>) dst(%dma_wait3A_131 : memref<10240x128xf32, #tpu.memory_space<vmem_shared>>)
    }
    %scan3A_9 = arith.constant 5 : i32
    %barrier3A_10 = arith.constant 0 : index
    tpu.barrier barrier_id(%barrier3A_10)
    %mul3A_11 = arith.constant 640 : i32
    %mul3A_12 = arith.muli %arg1, %mul3A_11 : i32
    %mul3A_13 = arith.constant 640 : i32
    %mul3A_14 = arith.muli %arg1, %mul3A_13 : i32
    "tpu.region"() ({
      %run_scoped3A = tpu.sem_alloc : memref<!tpu.dma_semaphore, #tpu.memory_space<semaphore_mem>>
      %dma_start3A = arith.constant 0 : i32
      %dma_start3A_15 = tpu.memref_slice %arg6[%arg0, %mul3A_14, %dma_start3A] : memref<2x10240x128xf32, #tpu.memory_space<hbm>> -> memref<1x640x128xf32, #tpu.memory_space<hbm>>
      %dma_start3A_16 = tpu.memref_squeeze %dma_start3A_15 : memref<1x640x128xf32, #tpu.memory_space<hbm>> -> memref<640x128xf32, #tpu.memory_space<hbm>>
      %dma_start3A_17 = arith.constant 0 : i32
      %dma_start3A_18 = tpu.memref_slice %arg7[%mul3A_12, %dma_start3A_17] : memref<10240x128xf32, #tpu.memory_space<vmem_shared>> -> memref<640x128xf32, #tpu.memory_space<vmem_shared>>
      tpu.enqueue_dma source(%dma_start3A_18 : memref<640x128xf32, #tpu.memory_space<vmem_shared>>) target(%dma_start3A_16 : memref<640x128xf32, #tpu.memory_space<hbm>>) target_semaphore(%run_scoped3A : memref<!tpu.dma_semaphore, #tpu.memory_space<semaphore_mem>>)
      %dma_wait3A = arith.constant 0 : i32
      %dma_wait3A_19 = tpu.memref_slice %arg6[%arg0, %mul3A_14, %dma_wait3A] : memref<2x10240x128xf32, #tpu.memory_space<hbm>> -> memref<1x640x128xf32, #tpu.memory_space<hbm>>
      %dma_wait3A_20 = tpu.memref_squeeze %dma_wait3A_19 : memref<1x640x128xf32, #tpu.memory_space<hbm>> -> memref<640x128xf32, #tpu.memory_space<hbm>>
      %dma_wait3A_21 = arith.constant 0 : i32
      %dma_wait3A_22 = tpu.memref_slice %arg7[%mul3A_12, %dma_wait3A_21] : memref<10240x128xf32, #tpu.memory_space<vmem_shared>> -> memref<640x128xf32, #tpu.memory_space<vmem_shared>>
      tpu.wait_dma2 semaphore(%run_scoped3A : memref<!tpu.dma_semaphore, #tpu.memory_space<semaphore_mem>>) src(%dma_wait3A_22 : memref<640x128xf32, #tpu.memory_space<vmem_shared>>) dst(%dma_wait3A_20 : memref<640x128xf32, #tpu.memory_space<hbm>>)
      tpu.yield
    }) : () -> ()
    return
  }
}

module attributes {stable_mosaic.version = 14 : i64} {
  func.func @_tc_pre_body(%arg0: i32, %arg1: memref<2000x128xf32, #tpu.memory_space<vmem>>, %arg2: memref<128x128xf32, #tpu.memory_space<vmem>>, %arg3: memref<1x128xf32, #tpu.memory_space<vmem>>, %arg4: memref<2000x128xf32, #tpu.memory_space<vmem>>) attributes {dimension_semantics = [#tpu.dimension_semantics<arbitrary>], iteration_bounds = array<i64: 5>, scalar_prefetch = 0 : i64, scratch_operands = 0 : i64, tpu.core_type = #tpu.core_type<tc>, window_params = [{transform_indices = @transform_0, window_bounds = array<i64: 2000, 128>}, {pipeline_mode = #tpu.pipeline_mode<synchronous>, transform_indices = @transform_1, window_bounds = array<i64: 128, 128>}, {pipeline_mode = #tpu.pipeline_mode<synchronous>, transform_indices = @transform_2, window_bounds = array<i64: 1, 128>}, {transform_indices = @transform_3, window_bounds = array<i64: 2000, 128>}]} {
    %get3A = arith.constant 0 : index
    %get3A_0 = arith.constant 0 : index
    %get3A_1 = vector.load %arg1[%get3A, %get3A_0] : memref<2000x128xf32, #tpu.memory_space<vmem>>, vector<2000x128xf32>
    %get3A_2 = arith.constant 0 : index
    %get3A_3 = arith.constant 0 : index
    %get3A_4 = vector.load %arg2[%get3A_2, %get3A_3] : memref<128x128xf32, #tpu.memory_space<vmem>>, vector<128x128xf32>
    %dot_general3A = arith.constant dense<0.000000e+00> : vector<2000x128xf32>
    %dot_general3A_5 = tpu.matmul %get3A_1, %get3A_4, %dot_general3A {dimension_numbers = #tpu.dot_dimension_numbers<[1], [0], [0], [1], [0, 0, 1, 1], [], []>, transpose_lhs_hint = false} : vector<2000x128xf32>, vector<128x128xf32>, vector<2000x128xf32> -> vector<2000x128xf32>
    %get3A_6 = arith.constant 0 : index
    %get3A_7 = arith.constant 0 : index
    %get3A_8 = vector.load %arg3[%get3A_6, %get3A_7] : memref<1x128xf32, #tpu.memory_space<vmem>>, vector<1x128xf32>
    %add3A = vector.broadcast %get3A_8 : vector<1x128xf32> to vector<2000x128xf32>
    %add3A_9 = arith.addf %dot_general3A_5, %add3A : vector<2000x128xf32>
    %swap3A = arith.constant 0 : index
    %swap3A_10 = arith.constant 0 : index
    %swap3A_11 = vector.load %arg4[%swap3A, %swap3A_10] : memref<2000x128xf32, #tpu.memory_space<vmem>>, vector<2000x128xf32>
    tpu.vector_store %arg4[%swap3A, %swap3A_10], %add3A_9 {strides = array<i32>} : memref<2000x128xf32, #tpu.memory_space<vmem>>, vector<2000x128xf32>,
    return
  }
  func.func @transform_0(%arg0: i32) -> (i32, i32) {
    %c0_i32 = arith.constant 0 : i32
    %c0_i32_0 = arith.constant 0 : i32
    return %arg0, %c0_i32 : i32, i32
  }
  func.func @transform_1(%arg0: i32) -> (i32, i32) {
    %c0_i32 = arith.constant 0 : i32
    %c0_i32_0 = arith.constant 0 : i32
    %c0_i32_1 = arith.constant 0 : i32
    return %c0_i32, %c0_i32_0 : i32, i32
  }
  func.func @transform_2(%arg0: i32) -> (i32, i32) {
    %c0_i32 = arith.constant 0 : i32
    %c0_i32_0 = arith.constant 0 : i32
    %c0_i32_1 = arith.constant 0 : i32
    return %c0_i32, %c0_i32_0 : i32, i32
  }
  func.func @transform_3(%arg0: i32) -> (i32, i32) {
    %c0_i32 = arith.constant 0 : i32
    %c0_i32_0 = arith.constant 0 : i32
    return %arg0, %c0_i32 : i32, i32
  }
}

module attributes {stable_mosaic.version = 14 : i64} {
  func.func @_tc1_body(%arg0: i32, %arg1: memref<2x2000x128xf32, #tpu.memory_space<vmem>>, %arg2: memref<2000x32xf32, #tpu.memory_space<vmem>>, %arg3: memref<2000x128xf32, #tpu.memory_space<vmem>>, %arg4: memref<128x128xf32, #tpu.memory_space<vmem>>, %arg5: memref<2000x128xf32, #tpu.memory_space<vmem>>, %arg6: memref<2000x16xf32, #tpu.memory_space<vmem>>) attributes {dimension_semantics = [#tpu.dimension_semantics<arbitrary>], iteration_bounds = array<i64: 5>, scalar_prefetch = 0 : i64, scratch_operands = 0 : i64, tpu.core_type = #tpu.core_type<tc>, window_params = [{transform_indices = @transform_0, window_bounds = array<i64: 2, 2000, 128>}, {transform_indices = @transform_1, window_bounds = array<i64: 2000, 32>}, {transform_indices = @transform_2, window_bounds = array<i64: 2000, 128>}, {pipeline_mode = #tpu.pipeline_mode<synchronous>, transform_indices = @transform_3, window_bounds = array<i64: 128, 128>}, {transform_indices = @transform_4, window_bounds = array<i64: 2000, 128>}, {transform_indices = @transform_5, window_bounds = array<i64: 2000, 16>}]} {
    %get3A = arith.constant 0 : index
    %get3A_0 = arith.constant 0 : index
    %get3A_1 = vector.load %arg2[%get3A, %get3A_0] : memref<2000x32xf32, #tpu.memory_space<vmem>>, vector<2000x32xf32>
    %reduce_sum3A = arith.constant dense<0.000000e+00> : vector<2000xf32>
    %reduce_sum3A_2 = vector.multi_reduction <add>, %get3A_1, %reduce_sum3A [1] : vector<2000x32xf32> to vector<2000xf32>
    %broadcast_in_dim3A = vector.shape_cast %reduce_sum3A_2 : vector<2000xf32> to vector<2000x1xf32>
    %max3A = arith.constant 1.000000e+00 : f32
    %max3A_3 = vector.broadcast %max3A : f32 to vector<2000x1xf32>
    %max3A_4 = arith.maximumf %broadcast_in_dim3A, %max3A_3 : vector<2000x1xf32>
    %div3A = arith.constant 1.000000e+00 : f32
    %div3A_5 = vector.broadcast %div3A : f32 to vector<2000x1xf32>
    %div3A_6 = arith.divf %div3A_5, %max3A_4 : vector<2000x1xf32>
    %get3A_7 = arith.constant 0 : index
    %get3A_8 = arith.constant 0 : index
    %get3A_9 = arith.constant 0 : index
    %get3A_10 = vector.load %arg1[%get3A_7, %get3A_8, %get3A_9] : memref<2x2000x128xf32, #tpu.memory_space<vmem>>, vector<1x2000x128xf32>
    %get3A_11 = vector.shape_cast %get3A_10 : vector<1x2000x128xf32> to vector<2000x128xf32>
    %get3A_12 = arith.constant 1 : index
    %get3A_13 = arith.constant 0 : index
    %get3A_14 = arith.constant 0 : index
    %get3A_15 = vector.load %arg1[%get3A_12, %get3A_13, %get3A_14] : memref<2x2000x128xf32, #tpu.memory_space<vmem>>, vector<1x2000x128xf32>
    %get3A_16 = vector.shape_cast %get3A_15 : vector<1x2000x128xf32> to vector<2000x128xf32>
    %add3A = arith.addf %get3A_11, %get3A_16 : vector<2000x128xf32>
    %mul3A = vector.broadcast %div3A_6 : vector<2000x1xf32> to vector<2000x128xf32>
    %mul3A_17 = arith.mulf %add3A, %mul3A : vector<2000x128xf32>
    %get3A_18 = arith.constant 0 : index
    %get3A_19 = arith.constant 0 : index
    %get3A_20 = vector.load %arg4[%get3A_18, %get3A_19] : memref<128x128xf32, #tpu.memory_space<vmem>>, vector<128x128xf32>
    %dot_general3A = arith.constant dense<0.000000e+00> : vector<2000x128xf32>
    %dot_general3A_21 = tpu.matmul %mul3A_17, %get3A_20, %dot_general3A {dimension_numbers = #tpu.dot_dimension_numbers<[1], [0], [0], [1], [0, 0, 1, 1], [], []>, transpose_lhs_hint = false} : vector<2000x128xf32>, vector<128x128xf32>, vector<2000x128xf32> -> vector<2000x128xf32>
    %get3A_22 = arith.constant 0 : index
    %get3A_23 = arith.constant 0 : index
    %get3A_24 = vector.load %arg3[%get3A_22, %get3A_23] : memref<2000x128xf32, #tpu.memory_space<vmem>>, vector<2000x128xf32>
    %add3A_25 = arith.addf %dot_general3A_21, %get3A_24 : vector<2000x128xf32>
    %max3A_26 = arith.constant 0.000000e+00 : f32
    %max3A_27 = vector.broadcast %max3A_26 : f32 to vector<2000x128xf32>
    %max3A_28 = arith.maximumf %add3A_25, %max3A_27 : vector<2000x128xf32>
    %swap3A = arith.constant 0 : index
    %swap3A_29 = arith.constant 0 : index
    %swap3A_30 = vector.load %arg5[%swap3A, %swap3A_29] : memref<2000x128xf32, #tpu.memory_space<vmem>>, vector<2000x128xf32>
    tpu.vector_store %arg5[%swap3A, %swap3A_29], %max3A_28 {strides = array<i32>} : memref<2000x128xf32, #tpu.memory_space<vmem>>, vector<2000x128xf32>,
    %broadcast_in_dim3A_31 = vector.shape_cast %div3A_6 : vector<2000x1xf32> to vector<2000x1xf32>
    %broadcast_in_dim3A_32 = vector.broadcast %broadcast_in_dim3A_31 : vector<2000x1xf32> to vector<2000x16xf32>
    %swap3A_33 = arith.constant 0 : index
    %swap3A_34 = arith.constant 0 : index
    %swap3A_35 = vector.load %arg6[%swap3A_33, %swap3A_34] : memref<2000x16xf32, #tpu.memory_space<vmem>>, vector<2000x16xf32>
    tpu.vector_store %arg6[%swap3A_33, %swap3A_34], %broadcast_in_dim3A_32 {strides = array<i32>} : memref<2000x16xf32, #tpu.memory_space<vmem>>, vector<2000x16xf32>,
    return
  }
  func.func @transform_0(%arg0: i32) -> (i32, i32, i32) {
    %c0_i32 = arith.constant 0 : i32
    %c0_i32_0 = arith.constant 0 : i32
    %c0_i32_1 = arith.constant 0 : i32
    return %c0_i32, %arg0, %c0_i32_0 : i32, i32, i32
  }
  func.func @transform_1(%arg0: i32) -> (i32, i32) {
    %c0_i32 = arith.constant 0 : i32
    %c0_i32_0 = arith.constant 0 : i32
    return %arg0, %c0_i32 : i32, i32
  }
  func.func @transform_2(%arg0: i32) -> (i32, i32) {
    %c0_i32 = arith.constant 0 : i32
    %c0_i32_0 = arith.constant 0 : i32
    return %arg0, %c0_i32 : i32, i32
  }
  func.func @transform_3(%arg0: i32) -> (i32, i32) {
    %c0_i32 = arith.constant 0 : i32
    %c0_i32_0 = arith.constant 0 : i32
    %c0_i32_1 = arith.constant 0 : i32
    return %c0_i32, %c0_i32_0 : i32, i32
  }
  func.func @transform_4(%arg0: i32) -> (i32, i32) {
    %c0_i32 = arith.constant 0 : i32
    %c0_i32_0 = arith.constant 0 : i32
    return %arg0, %c0_i32 : i32, i32
  }
  func.func @transform_5(%arg0: i32) -> (i32, i32) {
    %c0_i32 = arith.constant 0 : i32
    %c0_i32_0 = arith.constant 0 : i32
    return %arg0, %c0_i32 : i32, i32
  }
}

module attributes {stable_mosaic.version = 14 : i64} {
  func.func @_tc2_body(%arg0: i32, %arg1: memref<2x2000x128xf32, #tpu.memory_space<vmem>>, %arg2: memref<2000x16xf32, #tpu.memory_space<vmem>>, %arg3: memref<2000x128xf32, #tpu.memory_space<vmem>>, %arg4: memref<128x128xf32, #tpu.memory_space<vmem>>, %arg5: memref<2000x128xf32, #tpu.memory_space<vmem>>) attributes {dimension_semantics = [#tpu.dimension_semantics<arbitrary>], iteration_bounds = array<i64: 5>, scalar_prefetch = 0 : i64, scratch_operands = 0 : i64, tpu.core_type = #tpu.core_type<tc>, window_params = [{transform_indices = @transform_0, window_bounds = array<i64: 2, 2000, 128>}, {transform_indices = @transform_1, window_bounds = array<i64: 2000, 16>}, {transform_indices = @transform_2, window_bounds = array<i64: 2000, 128>}, {pipeline_mode = #tpu.pipeline_mode<synchronous>, transform_indices = @transform_3, window_bounds = array<i64: 128, 128>}, {transform_indices = @transform_4, window_bounds = array<i64: 2000, 128>}]} {
    %get3A = arith.constant 0 : index
    %get3A_0 = arith.constant 0 : index
    %get3A_1 = vector.load %arg2[%get3A, %get3A_0] : memref<2000x16xf32, #tpu.memory_space<vmem>>, vector<2000x1xf32>
    %get3A_2 = arith.constant 0 : index
    %get3A_3 = arith.constant 0 : index
    %get3A_4 = arith.constant 0 : index
    %get3A_5 = vector.load %arg1[%get3A_2, %get3A_3, %get3A_4] : memref<2x2000x128xf32, #tpu.memory_space<vmem>>, vector<1x2000x128xf32>
    %get3A_6 = vector.shape_cast %get3A_5 : vector<1x2000x128xf32> to vector<2000x128xf32>
    %get3A_7 = arith.constant 1 : index
    %get3A_8 = arith.constant 0 : index
    %get3A_9 = arith.constant 0 : index
    %get3A_10 = vector.load %arg1[%get3A_7, %get3A_8, %get3A_9] : memref<2x2000x128xf32, #tpu.memory_space<vmem>>, vector<1x2000x128xf32>
    %get3A_11 = vector.shape_cast %get3A_10 : vector<1x2000x128xf32> to vector<2000x128xf32>
    %add3A = arith.addf %get3A_6, %get3A_11 : vector<2000x128xf32>
    %mul3A = vector.broadcast %get3A_1 : vector<2000x1xf32> to vector<2000x128xf32>
    %mul3A_12 = arith.mulf %add3A, %mul3A : vector<2000x128xf32>
    %get3A_13 = arith.constant 0 : index
    %get3A_14 = arith.constant 0 : index
    %get3A_15 = vector.load %arg4[%get3A_13, %get3A_14] : memref<128x128xf32, #tpu.memory_space<vmem>>, vector<128x128xf32>
    %dot_general3A = arith.constant dense<0.000000e+00> : vector<2000x128xf32>
    %dot_general3A_16 = tpu.matmul %mul3A_12, %get3A_15, %dot_general3A {dimension_numbers = #tpu.dot_dimension_numbers<[1], [0], [0], [1], [0, 0, 1, 1], [], []>, transpose_lhs_hint = false} : vector<2000x128xf32>, vector<128x128xf32>, vector<2000x128xf32> -> vector<2000x128xf32>
    %get3A_17 = arith.constant 0 : index
    %get3A_18 = arith.constant 0 : index
    %get3A_19 = vector.load %arg3[%get3A_17, %get3A_18] : memref<2000x128xf32, #tpu.memory_space<vmem>>, vector<2000x128xf32>
    %add3A_20 = arith.addf %dot_general3A_16, %get3A_19 : vector<2000x128xf32>
    %max3A = arith.constant 0.000000e+00 : f32
    %max3A_21 = vector.broadcast %max3A : f32 to vector<2000x128xf32>
    %max3A_22 = arith.maximumf %add3A_20, %max3A_21 : vector<2000x128xf32>
    %swap3A = arith.constant 0 : index
    %swap3A_23 = arith.constant 0 : index
    %swap3A_24 = vector.load %arg5[%swap3A, %swap3A_23] : memref<2000x128xf32, #tpu.memory_space<vmem>>, vector<2000x128xf32>
    tpu.vector_store %arg5[%swap3A, %swap3A_23], %max3A_22 {strides = array<i32>} : memref<2000x128xf32, #tpu.memory_space<vmem>>, vector<2000x128xf32>,
    return
  }
  func.func @transform_0(%arg0: i32) -> (i32, i32, i32) {
    %c0_i32 = arith.constant 0 : i32
    %c0_i32_0 = arith.constant 0 : i32
    %c0_i32_1 = arith.constant 0 : i32
    return %c0_i32, %arg0, %c0_i32_0 : i32, i32, i32
  }
  func.func @transform_1(%arg0: i32) -> (i32, i32) {
    %c0_i32 = arith.constant 0 : i32
    %c0_i32_0 = arith.constant 0 : i32
    return %arg0, %c0_i32 : i32, i32
  }
  func.func @transform_2(%arg0: i32) -> (i32, i32) {
    %c0_i32 = arith.constant 0 : i32
    %c0_i32_0 = arith.constant 0 : i32
    return %arg0, %c0_i32 : i32, i32
  }
  func.func @transform_3(%arg0: i32) -> (i32, i32) {
    %c0_i32 = arith.constant 0 : i32
    %c0_i32_0 = arith.constant 0 : i32
    %c0_i32_1 = arith.constant 0 : i32
    return %c0_i32, %c0_i32_0 : i32, i32
  }
  func.func @transform_4(%arg0: i32) -> (i32, i32) {
    %c0_i32 = arith.constant 0 : i32
    %c0_i32_0 = arith.constant 0 : i32
    return %arg0, %c0_i32 : i32, i32
  }
}

</mosaic_0001>

<sc_bundles>
// kernel: kernel.11.cloned.1.call-start
scs
__scs_entry_jumppad:
0x0: {  	(pc) =	sbr.rel $0x88, $3  }
0x1: {  	(tag) =	ssettag $0x0;
	lr =	simm.s32 $0x1  }
0x2: {  	[smem:$0x3F99] =	sst lr;
	_ =	strace $0xD0000000  }
0x3: {  	_ = 	snop  }
0x4: {  	_ = 	snop  }
0x5: {  	_ = 	snop  }
0x6: {  	_ = 	snop  }
0x7: {  	_ = 	snop  }
__scs_overlays_trampoline_lowered:
0x8: {  	[smem:$0x3FA8] =	sst s0  }
0x9: {  	[smem:$0x3FA9] =	sst s1  }
0xa: {  	[smem:$0x3FAA] =	sst s2  }
0xb: {  	[smem:$0x3FAB] =	sst s3  }
0xc: {  	[smem:$0x3FAC] =	sst s4  }
0xd: {  	[smem:$0x3FAD] =	sst s5  }
0xe: {  	[smem:$0x3FAE] =	sst s6  }
0xf: {  	[smem:$0x3FAF] =	sst s7  }
0x10: {  	[smem:$0x3FB0] =	sst s8  }
0x11: {  	[smem:$0x3FB1] =	sst s9;
	s0 =	simm.s32 @!p0 $0x0  }
0x12: {  	s1 =	sld [smem:$0x3F97];
	s0 =	simm.s32 @p0 $0x1  }
0x13: {  	[smem:$0x3FB2] =	sst s0;
	s0 =	simm.s32 @!p1 $0x0  }
0x14: {  	s2 =	sld [smem:$0x3F96];
	s0 =	simm.s32 @p1 $0x1  }
0x15: {  	[smem:$0x3FB3] =	sst s0;
	s0 =	simm.s32 @!p2 $0x0  }
0x16: {  	s3 =	sld [smem:$0x3FDB];
	s0 =	simm.s32 @p2 $0x1  }
0x17: {  	s4 =	simm.s32 $0x1BF5;
	[smem:$0x3FB5] =	sst s0  }
0x18: {  	s0 =	sld [smem:$0x3F98];
	_ =	swait.ge [sflag:s4], $0x0  }
0x19: {  	s7 =	sld [smem:$0x3F99]  }
0x1a: {  	s8 =	sadd.s32 $0xFFFFE003, lr  }
0x1b: {  	s9 =	sadd.s32 $0xFFFFFEF7, lr;
	s5 =	simm.s32 $0xFFFFFFFF;
	p2 =	slt.u32 s8, $0xFFFFF086  }
0x1c: {  	p1 =	slt.u32 s9, $0xF7A;
	s5 =	simm.s32 @!p2 $0x0  }
0x1d: {  	s5 =	simm.s32 @p1 $0x1;
	p0 =	seq.s32 s7, s2  }
0x1e: {  	s7 =	smul.u32 @!p0 $0xF7A, s2;
	p2 =	seq.s32 @!p0 s5, $0x0  }
0x1f: {  	s9 =	smul.u32 $0xF7A, s1;
	s8 =	simm.s32 @!p0 $0x1BF5;
	p2 =	por !p2, p0  }
0x20: {  	[sflag:s8] =	ssyncset.s32 @!p0 $0xFFFFF086;
	s6 =	sadd.s32 @!p0 s3, s7;
	s7 =	simm.s32 @!p0 $0x108  }
0x21: {  	s3 =	sadd.s32 s3, s9;
	s6 =	sadd.s32 @!p0 $0x88, s6;
	s7 =	simm.s32 @p2 $0x1082  }
0x22: {  	[simem:s7], [sflag:s8] =	dma.local @!p0 [hbm:s6], $0xF7A  }
0x23: {  	s9 =	sor.u32 $0xD0000000, s2;
	s6 =	simm.s32 $0x108;
	_ =	swait.ge @!p0 [sflag:s8], $0x0  }
0x24: {  	s3 =	sadd.s32 $0x88, s3;
	s6 =	simm.s32 @!p1 $0x1082;
	[sflag:s4] =	ssyncset.s32 $0xFFFFF086  }
0x25: {  	[simem:s6], [sflag:s4] =	dma.local [hbm:s3], $0xF7A  }
0x26: {  	[smem:$0x3F99] =	sst s1;
	(tag) =	ssettag s2;
	_ =	strace s9  }
0x27: {  	s1 =	sld [smem:$0x3FA9]  }
0x28: {  	s2 =	sld [smem:$0x3FAA]  }
0x29: {  	s4 =	sld [smem:$0x3FAC]  }
0x2a: {  	p0 =	seq.s32 s5, $0x0;
	s5 =	sld [smem:$0x3FAD]  }
0x2b: {  	s6 =	sld [smem:$0x3FAE]  }
0x2c: {  	s7 =	sld [smem:$0x3FAF]  }
0x2d: {  	s3 =	simm.s32 $0x108;
	s8 =	sld [smem:$0x3FB0]  }
0x2e: {  	s3 =	simm.s32 @!p0 $0x1082;
	s9 =	sld [smem:$0x3FB1]  }
0x2f: {  	lr =	sadd.s32 s0, s3;
	s0 =	sld [smem:$0x3FA8]  }
0x30: {  	s3 =	sld [smem:$0x3FAB]  }
0x31: {  	[smem:$0x3FB4] =	sst s10  }
0x32: {  	s10 =	sld [smem:$0x3FB2];
	_ =	sdelay $0x3  }
0x33: {  	p0 =	seq.s32 s10, $0x1;
	s10 =	sld [smem:$0x3FB4];
	_ =	sdelay $0x3  }
0x34: {  	[smem:$0x3FB4] =	sst s10  }
0x35: {  	s10 =	sld [smem:$0x3FB3];
	_ =	sdelay $0x3  }
0x36: {  	p1 =	seq.s32 s10, $0x1;
	s10 =	sld [smem:$0x3FB4];
	_ =	sdelay $0x3  }
0x37: {  	[smem:$0x3FB4] =	sst s10  }
0x38: {  	s10 =	sld [smem:$0x3FB5]  }
0x39: {  	_ = 	snop;
	(pc) =	sbr.ind lr, $3  }
0x3a: {  	_ = 	snop  }
0x3b: {  	_ = 	snop  }
0x3c: {  	p2 =	seq.s32 s10, $0x1;
	s10 =	sld [smem:$0x3FB4]  }
0x3d: {  	_ =	shalt  }
0x3e: {  	_ =	shalt  }
0x3f: {  	_ =	shalt  }
0x40: {  	_ =	shalt  }
0x41: {  	_ =	shalt  }
0x42: {  	_ =	shalt  }
0x43: {  	_ =	shalt  }
0x44: {  	_ =	shalt  }
0x45: {  	_ =	shalt  }
0x46: {  	_ =	shalt  }
0x47: {  	_ =	shalt  }
0x48: {  	_ =	shalt  }
0x49: {  	_ =	shalt  }
0x4a: {  	_ =	shalt  }
0x4b: {  	_ =	shalt  }
0x4c: {  	_ =	shalt  }
0x4d: {  	_ =	shalt  }
0x4e: {  	_ =	shalt  }
0x4f: {  	_ =	shalt  }
0x50: {  	_ =	shalt  }
0x51: {  	_ =	shalt  }
0x52: {  	_ =	shalt  }
0x53: {  	_ =	shalt  }
0x54: {  	_ =	shalt  }
0x55: {  	_ =	shalt  }
0x56: {  	_ =	shalt  }
0x57: {  	_ =	shalt  }
0x58: {  	_ =	shalt  }
0x59: {  	_ =	shalt  }
0x5a: {  	_ =	shalt  }
0x5b: {  	_ =	shalt  }
0x5c: {  	_ =	shalt  }
0x5d: {  	_ =	shalt  }
0x5e: {  	_ =	shalt  }
0x5f: {  	_ =	shalt  }
0x60: {  	_ =	shalt  }
0x61: {  	_ =	shalt  }
0x62: {  	_ =	shalt  }
0x63: {  	_ =	shalt  }
0x64: {  	_ =	shalt  }
0x65: {  	_ =	shalt  }
0x66: {  	_ =	shalt  }
0x67: {  	_ =	shalt  }
0x68: {  	_ =	shalt  }
0x69: {  	_ =	shalt  }
0x6a: {  	_ =	shalt  }
0x6b: {  	_ =	shalt  }
0x6c: {  	_ =	shalt  }
0x6d: {  	_ =	shalt  }
0x6e: {  	_ =	shalt  }
0x6f: {  	_ =	shalt  }
0x70: {  	_ =	shalt  }
0x71: {  	_ =	shalt  }
0x72: {  	_ =	shalt  }
0x73: {  	_ =	shalt  }
0x74: {  	_ =	shalt  }
0x75: {  	_ =	shalt  }
0x76: {  	_ =	shalt  }
0x77: {  	_ =	shalt  }
0x78: {  	_ =	shalt  }
0x79: {  	_ =	shalt  }
0x7a: {  	_ =	shalt  }
0x7b: {  	_ =	shalt  }
0x7c: {  	_ =	shalt  }
0x7d: {  	_ =	shalt  }
0x7e: {  	_ =	shalt  }
0x7f: {  	_ =	shalt  }
0x80: {  	_ =	shalt  }
0x81: {  	_ =	shalt  }
0x82: {  	_ =	shalt  }
0x83: {  	_ =	shalt  }
0x84: {  	_ =	shalt  }
0x85: {  	_ =	shalt  }
0x86: {  	_ =	shalt  }
0x87: {  	_ =	shalt  }
.Lfunc_end0:
.L_simem_size_0:
called_computation.1_lowered:
.L_overlay_start_0:
0x88: {  	s2 =	sld [smem:$0x3FD9]  }
0x89: {  	s3 =	sld [smem:$0x3FFE];
	_ =	sdelay $0x1  }
0x8a: {  	s1 =	srdreg.scid  }
0x8b: {  	s0 =	sand.u32 $0x1, s1  }
0x8c: {  	s17 =	sshll.u32 s0, $0xA;
	s2 =	sadd.s32 s3, s2  }
0x8d: {  	s2 =	sadd.s32 s2, s17  }
0x8e: {  	[smem:$0x3FC0] =	sst s2  }
0x8f: {  	_ = 	snop  }
0x90: {  	s2 =	sld [smem:$0x3FD0];
	(tm) =	ssettm $0x1  }
0x91: {  	s18 =	sld [smem:$0x3FFB];
	_ =	sdelay $0x3  }
0x92: {  	_ =	strace s18  }
0x93: {  	s3 =	sld [smem:$0x3FFC];
	_ =	sdelay $0x3  }
0x94: {  	_ =	strace s3  }
0x95: {  	s3 =	sld [smem:$0x3FFD];
	_ =	sdelay $0x3  }
0x96: {  	_ =	strace s3  }
0x97: {  	_ =	strace $0x8FFFFFFF  }
0x98: {  	s19 =	sld [smem:$0x3FDB];
	_ =	sdelay $0x1  }
0x99: {  	s4 =	simm.s32 $_scs_section_size  }
0x9a: {  	s5 =	simm.s32 $_size__tile_overlayer_lowered;
	s6 =	simm.s32 $_tile_overlayer_lowered  }
0x9b: {  	s22 =	simm.s32 $0x1BFF;
	s21 =	sshll.u32 s6, $0x1;
	s3 =	sadd.s32 s4, s19  }
0x9c: {  	s7 =	simm.s32 $0x0;
	s20 =	sshll.u32 s5, $0x1;
	s5 =	sadd.s32 s21, s3  }
0x9d: {  	[timem:s7], [sflag:s22] =	dma.local [hbm:s5], s20  }
0x9e: {  	_ =	swait.ge [sflag:s22], s20  }
0x9f: {  	s4 =	ssub.s32 $0x0, s20;
	[sflag:s22] =	ssyncset.done $0x0  }
0xa0: {  	[sflag:s22] =	ssyncadd.s32 s4;
	_ =	sdelay $0x1  }
0xa1: {  	s23 =	simm.s32 $0x1B8B  }
0xa2: {  	_ =	swait.ge [sflag:s23], $0x1  }
0xa3: {  	[sflag:s23] =	ssyncset.done $0x0  }
0xa4: {  	s25 =	simm.s32 $0x1B8E;
	s24 =	sld [smem:$0x3FFE];
	[sflag:s23] =	ssyncadd.s32 $0xFFFFFFFF  }
0xa5: {  	s26 =	simm.s32 $execute0_lowered;
	[smem:$0x3FD2] =	sst s25  }
0xa6: {  	s5 =	sshll.u32 s26, $0x1;
	_ =	strace $0x80000049;
	[dreg:$0x1] =	wrdreg $0xFFFFFFFF  }
0xa7: {  	s28 =	simm.s32 $_size_execute0_lowered;
	s3 =	sadd.s32 s3, s5;
	[dreg:$0x0] =	wrdreg $0x0  }
0xa8: {  	s5 =	sshll.u32 s28, $0x1;
	[dreg:$0x2] =	wrdreg s3  }
0xa9: {  	[dreg:$0x3] =	wrdreg s5  }
0xaa: {  	[dreg:$0x4] =	wrdreg $0xC0  }
0xab: {  	_ =	task [dreg:s7], $0x5FFFF  }
0xac: {  	[dreg:$0x1] =	wrdreg $0xFFFFFFFF  }
0xad: {  	[dreg:$0x0] =	wrdreg $0x60  }
0xae: {  	[dreg:$0x2] =	wrdreg s2  }
0xaf: {  	[dreg:$0x3] =	wrdreg s24  }
0xb0: {  	[dreg:$0x4] =	wrdreg $0x0  }
0xb1: {  	[dreg:$0x5] =	wrdreg $0x9  }
0xb2: {  	_ =	task.clear_ibuf [dreg:s7], $0x6FFFF;
	_ =	strace $0x90000049  }
0xb3: {  	s29 =	simm.s32 $0x9;
	_ =	strace $0x8000004B  }
0xb4: {  	_ =	swait.ge [sflag:s29], $0x1  }
0xb5: {  	[sflag:s29] =	ssyncadd.s32 $0xFFFFFFFF  }
0xb6: {  	_ =	strace $0x9000004B  }
0xb7: {  	_ =	sfence  }
0xb8: {  	s30 =	sld [smem:$0x0];
	_ =	sdelay $0x2  }
0xb9: {  	s31 =	sshll.u32 s1, $0xD;
	s1 =	sshrl.u32 s1, $0x2  }
0xba: {  	s3 =	sand.u32 $0x4000, s31;
	s1 =	sadd.s32 s1, s30  }
0xbb: {  	s0 =	sor.u32 s3, s0;
	s1 =	sshll.u32 s1, $0x11  }
0xbc: {  	s0 =	sor.u32 s1, s0  }
0xbd: {  	s0 =	sadd.s32 $0x8F2B, s0  }
0xbe: {  	[sflag:s0] =	ssyncadd.remote.s32 $0x1  }
0xbf: {  	_ =	sfence.sel $0xFFFF  }
0xc0: {  	[dreg:$0x0] =	wrdreg $0xFFFFFFFF;
	(pc) =	sbr.abs _section_cstart, $3  }
0xc1: {  	[dreg:$0x1] =	wrdreg $0xFFFFFFFF  }
0xc2: {  	_ =	task.clear_ibuf [dreg:s7], $0x2FFFF;
	_ =	strace $0x9FFFFFFF  }
0xc3: {  	(tm) =	ssettm $0x7FFFFFFF  }
tec
execute0_lowered:
.L_overlay_start_1:
0x0: {  	(tag) =	ssettag $0x1  }
0x1: {  	s0 =	srdreg.scid;
	s9 =	stileid.u32  }
0x2: {  	s0 =	sand.u32 $0x1, s0;
	s1 =	smul.u32 $0xA000, s9  }
0x3: {  	s2 =	rddreg [dreg:$0x0];
	s4 =	smul.u32 $0x5000, s0  }
0x4: {  	s5 =	rddreg [dreg:$0x1]  }
0x5: {  	s3 =	rddreg [dreg:$0x2];
	s1 =	sadd.s32 s4, s1;
	s4 =	simm.s32 $0x0  }
0x6: {  	s20 =	simm.s32 $0x14080;
	[smem:$0x7FF] =	sst s4  }
0x7: {  	s21 =	simm.s32 $0x14100;
	_ =	strace $0x8000004A;
	[dreg:$0x6] =	wrdreg s20  }
0x8: {  	s22 =	simm.s32 $0x14180;
	[dreg:$0x7] =	wrdreg s21  }
0x9: {  	s23 =	simm.s32 $0x15080;
	[dreg:$0x8] =	wrdreg s22  }
0xa: {  	s24 =	simm.s32 $0x14200;
	[dreg:$0x9] =	wrdreg s23  }
0xb: {  	s25 =	simm.s32 $0x15100;
	s10 =	simm.s32 $0x14280;
	[dreg:$0xa] =	wrdreg s24  }
0xc: {  	s11 =	simm.s32 $0x15180;
	s12 =	simm.s32 $0x14300;
	[dreg:$0xb] =	wrdreg s25  }
0xd: {  	s13 =	simm.s32 $0x15200;
	s14 =	simm.s32 $0x14380;
	[dreg:$0xc] =	wrdreg s10  }
0xe: {  	s15 =	simm.s32 $0x15280;
	s16 =	simm.s32 $0x14400;
	[dreg:$0xd] =	wrdreg s11  }
0xf: {  	s17 =	simm.s32 $0x15300;
	s18 =	simm.s32 $0x14480;
	[dreg:$0xe] =	wrdreg s12  }
0x10: {  	s28 =	simm.s32 $0x15A00;
	s29 =	simm.s32 $0x14B80;
	[dreg:$0xf] =	wrdreg s13  }
0x11: {  	s30 =	simm.s32 $0x15A80;
	s26 =	smul.u32 $0x14000, s9;
	[dreg:$0x10] =	wrdreg s14  }
0x12: {  	s31 =	simm.s32 $0x14C00;
	s8 =	smul.u32 $0x140000, s0;
	[dreg:$0x11] =	wrdreg s15  }
0x13: {  	s0 =	ssub.s32 $0x2, s0;
	s7 =	sshrl.u32 s26, $0x3;
	[dreg:$0x12] =	wrdreg s16  }
0x14: {  	s19 =	sshrl.u32 s0, $0x1;
	s7 =	sadd.s32 s7, s5;
	[dreg:$0x13] =	wrdreg s17  }
0x15: {  	s0 =	ssub.s32 s0, s19;
	s7 =	sadd.s32 $0x2A000, s7;
	[dreg:$0x14] =	wrdreg s18  }
0x16: {  	s1 =	sshrl.u32 s1, $0x3;
	s0 =	smax.u32 s0, $0x1;
	[smem:$0x7EE] =	sst s7  }
0x17: {  	s19 =	simm.s32 $0x15700;
	s1 =	sadd.s32 s1, s5;
	[smem:$0x7F0] =	sst s0  }
0x18: {  	s20 =	simm.s32 $0x15380;
	s21 =	smul.u32 $0x50000, s9;
	[smem:$0x7F4] =	sst s19  }
0x19: {  	s22 =	simm.s32 $0x14500;
	s23 =	simm.s32 $0x15400;
	[dreg:$0x15] =	wrdreg s20  }
0x1a: {  	s25 =	simm.s32 $0x14580;
	s10 =	sshll.u32 s9, $0x6;
	[dreg:$0x16] =	wrdreg s22  }
0x1b: {  	s11 =	simm.s32 $0x15500;
	s12 =	simm.s32 $0x14680;
	[dreg:$0x17] =	wrdreg s23  }
0x1c: {  	s13 =	simm.s32 $0x15580;
	s14 =	simm.s32 $0x14700;
	[dreg:$0x18] =	wrdreg s25  }
0x1d: {  	s15 =	simm.s32 $0x15600;
	s16 =	simm.s32 $0x14780;
	[dreg:$0x1b] =	wrdreg s11  }
0x1e: {  	s17 =	simm.s32 $0x15680;
	s18 =	simm.s32 $0x14800;
	[dreg:$0x1c] =	wrdreg s12  }
0x1f: {  	s19 =	simm.s32 $0x2;
	s0 =	simm.s32 $0x15B80;
	[dreg:$0x1d] =	wrdreg s13  }
0x20: {  	s9 =	simm.s32 $0x0;
	s6 =	sadd.s32 $0x2000, s1;
	[dreg:$0x1e] =	wrdreg s14  }
0x21: {  	s1 =	sadd.s32 $0x16000, s1;
	s7 =	sor.u32 $0x1C07, s10;
	[dreg:$0x1f] =	wrdreg s15  }
0x22: {  	s10 =	simm.s32 $0x7;
	s11 =	simm.s32 $0x14000;
	[smem:$0x7F1] =	sst s16  }
0x23: {  	s12 =	simm.s32 $0x15000;
	[smem:$0x7F2] =	sst s17;
	s13 =	simm.s32 $0x50  }
0x24: {  	[smem:$0x7F3] =	sst s18;
	s14 =	simm.s32 $0x16000;
	s20 =	simm.s32 $0x14880  }
0x25: {  	s15 =	simm.s32 $0x18800;
	s16 =	simm.s32 $0x1B000;
	[dreg:$0x4] =	wrdreg s6  }
0x26: {  	s22 =	simm.s32 $0x14900;
	s17 =	simm.s32 $0x1;
	[dreg:$0x5] =	wrdreg s1  }
0x27: {  	s23 =	simm.s32 $0x15800;
	s18 =	simm.s32 $0x4;
	[smem:$0x7F5] =	sst s20  }
0x28: {  	s25 =	simm.s32 $0x15880;
	s6 =	sadd.s32 s26, s8;
	[smem:$0x7F7] =	sst s22  }
0x29: {  	s24 =	sshrl.u32 s21, $0x2;
	s26 =	simm.s32 $0x15480;
	[smem:$0x7F8] =	sst s23  }
0x2a: {  	s8 =	simm.s32 $0x14600;
	s21 =	simm.s32 $0x15780;
	[smem:$0x7FA] =	sst s25  }
0x2b: {  	s20 =	simm.s32 $0x5;
	s22 =	simm.s32 $0x6;
	[smem:$0x7FC] =	sst s7  }
0x2c: {  	s23 =	simm.s32 $0x15900;
	s25 =	simm.s32 $0x15980;
	[dreg:$0x19] =	wrdreg s26  }
0x2d: {  	s1 =	simm.s32 $0x15B00;
	s6 =	sshrl.u32 s6, $0x3;
	[dreg:$0x1a] =	wrdreg s8  }
0x2e: {  	[smem:$0x7F6] =	sst s21;
	s26 =	simm.s32 $0x14A00;
	s5 =	sadd.s32 s6, s5  }
0x2f: {  	s6 =	sadd.s32 s24, s3;
	s24 =	simm.s32 $0x14980;
	[smem:$0x7FB] =	sst s26  }
0x30: {  	s21 =	simm.s32 $0x3;
	s5 =	sadd.s32 $0x52000, s5;
	[smem:$0x7F9] =	sst s24  }
0x31: {  	s26 =	simm.s32 $0x14B00;
	s8 =	sshrl.u32 s6, $0x3;
	[smem:$0x7EF] =	sst s5  }
0x32: {  	s24 =	simm.s32 $0x14A80;
	s5 =	simm.s32 $0x15C00;
	[smem:$0x7FD] =	sst s8  }
.LBB2_1:
0x33: {  	s6 =	sld [smem:$0x7EE];
	_ =	sdelay $0x1  }
0x34: {  	[smem:$0x7ED] =	sst s9  }
0x35: {  	[spmem:s8], [sflag:s7] =	dma.local [hbm:s6], $0x2800  }
0x36: {  	_ =	swait.ge [sflag:s10], $0x2800  }
0x37: {  	[sflag:s10] =	ssyncset.done $0x0  }
0x38: {  	[sflag:s10] =	ssyncadd.s32 $0xFFFFD800  }
0x39: {  	[bflag:$0x0] =	sbarrier.arrive $0xFFFF  }
0x3a: {  	s7 =	rddreg [dreg:$0x5]  }
0x3b: {  	s6 =	sadd.s32 $0x0, s7  }
0x3c: {  	[tilespmem:s11], [sflag:$0x7] =	stream.linear.gather [hbm4b:s6+s4], $0xC80, $0x38;
	[tilespmem:$0x1D800] =	vst v63  }
0x3d: {  	_ =	swait.ge [sflag:s10], $0xC80  }
0x3e: {  	s8 =	rddreg [dreg:$0x4];
	[sflag:s10] =	ssyncset.done $0x0  }
0x3f: {  	[sflag:s10] =	ssyncadd.s32 $0xFFFFF380;
	s6 =	sadd.s32 $0x0, s8  }
0x40: {  	[tilespmem:s12], [sflag:$0x7] =	stream.linear.gather [hbm4b:s6+s4], $0xC80, $0x38;
	[tilespmem:$0x1D800] =	vst v63  }
0x41: {  	_ =	swait.ge [sflag:s10], $0xC80  }
0x42: {  	[sflag:s10] =	ssyncset.done $0x0  }
0x43: {  	[sflag:s10] =	ssyncadd.s32 $0xFFFFF380  }
0x44: {  	[tilespmem:s14], [sflag:$0x1] =	stream.indirect.gather [hbm4b:s2+s13], $0x80, s11, s13, $0xb8;
	[tilespmem:$0x1D800] =	vst v63  }
0x45: {  	s9 =	rddreg [dreg:$0x6]  }
0x46: {  	[tilespmem:s15], [sflag:$0x2] =	stream.indirect.gather [hbm4b:s2+s13], $0x80, s9, s13, $0xb8;
	[tilespmem:$0x1D800] =	vst v63  }
0x47: {  	s7 =	rddreg [dreg:$0x7]  }
0x48: {  	[tilespmem:s16], [sflag:$0x3] =	stream.indirect.gather [hbm4b:s2+s13], $0x80, s7, s13, $0xb8;
	[tilespmem:$0x1D800] =	vst v63  }
0x49: {  	_ =	swait.ge [sflag:s17], $0x2800  }
0x4a: {  	[sflag:s17] =	ssyncset.done $0x0  }
0x4b: {  	[sflag:s17] =	ssyncadd.s32 $0xFFFFD800  }
0x4c: {  	[spmem:s3] =	stream.indirect.scatter.add.f32 [tilespmem:s14], [sflag:$0x4], $0x80, s12, s13, $0xb8;
	[tilespmem:$0x1D800] =	vst v63  }
0x4d: {  	_ =	swait.ge [sflag:s18], $0x2800  }
0x4e: {  	[sflag:s18] =	ssyncset.done $0x0  }
0x4f: {  	s8 =	rddreg [dreg:$0x8];
	[sflag:s18] =	ssyncadd.s32 $0xFFFFD800  }
0x50: {  	[tilespmem:s14], [sflag:$0x1] =	stream.indirect.gather [hbm4b:s2+s13], $0x80, s8, s13, $0xb8;
	[tilespmem:$0x1D800] =	vst v63  }
0x51: {  	_ =	swait.ge [sflag:s19], $0x2800  }
0x52: {  	[sflag:s19] =	ssyncset.done $0x0  }
0x53: {  	s9 =	rddreg [dreg:$0x9];
	[sflag:s19] =	ssyncadd.s32 $0xFFFFD800  }
0x54: {  	[spmem:s3] =	stream.indirect.scatter.add.f32 [tilespmem:s15], [sflag:$0x5], $0x80, s9, s13, $0xb8;
	[tilespmem:$0x1D800] =	vst v63  }
0x55: {  	_ =	swait.ge [sflag:s20], $0x2800  }
0x56: {  	[sflag:s20] =	ssyncset.done $0x0  }
0x57: {  	s7 =	rddreg [dreg:$0xa];
	[sflag:s20] =	ssyncadd.s32 $0xFFFFD800  }
0x58: {  	[tilespmem:s15], [sflag:$0x2] =	stream.indirect.gather [hbm4b:s2+s13], $0x80, s7, s13, $0xb8;
	[tilespmem:$0x1D800] =	vst v63  }
0x59: {  	_ =	swait.ge [sflag:s21], $0x2800  }
0x5a: {  	[sflag:s21] =	ssyncset.done $0x0  }
0x5b: {  	s8 =	rddreg [dreg:$0xb];
	[sflag:s21] =	ssyncadd.s32 $0xFFFFD800  }
0x5c: {  	[spmem:s3] =	stream.indirect.scatter.add.f32 [tilespmem:s16], [sflag:$0x6], $0x80, s8, s13, $0xb8;
	[tilespmem:$0x1D800] =	vst v63  }
0x5d: {  	_ =	swait.ge [sflag:s22], $0x2800  }
0x5e: {  	[sflag:s22] =	ssyncset.done $0x0  }
0x5f: {  	s9 =	rddreg [dreg:$0xc];
	[sflag:s22] =	ssyncadd.s32 $0xFFFFD800  }
0x60: {  	[tilespmem:s16], [sflag:$0x3] =	stream.indirect.gather [hbm4b:s2+s13], $0x80, s9, s13, $0xb8;
	[tilespmem:$0x1D800] =	vst v63  }
0x61: {  	_ =	swait.ge [sflag:s17], $0x2800  }
0x62: {  	[sflag:s17] =	ssyncset.done $0x0  }
0x63: {  	s7 =	rddreg [dreg:$0xd];
	[sflag:s17] =	ssyncadd.s32 $0xFFFFD800  }
0x64: {  	[spmem:s3] =	stream.indirect.scatter.add.f32 [tilespmem:s14], [sflag:$0x4], $0x80, s7, s13, $0xb8;
	[tilespmem:$0x1D800] =	vst v63  }
0x65: {  	_ =	swait.ge [sflag:s18], $0x2800  }
0x66: {  	[sflag:s18] =	ssyncset.done $0x0  }
0x67: {  	s8 =	rddreg [dreg:$0xe];
	[sflag:s18] =	ssyncadd.s32 $0xFFFFD800  }
0x68: {  	[tilespmem:s14], [sflag:$0x1] =	stream.indirect.gather [hbm4b:s2+s13], $0x80, s8, s13, $0xb8;
	[tilespmem:$0x1D800] =	vst v63  }
0x69: {  	_ =	swait.ge [sflag:s19], $0x2800  }
0x6a: {  	[sflag:s19] =	ssyncset.done $0x0  }
0x6b: {  	s9 =	rddreg [dreg:$0xf];
	[sflag:s19] =	ssyncadd.s32 $0xFFFFD800  }
0x6c: {  	[spmem:s3] =	stream.indirect.scatter.add.f32 [tilespmem:s15], [sflag:$0x5], $0x80, s9, s13, $0xb8;
	[tilespmem:$0x1D800] =	vst v63  }
0x6d: {  	_ =	swait.ge [sflag:s20], $0x2800  }
0x6e: {  	[sflag:s20] =	ssyncset.done $0x0  }
0x6f: {  	s7 =	rddreg [dreg:$0x10];
	[sflag:s20] =	ssyncadd.s32 $0xFFFFD800  }
0x70: {  	[tilespmem:s15], [sflag:$0x2] =	stream.indirect.gather [hbm4b:s2+s13], $0x80, s7, s13, $0xb8;
	[tilespmem:$0x1D800] =	vst v63  }
0x71: {  	_ =	swait.ge [sflag:s21], $0x2800  }
0x72: {  	[sflag:s21] =	ssyncset.done $0x0  }
0x73: {  	s8 =	rddreg [dreg:$0x11];
	[sflag:s21] =	ssyncadd.s32 $0xFFFFD800  }
0x74: {  	[spmem:s3] =	stream.indirect.scatter.add.f32 [tilespmem:s16], [sflag:$0x6], $0x80, s8, s13, $0xb8;
	[tilespmem:$0x1D800] =	vst v63  }
0x75: {  	_ =	swait.ge [sflag:s22], $0x2800  }
0x76: {  	[sflag:s22] =	ssyncset.done $0x0  }
0x77: {  	s9 =	rddreg [dreg:$0x12];
	[sflag:s22] =	ssyncadd.s32 $0xFFFFD800  }
0x78: {  	[tilespmem:s16], [sflag:$0x3] =	stream.indirect.gather [hbm4b:s2+s13], $0x80, s9, s13, $0xb8;
	[tilespmem:$0x1D800] =	vst v63  }
0x79: {  	_ =	swait.ge [sflag:s17], $0x2800  }
0x7a: {  	[sflag:s17] =	ssyncset.done $0x0  }
0x7b: {  	s7 =	rddreg [dreg:$0x13];
	[sflag:s17] =	ssyncadd.s32 $0xFFFFD800  }
0x7c: {  	[spmem:s3] =	stream.indirect.scatter.add.f32 [tilespmem:s14], [sflag:$0x4], $0x80, s7, s13, $0xb8;
	[tilespmem:$0x1D800] =	vst v63  }
0x7d: {  	_ =	swait.ge [sflag:s18], $0x2800  }
0x7e: {  	[sflag:s18] =	ssyncset.done $0x0  }
0x7f: {  	s8 =	rddreg [dreg:$0x14];
	[sflag:s18] =	ssyncadd.s32 $0xFFFFD800  }
0x80: {  	[tilespmem:s14], [sflag:$0x1] =	stream.indirect.gather [hbm4b:s2+s13], $0x80, s8, s13, $0xb8;
	[tilespmem:$0x1D800] =	vst v63  }
0x81: {  	_ =	swait.ge [sflag:s19], $0x2800  }
0x82: {  	[sflag:s19] =	ssyncset.done $0x0  }
0x83: {  	s9 =	rddreg [dreg:$0x15];
	[sflag:s19] =	ssyncadd.s32 $0xFFFFD800  }
0x84: {  	[spmem:s3] =	stream.indirect.scatter.add.f32 [tilespmem:s15], [sflag:$0x5], $0x80, s9, s13, $0xb8;
	[tilespmem:$0x1D800] =	vst v63  }
0x85: {  	_ =	swait.ge [sflag:s20], $0x2800  }
0x86: {  	[sflag:s20] =	ssyncset.done $0x0  }
0x87: {  	s7 =	rddreg [dreg:$0x16];
	[sflag:s20] =	ssyncadd.s32 $0xFFFFD800  }
0x88: {  	[tilespmem:s15], [sflag:$0x2] =	stream.indirect.gather [hbm4b:s2+s13], $0x80, s7, s13, $0xb8;
	[tilespmem:$0x1D800] =	vst v63  }
0x89: {  	_ =	swait.ge [sflag:s21], $0x2800  }
0x8a: {  	[sflag:s21] =	ssyncset.done $0x0  }
0x8b: {  	s8 =	rddreg [dreg:$0x17];
	[sflag:s21] =	ssyncadd.s32 $0xFFFFD800  }
0x8c: {  	[spmem:s3] =	stream.indirect.scatter.add.f32 [tilespmem:s16], [sflag:$0x6], $0x80, s8, s13, $0xb8;
	[tilespmem:$0x1D800] =	vst v63  }
0x8d: {  	_ =	swait.ge [sflag:s22], $0x2800  }
0x8e: {  	[sflag:s22] =	ssyncset.done $0x0  }
0x8f: {  	s9 =	rddreg [dreg:$0x18];
	[sflag:s22] =	ssyncadd.s32 $0xFFFFD800  }
0x90: {  	[tilespmem:s16], [sflag:$0x3] =	stream.indirect.gather [hbm4b:s2+s13], $0x80, s9, s13, $0xb8;
	[tilespmem:$0x1D800] =	vst v63  }
0x91: {  	_ =	swait.ge [sflag:s17], $0x2800  }
0x92: {  	[sflag:s17] =	ssyncset.done $0x0  }
0x93: {  	s7 =	rddreg [dreg:$0x19];
	[sflag:s17] =	ssyncadd.s32 $0xFFFFD800  }
0x94: {  	[spmem:s3] =	stream.indirect.scatter.add.f32 [tilespmem:s14], [sflag:$0x4], $0x80, s7, s13, $0xb8;
	[tilespmem:$0x1D800] =	vst v63  }
0x95: {  	_ =	swait.ge [sflag:s18], $0x2800  }
0x96: {  	[sflag:s18] =	ssyncset.done $0x0  }
0x97: {  	s8 =	rddreg [dreg:$0x1a];
	[sflag:s18] =	ssyncadd.s32 $0xFFFFD800  }
0x98: {  	[tilespmem:s14], [sflag:$0x1] =	stream.indirect.gather [hbm4b:s2+s13], $0x80, s8, s13, $0xb8;
	[tilespmem:$0x1D800] =	vst v63  }
0x99: {  	_ =	swait.ge [sflag:s19], $0x2800  }
0x9a: {  	[sflag:s19] =	ssyncset.done $0x0  }
0x9b: {  	s9 =	rddreg [dreg:$0x1b];
	[sflag:s19] =	ssyncadd.s32 $0xFFFFD800  }
0x9c: {  	[spmem:s3] =	stream.indirect.scatter.add.f32 [tilespmem:s15], [sflag:$0x5], $0x80, s9, s13, $0xb8;
	[tilespmem:$0x1D800] =	vst v63  }
0x9d: {  	_ =	swait.ge [sflag:s20], $0x2800  }
0x9e: {  	[sflag:s20] =	ssyncset.done $0x0  }
0x9f: {  	s7 =	rddreg [dreg:$0x1c];
	[sflag:s20] =	ssyncadd.s32 $0xFFFFD800  }
0xa0: {  	[tilespmem:s15], [sflag:$0x2] =	stream.indirect.gather [hbm4b:s2+s13], $0x80, s7, s13, $0xb8;
	[tilespmem:$0x1D800] =	vst v63  }
0xa1: {  	_ =	swait.ge [sflag:s21], $0x2800  }
0xa2: {  	[sflag:s21] =	ssyncset.done $0x0  }
0xa3: {  	s8 =	rddreg [dreg:$0x1d];
	[sflag:s21] =	ssyncadd.s32 $0xFFFFD800  }
0xa4: {  	[spmem:s3] =	stream.indirect.scatter.add.f32 [tilespmem:s16], [sflag:$0x6], $0x80, s8, s13, $0xb8;
	[tilespmem:$0x1D800] =	vst v63  }
0xa5: {  	_ =	swait.ge [sflag:s22], $0x2800  }
0xa6: {  	[sflag:s22] =	ssyncset.done $0x0  }
0xa7: {  	s9 =	rddreg [dreg:$0x1e];
	[sflag:s22] =	ssyncadd.s32 $0xFFFFD800  }
0xa8: {  	[tilespmem:s16], [sflag:$0x3] =	stream.indirect.gather [hbm4b:s2+s13], $0x80, s9, s13, $0xb8;
	[tilespmem:$0x1D800] =	vst v63  }
0xa9: {  	_ =	swait.ge [sflag:s17], $0x2800  }
0xaa: {  	[sflag:s17] =	ssyncset.done $0x0  }
0xab: {  	s7 =	rddreg [dreg:$0x1f];
	[sflag:s17] =	ssyncadd.s32 $0xFFFFD800  }
0xac: {  	[spmem:s3] =	stream.indirect.scatter.add.f32 [tilespmem:s14], [sflag:$0x4], $0x80, s7, s13, $0xb8;
	[tilespmem:$0x1D800] =	vst v63  }
0xad: {  	_ =	swait.ge [sflag:s18], $0x2800  }
0xae: {  	s8 =	sld [smem:$0x7F1]  }
0xaf: {  	[sflag:s18] =	ssyncset.done $0x0  }
0xb0: {  	[sflag:s18] =	ssyncadd.s32 $0xFFFFD800  }
0xb1: {  	[tilespmem:s14], [sflag:$0x1] =	stream.indirect.gather [hbm4b:s2+s13], $0x80, s8, s13, $0xb8;
	[tilespmem:$0x1D800] =	vst v63  }
0xb2: {  	_ =	swait.ge [sflag:s19], $0x2800  }
0xb3: {  	s9 =	sld [smem:$0x7F2]  }
0xb4: {  	[sflag:s19] =	ssyncset.done $0x0  }
0xb5: {  	[sflag:s19] =	ssyncadd.s32 $0xFFFFD800  }
0xb6: {  	[spmem:s3] =	stream.indirect.scatter.add.f32 [tilespmem:s15], [sflag:$0x5], $0x80, s9, s13, $0xb8;
	[tilespmem:$0x1D800] =	vst v63  }
0xb7: {  	_ =	swait.ge [sflag:s20], $0x2800  }
0xb8: {  	s7 =	sld [smem:$0x7F3]  }
0xb9: {  	[sflag:s20] =	ssyncset.done $0x0  }
0xba: {  	[sflag:s20] =	ssyncadd.s32 $0xFFFFD800  }
0xbb: {  	[tilespmem:s15], [sflag:$0x2] =	stream.indirect.gather [hbm4b:s2+s13], $0x80, s7, s13, $0xb8;
	[tilespmem:$0x1D800] =	vst v63  }
0xbc: {  	_ =	swait.ge [sflag:s21], $0x2800  }
0xbd: {  	s8 =	sld [smem:$0x7F4]  }
0xbe: {  	[sflag:s21] =	ssyncset.done $0x0  }
0xbf: {  	[sflag:s21] =	ssyncadd.s32 $0xFFFFD800  }
0xc0: {  	[spmem:s3] =	stream.indirect.scatter.add.f32 [tilespmem:s16], [sflag:$0x6], $0x80, s8, s13, $0xb8;
	[tilespmem:$0x1D800] =	vst v63  }
0xc1: {  	_ =	swait.ge [sflag:s22], $0x2800  }
0xc2: {  	s9 =	sld [smem:$0x7F5]  }
0xc3: {  	[sflag:s22] =	ssyncset.done $0x0  }
0xc4: {  	[sflag:s22] =	ssyncadd.s32 $0xFFFFD800  }
0xc5: {  	[tilespmem:s16], [sflag:$0x3] =	stream.indirect.gather [hbm4b:s2+s13], $0x80, s9, s13, $0xb8;
	[tilespmem:$0x1D800] =	vst v63  }
0xc6: {  	_ =	swait.ge [sflag:s17], $0x2800  }
0xc7: {  	s7 =	sld [smem:$0x7F6]  }
0xc8: {  	[sflag:s17] =	ssyncset.done $0x0  }
0xc9: {  	[sflag:s17] =	ssyncadd.s32 $0xFFFFD800  }
0xca: {  	[spmem:s3] =	stream.indirect.scatter.add.f32 [tilespmem:s14], [sflag:$0x4], $0x80, s7, s13, $0xb8;
	[tilespmem:$0x1D800] =	vst v63  }
0xcb: {  	_ =	swait.ge [sflag:s18], $0x2800  }
0xcc: {  	s8 =	sld [smem:$0x7F7]  }
0xcd: {  	[sflag:s18] =	ssyncset.done $0x0  }
0xce: {  	[sflag:s18] =	ssyncadd.s32 $0xFFFFD800  }
0xcf: {  	[tilespmem:s14], [sflag:$0x1] =	stream.indirect.gather [hbm4b:s2+s13], $0x80, s8, s13, $0xb8;
	[tilespmem:$0x1D800] =	vst v63  }
0xd0: {  	_ =	swait.ge [sflag:s19], $0x2800  }
0xd1: {  	s9 =	sld [smem:$0x7F8]  }
0xd2: {  	[sflag:s19] =	ssyncset.done $0x0  }
0xd3: {  	[sflag:s19] =	ssyncadd.s32 $0xFFFFD800  }
0xd4: {  	[spmem:s3] =	stream.indirect.scatter.add.f32 [tilespmem:s15], [sflag:$0x5], $0x80, s9, s13, $0xb8;
	[tilespmem:$0x1D800] =	vst v63  }
0xd5: {  	_ =	swait.ge [sflag:s20], $0x2800  }
0xd6: {  	s7 =	sld [smem:$0x7F9]  }
0xd7: {  	[sflag:s20] =	ssyncset.done $0x0  }
0xd8: {  	[sflag:s20] =	ssyncadd.s32 $0xFFFFD800  }
0xd9: {  	[tilespmem:s15], [sflag:$0x2] =	stream.indirect.gather [hbm4b:s2+s13], $0x80, s7, s13, $0xb8;
	[tilespmem:$0x1D800] =	vst v63  }
0xda: {  	_ =	swait.ge [sflag:s21], $0x2800  }
0xdb: {  	s8 =	sld [smem:$0x7FA]  }
0xdc: {  	[sflag:s21] =	ssyncset.done $0x0  }
0xdd: {  	[sflag:s21] =	ssyncadd.s32 $0xFFFFD800  }
0xde: {  	[spmem:s3] =	stream.indirect.scatter.add.f32 [tilespmem:s16], [sflag:$0x6], $0x80, s8, s13, $0xb8;
	[tilespmem:$0x1D800] =	vst v63  }
0xdf: {  	_ =	swait.ge [sflag:s22], $0x2800  }
0xe0: {  	s9 =	sld [smem:$0x7FB]  }
0xe1: {  	[sflag:s22] =	ssyncset.done $0x0  }
0xe2: {  	[sflag:s22] =	ssyncadd.s32 $0xFFFFD800  }
0xe3: {  	[tilespmem:s16], [sflag:$0x3] =	stream.indirect.gather [hbm4b:s2+s13], $0x80, s9, s13, $0xb8;
	[tilespmem:$0x1D800] =	vst v63  }
0xe4: {  	_ =	swait.ge [sflag:s17], $0x2800  }
0xe5: {  	[sflag:s17] =	ssyncset.done $0x0  }
0xe6: {  	[sflag:s17] =	ssyncadd.s32 $0xFFFFD800  }
0xe7: {  	[spmem:s3] =	stream.indirect.scatter.add.f32 [tilespmem:s14], [sflag:$0x4], $0x80, s23, s13, $0xb8;
	[tilespmem:$0x1D800] =	vst v63  }
0xe8: {  	_ =	swait.ge [sflag:s18], $0x2800  }
0xe9: {  	[sflag:s18] =	ssyncset.done $0x0  }
0xea: {  	[sflag:s18] =	ssyncadd.s32 $0xFFFFD800  }
0xeb: {  	[tilespmem:s14], [sflag:$0x1] =	stream.indirect.gather [hbm4b:s2+s13], $0x80, s24, s13, $0xb8;
	[tilespmem:$0x1D800] =	vst v63  }
0xec: {  	_ =	swait.ge [sflag:s19], $0x2800  }
0xed: {  	[sflag:s19] =	ssyncset.done $0x0  }
0xee: {  	[sflag:s19] =	ssyncadd.s32 $0xFFFFD800  }
0xef: {  	[spmem:s3] =	stream.indirect.scatter.add.f32 [tilespmem:s15], [sflag:$0x5], $0x80, s25, s13, $0xb8;
	[tilespmem:$0x1D800] =	vst v63  }
0xf0: {  	_ =	swait.ge [sflag:s20], $0x2800  }
0xf1: {  	[sflag:s20] =	ssyncset.done $0x0  }
0xf2: {  	[sflag:s20] =	ssyncadd.s32 $0xFFFFD800  }
0xf3: {  	[tilespmem:s15], [sflag:$0x2] =	stream.indirect.gather [hbm4b:s2+s13], $0x80, s26, s13, $0xb8;
	[tilespmem:$0x1D800] =	vst v63  }
0xf4: {  	_ =	swait.ge [sflag:s21], $0x2800  }
0xf5: {  	[sflag:s21] =	ssyncset.done $0x0  }
0xf6: {  	[sflag:s21] =	ssyncadd.s32 $0xFFFFD800  }
0xf7: {  	[spmem:s3] =	stream.indirect.scatter.add.f32 [tilespmem:s16], [sflag:$0x6], $0x80, s28, s13, $0xb8;
	[tilespmem:$0x1D800] =	vst v63  }
0xf8: {  	_ =	swait.ge [sflag:s22], $0x2800  }
0xf9: {  	[sflag:s22] =	ssyncset.done $0x0  }
0xfa: {  	[sflag:s22] =	ssyncadd.s32 $0xFFFFD800  }
0xfb: {  	[tilespmem:s16], [sflag:$0x3] =	stream.indirect.gather [hbm4b:s2+s13], $0x80, s29, s13, $0xb8;
	[tilespmem:$0x1D800] =	vst v63  }
0xfc: {  	_ =	swait.ge [sflag:s17], $0x2800  }
0xfd: {  	[sflag:s17] =	ssyncset.done $0x0  }
0xfe: {  	[sflag:s17] =	ssyncadd.s32 $0xFFFFD800  }
0xff: {  	[spmem:s3] =	stream.indirect.scatter.add.f32 [tilespmem:s14], [sflag:$0x4], $0x80, s30, s13, $0xb8;
	[tilespmem:$0x1D800] =	vst v63  }
0x100: {  	_ =	swait.ge [sflag:s18], $0x2800  }
0x101: {  	[sflag:s18] =	ssyncset.done $0x0  }
0x102: {  	[sflag:s18] =	ssyncadd.s32 $0xFFFFD800  }
0x103: {  	[tilespmem:s14], [sflag:$0x1] =	stream.indirect.gather [hbm4b:s2+s13], $0x80, s31, s13, $0xb8;
	[tilespmem:$0x1D800] =	vst v63  }
0x104: {  	_ =	swait.ge [sflag:s19], $0x2800  }
0x105: {  	[sflag:s19] =	ssyncset.done $0x0  }
0x106: {  	[sflag:s19] =	ssyncadd.s32 $0xFFFFD800  }
0x107: {  	[spmem:s3] =	stream.indirect.scatter.add.f32 [tilespmem:s15], [sflag:$0x5], $0x80, s1, s13, $0xb8;
	[tilespmem:$0x1D800] =	vst v63  }
0x108: {  	_ =	swait.ge [sflag:s20], $0x2800  }
0x109: {  	[sflag:s20] =	ssyncset.done $0x0  }
0x10a: {  	[sflag:s20] =	ssyncadd.s32 $0xFFFFD800  }
0x10b: {  	_ =	swait.ge [sflag:s21], $0x2800  }
0x10c: {  	[sflag:s21] =	ssyncset.done $0x0  }
0x10d: {  	[sflag:s21] =	ssyncadd.s32 $0xFFFFD800  }
0x10e: {  	[spmem:s3] =	stream.indirect.scatter.add.f32 [tilespmem:s16], [sflag:$0x6], $0x80, s0, s13, $0xb8;
	[tilespmem:$0x1D800] =	vst v63  }
0x10f: {  	_ =	swait.ge [sflag:s22], $0x2800  }
0x110: {  	[sflag:s22] =	ssyncset.done $0x0  }
0x111: {  	[sflag:s22] =	ssyncadd.s32 $0xFFFFD800  }
0x112: {  	_ =	swait.ge [sflag:s17], $0x2800  }
0x113: {  	[sflag:s17] =	ssyncset.done $0x0  }
0x114: {  	[sflag:s17] =	ssyncadd.s32 $0xFFFFD800  }
0x115: {  	[spmem:s3] =	stream.indirect.scatter.add.f32 [tilespmem:s14], [sflag:$0x4], $0x80, s5, s13, $0xb8;
	[tilespmem:$0x1D800] =	vst v63  }
0x116: {  	s6 =	simm.s32 $0x400;
	_ =	swait.ge [sflag:s18], $0x2800  }
0x117: {  	s8 =	simm.s32 $0x200;
	s9 =	rddreg [dreg:$0x5];
	[sflag:s18] =	ssyncset.done $0x0  }
.LBB2_2:
0x118: {  	[sflag:s18] =	ssyncadd.s32 $0xFFFFD800;
	s9 =	sadd.s32 s8, s9  }
0x119: {  	[tilespmem:s11], [sflag:$0x7] =	stream.linear.gather [hbm4b:s9+s4], $0xC80, $0x38;
	[tilespmem:$0x1D800] =	vst v63  }
0x11a: {  	_ =	swait.ge [sflag:s10], $0xC80  }
0x11b: {  	s9 =	rddreg [dreg:$0x4];
	[sflag:s10] =	ssyncset.done $0x0  }
0x11c: {  	[sflag:s10] =	ssyncadd.s32 $0xFFFFF380;
	s9 =	sadd.s32 s8, s9  }
0x11d: {  	[tilespmem:s12], [sflag:$0x7] =	stream.linear.gather [hbm4b:s9+s4], $0xC80, $0x38;
	[tilespmem:$0x1D800] =	vst v63  }
0x11e: {  	_ =	swait.ge [sflag:s10], $0xC80  }
0x11f: {  	[sflag:s10] =	ssyncset.done $0x0  }
0x120: {  	s7 =	smov.u32 s6;
	[sflag:s10] =	ssyncadd.s32 $0xFFFFF380  }
0x121: {  	[tilespmem:s14], [sflag:$0x1] =	stream.indirect.gather [hbm4b:s2+s13], $0x80, s11, s13, $0xb8;
	[tilespmem:$0x1D800] =	vst v63  }
0x122: {  	s8 =	smov.u32 s7;
	s7 =	rddreg [dreg:$0x6]  }
0x123: {  	[tilespmem:s15], [sflag:$0x2] =	stream.indirect.gather [hbm4b:s2+s13], $0x80, s7, s13, $0xb8;
	[tilespmem:$0x1D800] =	vst v63  }
0x124: {  	s9 =	rddreg [dreg:$0x7]  }
0x125: {  	[tilespmem:s16], [sflag:$0x3] =	stream.indirect.gather [hbm4b:s2+s13], $0x80, s9, s13, $0xb8;
	[tilespmem:$0x1D800] =	vst v63  }
0x126: {  	_ =	swait.ge [sflag:s17], $0x2800  }
0x127: {  	[sflag:s17] =	ssyncset.done $0x0  }
0x128: {  	[sflag:s17] =	ssyncadd.s32 $0xFFFFD800  }
0x129: {  	[spmem:s3] =	stream.indirect.scatter.add.f32 [tilespmem:s14], [sflag:$0x4], $0x80, s12, s13, $0xb8;
	[tilespmem:$0x1D800] =	vst v63  }
0x12a: {  	_ =	swait.ge [sflag:s18], $0x2800  }
0x12b: {  	[sflag:s18] =	ssyncset.done $0x0  }
0x12c: {  	s9 =	rddreg [dreg:$0x8];
	[sflag:s18] =	ssyncadd.s32 $0xFFFFD800  }
0x12d: {  	[tilespmem:s14], [sflag:$0x1] =	stream.indirect.gather [hbm4b:s2+s13], $0x80, s9, s13, $0xb8;
	[tilespmem:$0x1D800] =	vst v63  }
0x12e: {  	_ =	swait.ge [sflag:s19], $0x2800  }
0x12f: {  	[sflag:s19] =	ssyncset.done $0x0  }
0x130: {  	s9 =	rddreg [dreg:$0x9];
	[sflag:s19] =	ssyncadd.s32 $0xFFFFD800  }
0x131: {  	[spmem:s3] =	stream.indirect.scatter.add.f32 [tilespmem:s15], [sflag:$0x5], $0x80, s9, s13, $0xb8;
	[tilespmem:$0x1D800] =	vst v63  }
0x132: {  	_ =	swait.ge [sflag:s20], $0x2800  }
0x133: {  	[sflag:s20] =	ssyncset.done $0x0  }
0x134: {  	s9 =	rddreg [dreg:$0xa];
	[sflag:s20] =	ssyncadd.s32 $0xFFFFD800  }
0x135: {  	[tilespmem:s15], [sflag:$0x2] =	stream.indirect.gather [hbm4b:s2+s13], $0x80, s9, s13, $0xb8;
	[tilespmem:$0x1D800] =	vst v63  }
0x136: {  	_ =	swait.ge [sflag:s21], $0x2800  }
0x137: {  	[sflag:s21] =	ssyncset.done $0x0  }
0x138: {  	s9 =	rddreg [dreg:$0xb];
	[sflag:s21] =	ssyncadd.s32 $0xFFFFD800  }
0x139: {  	[spmem:s3] =	stream.indirect.scatter.add.f32 [tilespmem:s16], [sflag:$0x6], $0x80, s9, s13, $0xb8;
	[tilespmem:$0x1D800] =	vst v63  }
0x13a: {  	_ =	swait.ge [sflag:s22], $0x2800  }
0x13b: {  	[sflag:s22] =	ssyncset.done $0x0  }
0x13c: {  	s9 =	rddreg [dreg:$0xc];
	[sflag:s22] =	ssyncadd.s32 $0xFFFFD800  }
0x13d: {  	[tilespmem:s16], [sflag:$0x3] =	stream.indirect.gather [hbm4b:s2+s13], $0x80, s9, s13, $0xb8;
	[tilespmem:$0x1D800] =	vst v63  }
0x13e: {  	_ =	swait.ge [sflag:s17], $0x2800  }
0x13f: {  	[sflag:s17] =	ssyncset.done $0x0  }
0x140: {  	s9 =	rddreg [dreg:$0xd];
	[sflag:s17] =	ssyncadd.s32 $0xFFFFD800  }
0x141: {  	[spmem:s3] =	stream.indirect.scatter.add.f32 [tilespmem:s14], [sflag:$0x4], $0x80, s9, s13, $0xb8;
	[tilespmem:$0x1D800] =	vst v63  }
0x142: {  	_ =	swait.ge [sflag:s18], $0x2800  }
0x143: {  	[sflag:s18] =	ssyncset.done $0x0  }
0x144: {  	s9 =	rddreg [dreg:$0xe];
	[sflag:s18] =	ssyncadd.s32 $0xFFFFD800  }
0x145: {  	[tilespmem:s14], [sflag:$0x1] =	stream.indirect.gather [hbm4b:s2+s13], $0x80, s9, s13, $0xb8;
	[tilespmem:$0x1D800] =	vst v63  }
0x146: {  	_ =	swait.ge [sflag:s19], $0x2800  }
0x147: {  	[sflag:s19] =	ssyncset.done $0x0  }
0x148: {  	s9 =	rddreg [dreg:$0xf];
	[sflag:s19] =	ssyncadd.s32 $0xFFFFD800  }
0x149: {  	[spmem:s3] =	stream.indirect.scatter.add.f32 [tilespmem:s15], [sflag:$0x5], $0x80, s9, s13, $0xb8;
	[tilespmem:$0x1D800] =	vst v63  }
0x14a: {  	_ =	swait.ge [sflag:s20], $0x2800  }
0x14b: {  	[sflag:s20] =	ssyncset.done $0x0  }
0x14c: {  	s9 =	rddreg [dreg:$0x10];
	[sflag:s20] =	ssyncadd.s32 $0xFFFFD800  }
0x14d: {  	[tilespmem:s15], [sflag:$0x2] =	stream.indirect.gather [hbm4b:s2+s13], $0x80, s9, s13, $0xb8;
	[tilespmem:$0x1D800] =	vst v63  }
0x14e: {  	_ =	swait.ge [sflag:s21], $0x2800  }
0x14f: {  	[sflag:s21] =	ssyncset.done $0x0  }
0x150: {  	s9 =	rddreg [dreg:$0x11];
	[sflag:s21] =	ssyncadd.s32 $0xFFFFD800  }
0x151: {  	[spmem:s3] =	stream.indirect.scatter.add.f32 [tilespmem:s16], [sflag:$0x6], $0x80, s9, s13, $0xb8;
	[tilespmem:$0x1D800] =	vst v63  }
0x152: {  	_ =	swait.ge [sflag:s22], $0x2800  }
0x153: {  	[sflag:s22] =	ssyncset.done $0x0  }
0x154: {  	s9 =	rddreg [dreg:$0x12];
	[sflag:s22] =	ssyncadd.s32 $0xFFFFD800  }
0x155: {  	[tilespmem:s16], [sflag:$0x3] =	stream.indirect.gather [hbm4b:s2+s13], $0x80, s9, s13, $0xb8;
	[tilespmem:$0x1D800] =	vst v63  }
0x156: {  	_ =	swait.ge [sflag:s17], $0x2800  }
0x157: {  	[sflag:s17] =	ssyncset.done $0x0  }
0x158: {  	s9 =	rddreg [dreg:$0x13];
	[sflag:s17] =	ssyncadd.s32 $0xFFFFD800  }
0x159: {  	[spmem:s3] =	stream.indirect.scatter.add.f32 [tilespmem:s14], [sflag:$0x4], $0x80, s9, s13, $0xb8;
	[tilespmem:$0x1D800] =	vst v63  }
0x15a: {  	_ =	swait.ge [sflag:s18], $0x2800  }
0x15b: {  	[sflag:s18] =	ssyncset.done $0x0  }
0x15c: {  	s9 =	rddreg [dreg:$0x14];
	[sflag:s18] =	ssyncadd.s32 $0xFFFFD800  }
0x15d: {  	[tilespmem:s14], [sflag:$0x1] =	stream.indirect.gather [hbm4b:s2+s13], $0x80, s9, s13, $0xb8;
	[tilespmem:$0x1D800] =	vst v63  }
0x15e: {  	_ =	swait.ge [sflag:s19], $0x2800  }
0x15f: {  	[sflag:s19] =	ssyncset.done $0x0  }
0x160: {  	s9 =	rddreg [dreg:$0x15];
	[sflag:s19] =	ssyncadd.s32 $0xFFFFD800  }
0x161: {  	[spmem:s3] =	stream.indirect.scatter.add.f32 [tilespmem:s15], [sflag:$0x5], $0x80, s9, s13, $0xb8;
	[tilespmem:$0x1D800] =	vst v63  }
0x162: {  	_ =	swait.ge [sflag:s20], $0x2800  }
0x163: {  	[sflag:s20] =	ssyncset.done $0x0  }
0x164: {  	s9 =	rddreg [dreg:$0x16];
	[sflag:s20] =	ssyncadd.s32 $0xFFFFD800  }
0x165: {  	[tilespmem:s15], [sflag:$0x2] =	stream.indirect.gather [hbm4b:s2+s13], $0x80, s9, s13, $0xb8;
	[tilespmem:$0x1D800] =	vst v63  }
0x166: {  	_ =	swait.ge [sflag:s21], $0x2800  }
0x167: {  	[sflag:s21] =	ssyncset.done $0x0  }
0x168: {  	s9 =	rddreg [dreg:$0x17];
	[sflag:s21] =	ssyncadd.s32 $0xFFFFD800  }
0x169: {  	[spmem:s3] =	stream.indirect.scatter.add.f32 [tilespmem:s16], [sflag:$0x6], $0x80, s9, s13, $0xb8;
	[tilespmem:$0x1D800] =	vst v63  }
0x16a: {  	_ =	swait.ge [sflag:s22], $0x2800  }
0x16b: {  	[sflag:s22] =	ssyncset.done $0x0  }
0x16c: {  	s9 =	rddreg [dreg:$0x18];
	[sflag:s22] =	ssyncadd.s32 $0xFFFFD800  }
0x16d: {  	[tilespmem:s16], [sflag:$0x3] =	stream.indirect.gather [hbm4b:s2+s13], $0x80, s9, s13, $0xb8;
	[tilespmem:$0x1D800] =	vst v63  }
0x16e: {  	_ =	swait.ge [sflag:s17], $0x2800  }
0x16f: {  	[sflag:s17] =	ssyncset.done $0x0  }
0x170: {  	s9 =	rddreg [dreg:$0x19];
	[sflag:s17] =	ssyncadd.s32 $0xFFFFD800  }
0x171: {  	[spmem:s3] =	stream.indirect.scatter.add.f32 [tilespmem:s14], [sflag:$0x4], $0x80, s9, s13, $0xb8;
	[tilespmem:$0x1D800] =	vst v63  }
0x172: {  	_ =	swait.ge [sflag:s18], $0x2800  }
0x173: {  	[sflag:s18] =	ssyncset.done $0x0  }
0x174: {  	s9 =	rddreg [dreg:$0x1a];
	[sflag:s18] =	ssyncadd.s32 $0xFFFFD800  }
0x175: {  	[tilespmem:s14], [sflag:$0x1] =	stream.indirect.gather [hbm4b:s2+s13], $0x80, s9, s13, $0xb8;
	[tilespmem:$0x1D800] =	vst v63  }
0x176: {  	_ =	swait.ge [sflag:s19], $0x2800  }
0x177: {  	[sflag:s19] =	ssyncset.done $0x0  }
0x178: {  	s9 =	rddreg [dreg:$0x1b];
	[sflag:s19] =	ssyncadd.s32 $0xFFFFD800  }
0x179: {  	[spmem:s3] =	stream.indirect.scatter.add.f32 [tilespmem:s15], [sflag:$0x5], $0x80, s9, s13, $0xb8;
	[tilespmem:$0x1D800] =	vst v63  }
0x17a: {  	_ =	swait.ge [sflag:s20], $0x2800  }
0x17b: {  	[sflag:s20] =	ssyncset.done $0x0  }
0x17c: {  	s9 =	rddreg [dreg:$0x1c];
	[sflag:s20] =	ssyncadd.s32 $0xFFFFD800  }
0x17d: {  	[tilespmem:s15], [sflag:$0x2] =	stream.indirect.gather [hbm4b:s2+s13], $0x80, s9, s13, $0xb8;
	[tilespmem:$0x1D800] =	vst v63  }
0x17e: {  	_ =	swait.ge [sflag:s21], $0x2800  }
0x17f: {  	[sflag:s21] =	ssyncset.done $0x0  }
0x180: {  	s9 =	rddreg [dreg:$0x1d];
	[sflag:s21] =	ssyncadd.s32 $0xFFFFD800  }
0x181: {  	[spmem:s3] =	stream.indirect.scatter.add.f32 [tilespmem:s16], [sflag:$0x6], $0x80, s9, s13, $0xb8;
	[tilespmem:$0x1D800] =	vst v63  }
0x182: {  	_ =	swait.ge [sflag:s22], $0x2800  }
0x183: {  	[sflag:s22] =	ssyncset.done $0x0  }
0x184: {  	s9 =	rddreg [dreg:$0x1e];
	[sflag:s22] =	ssyncadd.s32 $0xFFFFD800  }
0x185: {  	[tilespmem:s16], [sflag:$0x3] =	stream.indirect.gather [hbm4b:s2+s13], $0x80, s9, s13, $0xb8;
	[tilespmem:$0x1D800] =	vst v63  }
0x186: {  	_ =	swait.ge [sflag:s17], $0x2800  }
0x187: {  	[sflag:s17] =	ssyncset.done $0x0  }
0x188: {  	s9 =	rddreg [dreg:$0x1f];
	[sflag:s17] =	ssyncadd.s32 $0xFFFFD800  }
0x189: {  	[spmem:s3] =	stream.indirect.scatter.add.f32 [tilespmem:s14], [sflag:$0x4], $0x80, s9, s13, $0xb8;
	[tilespmem:$0x1D800] =	vst v63  }
0x18a: {  	_ =	swait.ge [sflag:s18], $0x2800  }
0x18b: {  	s9 =	sld [smem:$0x7F1]  }
0x18c: {  	[sflag:s18] =	ssyncset.done $0x0  }
0x18d: {  	[sflag:s18] =	ssyncadd.s32 $0xFFFFD800  }
0x18e: {  	[tilespmem:s14], [sflag:$0x1] =	stream.indirect.gather [hbm4b:s2+s13], $0x80, s9, s13, $0xb8;
	[tilespmem:$0x1D800] =	vst v63  }
0x18f: {  	_ =	swait.ge [sflag:s19], $0x2800  }
0x190: {  	s9 =	sld [smem:$0x7F2]  }
0x191: {  	[sflag:s19] =	ssyncset.done $0x0  }
0x192: {  	[sflag:s19] =	ssyncadd.s32 $0xFFFFD800  }
0x193: {  	[spmem:s3] =	stream.indirect.scatter.add.f32 [tilespmem:s15], [sflag:$0x5], $0x80, s9, s13, $0xb8;
	[tilespmem:$0x1D800] =	vst v63  }
0x194: {  	_ =	swait.ge [sflag:s20], $0x2800  }
0x195: {  	s9 =	sld [smem:$0x7F3]  }
0x196: {  	[sflag:s20] =	ssyncset.done $0x0  }
0x197: {  	[sflag:s20] =	ssyncadd.s32 $0xFFFFD800  }
0x198: {  	[tilespmem:s15], [sflag:$0x2] =	stream.indirect.gather [hbm4b:s2+s13], $0x80, s9, s13, $0xb8;
	[tilespmem:$0x1D800] =	vst v63  }
0x199: {  	_ =	swait.ge [sflag:s21], $0x2800  }
0x19a: {  	s9 =	sld [smem:$0x7F4]  }
0x19b: {  	[sflag:s21] =	ssyncset.done $0x0  }
0x19c: {  	[sflag:s21] =	ssyncadd.s32 $0xFFFFD800  }
0x19d: {  	[spmem:s3] =	stream.indirect.scatter.add.f32 [tilespmem:s16], [sflag:$0x6], $0x80, s9, s13, $0xb8;
	[tilespmem:$0x1D800] =	vst v63  }
0x19e: {  	_ =	swait.ge [sflag:s22], $0x2800  }
0x19f: {  	s9 =	sld [smem:$0x7F5]  }
0x1a0: {  	[sflag:s22] =	ssyncset.done $0x0  }
0x1a1: {  	[sflag:s22] =	ssyncadd.s32 $0xFFFFD800  }
0x1a2: {  	[tilespmem:s16], [sflag:$0x3] =	stream.indirect.gather [hbm4b:s2+s13], $0x80, s9, s13, $0xb8;
	[tilespmem:$0x1D800] =	vst v63  }
0x1a3: {  	_ =	swait.ge [sflag:s17], $0x2800  }
0x1a4: {  	s9 =	sld [smem:$0x7F6]  }
0x1a5: {  	[sflag:s17] =	ssyncset.done $0x0  }
0x1a6: {  	[sflag:s17] =	ssyncadd.s32 $0xFFFFD800  }
0x1a7: {  	[spmem:s3] =	stream.indirect.scatter.add.f32 [tilespmem:s14], [sflag:$0x4], $0x80, s9, s13, $0xb8;
	[tilespmem:$0x1D800] =	vst v63  }
0x1a8: {  	_ =	swait.ge [sflag:s18], $0x2800  }
0x1a9: {  	s9 =	sld [smem:$0x7F7]  }
0x1aa: {  	[sflag:s18] =	ssyncset.done $0x0  }
0x1ab: {  	[sflag:s18] =	ssyncadd.s32 $0xFFFFD800  }
0x1ac: {  	[tilespmem:s14], [sflag:$0x1] =	stream.indirect.gather [hbm4b:s2+s13], $0x80, s9, s13, $0xb8;
	[tilespmem:$0x1D800] =	vst v63  }
0x1ad: {  	_ =	swait.ge [sflag:s19], $0x2800  }
0x1ae: {  	s9 =	sld [smem:$0x7F8]  }
0x1af: {  	[sflag:s19] =	ssyncset.done $0x0  }
0x1b0: {  	[sflag:s19] =	ssyncadd.s32 $0xFFFFD800  }
0x1b1: {  	[spmem:s3] =	stream.indirect.scatter.add.f32 [tilespmem:s15], [sflag:$0x5], $0x80, s9, s13, $0xb8;
	[tilespmem:$0x1D800] =	vst v63  }
0x1b2: {  	_ =	swait.ge [sflag:s20], $0x2800  }
0x1b3: {  	s9 =	sld [smem:$0x7F9]  }
0x1b4: {  	[sflag:s20] =	ssyncset.done $0x0  }
0x1b5: {  	[sflag:s20] =	ssyncadd.s32 $0xFFFFD800  }
0x1b6: {  	[tilespmem:s15], [sflag:$0x2] =	stream.indirect.gather [hbm4b:s2+s13], $0x80, s9, s13, $0xb8;
	[tilespmem:$0x1D800] =	vst v63  }
0x1b7: {  	_ =	swait.ge [sflag:s21], $0x2800  }
0x1b8: {  	s9 =	sld [smem:$0x7FA]  }
0x1b9: {  	[sflag:s21] =	ssyncset.done $0x0  }
0x1ba: {  	[sflag:s21] =	ssyncadd.s32 $0xFFFFD800  }
0x1bb: {  	[spmem:s3] =	stream.indirect.scatter.add.f32 [tilespmem:s16], [sflag:$0x6], $0x80, s9, s13, $0xb8;
	[tilespmem:$0x1D800] =	vst v63  }
0x1bc: {  	_ =	swait.ge [sflag:s22], $0x2800  }
0x1bd: {  	s9 =	sld [smem:$0x7FB]  }
0x1be: {  	[sflag:s22] =	ssyncset.done $0x0  }
0x1bf: {  	[sflag:s22] =	ssyncadd.s32 $0xFFFFD800  }
0x1c0: {  	[tilespmem:s16], [sflag:$0x3] =	stream.indirect.gather [hbm4b:s2+s13], $0x80, s9, s13, $0xb8;
	[tilespmem:$0x1D800] =	vst v63  }
0x1c1: {  	_ =	swait.ge [sflag:s17], $0x2800  }
0x1c2: {  	[sflag:s17] =	ssyncset.done $0x0  }
0x1c3: {  	[sflag:s17] =	ssyncadd.s32 $0xFFFFD800  }
0x1c4: {  	[spmem:s3] =	stream.indirect.scatter.add.f32 [tilespmem:s14], [sflag:$0x4], $0x80, s23, s13, $0xb8;
	[tilespmem:$0x1D800] =	vst v63  }
0x1c5: {  	_ =	swait.ge [sflag:s18], $0x2800  }
0x1c6: {  	[sflag:s18] =	ssyncset.done $0x0  }
0x1c7: {  	[sflag:s18] =	ssyncadd.s32 $0xFFFFD800  }
0x1c8: {  	[tilespmem:s14], [sflag:$0x1] =	stream.indirect.gather [hbm4b:s2+s13], $0x80, s24, s13, $0xb8;
	[tilespmem:$0x1D800] =	vst v63  }
0x1c9: {  	_ =	swait.ge [sflag:s19], $0x2800  }
0x1ca: {  	[sflag:s19] =	ssyncset.done $0x0  }
0x1cb: {  	[sflag:s19] =	ssyncadd.s32 $0xFFFFD800  }
0x1cc: {  	[spmem:s3] =	stream.indirect.scatter.add.f32 [tilespmem:s15], [sflag:$0x5], $0x80, s25, s13, $0xb8;
	[tilespmem:$0x1D800] =	vst v63  }
0x1cd: {  	_ =	swait.ge [sflag:s20], $0x2800  }
0x1ce: {  	[sflag:s20] =	ssyncset.done $0x0  }
0x1cf: {  	[sflag:s20] =	ssyncadd.s32 $0xFFFFD800  }
0x1d0: {  	[tilespmem:s15], [sflag:$0x2] =	stream.indirect.gather [hbm4b:s2+s13], $0x80, s26, s13, $0xb8;
	[tilespmem:$0x1D800] =	vst v63  }
0x1d1: {  	_ =	swait.ge [sflag:s21], $0x2800  }
0x1d2: {  	[sflag:s21] =	ssyncset.done $0x0  }
0x1d3: {  	[sflag:s21] =	ssyncadd.s32 $0xFFFFD800  }
0x1d4: {  	[spmem:s3] =	stream.indirect.scatter.add.f32 [tilespmem:s16], [sflag:$0x6], $0x80, s28, s13, $0xb8;
	[tilespmem:$0x1D800] =	vst v63  }
0x1d5: {  	_ =	swait.ge [sflag:s22], $0x2800  }
0x1d6: {  	[sflag:s22] =	ssyncset.done $0x0  }
0x1d7: {  	[sflag:s22] =	ssyncadd.s32 $0xFFFFD800  }
0x1d8: {  	[tilespmem:s16], [sflag:$0x3] =	stream.indirect.gather [hbm4b:s2+s13], $0x80, s29, s13, $0xb8;
	[tilespmem:$0x1D800] =	vst v63  }
0x1d9: {  	_ =	swait.ge [sflag:s17], $0x2800  }
0x1da: {  	[sflag:s17] =	ssyncset.done $0x0  }
0x1db: {  	[sflag:s17] =	ssyncadd.s32 $0xFFFFD800  }
0x1dc: {  	[spmem:s3] =	stream.indirect.scatter.add.f32 [tilespmem:s14], [sflag:$0x4], $0x80, s30, s13, $0xb8;
	[tilespmem:$0x1D800] =	vst v63  }
0x1dd: {  	_ =	swait.ge [sflag:s18], $0x2800  }
0x1de: {  	[sflag:s18] =	ssyncset.done $0x0  }
0x1df: {  	[sflag:s18] =	ssyncadd.s32 $0xFFFFD800  }
0x1e0: {  	[tilespmem:s14], [sflag:$0x1] =	stream.indirect.gather [hbm4b:s2+s13], $0x80, s31, s13, $0xb8;
	[tilespmem:$0x1D800] =	vst v63  }
0x1e1: {  	_ =	swait.ge [sflag:s19], $0x2800  }
0x1e2: {  	[sflag:s19] =	ssyncset.done $0x0  }
0x1e3: {  	[sflag:s19] =	ssyncadd.s32 $0xFFFFD800  }
0x1e4: {  	[spmem:s3] =	stream.indirect.scatter.add.f32 [tilespmem:s15], [sflag:$0x5], $0x80, s1, s13, $0xb8;
	[tilespmem:$0x1D800] =	vst v63  }
0x1e5: {  	_ =	swait.ge [sflag:s20], $0x2800  }
0x1e6: {  	[sflag:s20] =	ssyncset.done $0x0  }
0x1e7: {  	[sflag:s20] =	ssyncadd.s32 $0xFFFFD800  }
0x1e8: {  	_ =	swait.ge [sflag:s21], $0x2800  }
0x1e9: {  	[sflag:s21] =	ssyncset.done $0x0  }
0x1ea: {  	[sflag:s21] =	ssyncadd.s32 $0xFFFFD800  }
0x1eb: {  	[spmem:s3] =	stream.indirect.scatter.add.f32 [tilespmem:s16], [sflag:$0x6], $0x80, s0, s13, $0xb8;
	[tilespmem:$0x1D800] =	vst v63  }
0x1ec: {  	_ =	swait.ge [sflag:s22], $0x2800  }
0x1ed: {  	[sflag:s22] =	ssyncset.done $0x0  }
0x1ee: {  	[sflag:s22] =	ssyncadd.s32 $0xFFFFD800  }
0x1ef: {  	p0 =	sne.s32 s6, $0x800;
	_ =	swait.ge [sflag:s17], $0x2800  }
.Ltmp0:
0x1f0: {  	[sflag:s17] =	ssyncset.done $0x0;
	(pc) =	sbr.rel @p0 .LBB2_2-.Ltmp0, $4  }
0x1f1: {  	[sflag:s17] =	ssyncadd.s32 $0xFFFFD800  }
0x1f2: {  	[spmem:s3] =	stream.indirect.scatter.add.f32 [tilespmem:s14], [sflag:$0x4], $0x80, s5, s13, $0xb8;
	[tilespmem:$0x1D800] =	vst v63  }
0x1f3: {  	_ =	swait.ge [sflag:s18], $0x2800  }
0x1f4: {  	s6 =	sadd.s32 $0x200, s6;
	s9 =	rddreg [dreg:$0x5];
	[sflag:s18] =	ssyncset.done $0x0  }
0x1f5: {  	[sflag:s18] =	ssyncadd.s32 $0xFFFFD800;
	s6 =	sadd.s32 s8, s9  }
0x1f6: {  	[tilespmem:s11], [sflag:$0x7] =	stream.linear.gather [hbm4b:s6+s4], $0xC80, $0x38;
	[tilespmem:$0x1D800] =	vst v63  }
0x1f7: {  	_ =	swait.ge [sflag:s10], $0xC80  }
0x1f8: {  	s7 =	rddreg [dreg:$0x4];
	[sflag:s10] =	ssyncset.done $0x0  }
0x1f9: {  	[sflag:s10] =	ssyncadd.s32 $0xFFFFF380;
	s6 =	sadd.s32 s8, s7  }
0x1fa: {  	[tilespmem:s12], [sflag:$0x7] =	stream.linear.gather [hbm4b:s6+s4], $0xC80, $0x38;
	[tilespmem:$0x1D800] =	vst v63  }
0x1fb: {  	_ =	swait.ge [sflag:s10], $0xC80  }
0x1fc: {  	[sflag:s10] =	ssyncset.done $0x0  }
0x1fd: {  	[sflag:s10] =	ssyncadd.s32 $0xFFFFF380  }
0x1fe: {  	[tilespmem:s14], [sflag:$0x1] =	stream.indirect.gather [hbm4b:s2+s13], $0x80, s11, s13, $0xb8;
	[tilespmem:$0x1D800] =	vst v63  }
0x1ff: {  	s9 =	rddreg [dreg:$0x6]  }
0x200: {  	[tilespmem:s15], [sflag:$0x2] =	stream.indirect.gather [hbm4b:s2+s13], $0x80, s9, s13, $0xb8;
	[tilespmem:$0x1D800] =	vst v63  }
0x201: {  	s7 =	rddreg [dreg:$0x7]  }
0x202: {  	[tilespmem:s16], [sflag:$0x3] =	stream.indirect.gather [hbm4b:s2+s13], $0x80, s7, s13, $0xb8;
	[tilespmem:$0x1D800] =	vst v63  }
0x203: {  	_ =	swait.ge [sflag:s17], $0x2800  }
0x204: {  	[sflag:s17] =	ssyncset.done $0x0  }
0x205: {  	[sflag:s17] =	ssyncadd.s32 $0xFFFFD800  }
0x206: {  	[spmem:s3] =	stream.indirect.scatter.add.f32 [tilespmem:s14], [sflag:$0x4], $0x80, s12, s13, $0xb8;
	[tilespmem:$0x1D800] =	vst v63  }
0x207: {  	_ =	swait.ge [sflag:s18], $0x2800  }
0x208: {  	[sflag:s18] =	ssyncset.done $0x0  }
0x209: {  	s7 =	rddreg [dreg:$0x8];
	[sflag:s18] =	ssyncadd.s32 $0xFFFFD800  }
0x20a: {  	[tilespmem:s14], [sflag:$0x1] =	stream.indirect.gather [hbm4b:s2+s13], $0x80, s7, s13, $0xb8;
	[tilespmem:$0x1D800] =	vst v63  }
0x20b: {  	_ =	swait.ge [sflag:s19], $0x2800  }
0x20c: {  	[sflag:s19] =	ssyncset.done $0x0  }
0x20d: {  	s8 =	rddreg [dreg:$0x9];
	[sflag:s19] =	ssyncadd.s32 $0xFFFFD800  }
0x20e: {  	[spmem:s3] =	stream.indirect.scatter.add.f32 [tilespmem:s15], [sflag:$0x5], $0x80, s8, s13, $0xb8;
	[tilespmem:$0x1D800] =	vst v63  }
0x20f: {  	_ =	swait.ge [sflag:s20], $0x2800  }
0x210: {  	[sflag:s20] =	ssyncset.done $0x0  }
0x211: {  	s9 =	rddreg [dreg:$0xa];
	[sflag:s20] =	ssyncadd.s32 $0xFFFFD800  }
0x212: {  	[tilespmem:s15], [sflag:$0x2] =	stream.indirect.gather [hbm4b:s2+s13], $0x80, s9, s13, $0xb8;
	[tilespmem:$0x1D800] =	vst v63  }
0x213: {  	_ =	swait.ge [sflag:s21], $0x2800  }
0x214: {  	[sflag:s21] =	ssyncset.done $0x0  }
0x215: {  	s7 =	rddreg [dreg:$0xb];
	[sflag:s21] =	ssyncadd.s32 $0xFFFFD800  }
0x216: {  	[spmem:s3] =	stream.indirect.scatter.add.f32 [tilespmem:s16], [sflag:$0x6], $0x80, s7, s13, $0xb8;
	[tilespmem:$0x1D800] =	vst v63  }
0x217: {  	_ =	swait.ge [sflag:s22], $0x2800  }
0x218: {  	[sflag:s22] =	ssyncset.done $0x0  }
0x219: {  	s8 =	rddreg [dreg:$0xc];
	[sflag:s22] =	ssyncadd.s32 $0xFFFFD800  }
0x21a: {  	[tilespmem:s16], [sflag:$0x3] =	stream.indirect.gather [hbm4b:s2+s13], $0x80, s8, s13, $0xb8;
	[tilespmem:$0x1D800] =	vst v63  }
0x21b: {  	_ =	swait.ge [sflag:s17], $0x2800  }
0x21c: {  	[sflag:s17] =	ssyncset.done $0x0  }
0x21d: {  	s9 =	rddreg [dreg:$0xd];
	[sflag:s17] =	ssyncadd.s32 $0xFFFFD800  }
0x21e: {  	[spmem:s3] =	stream.indirect.scatter.add.f32 [tilespmem:s14], [sflag:$0x4], $0x80, s9, s13, $0xb8;
	[tilespmem:$0x1D800] =	vst v63  }
0x21f: {  	_ =	swait.ge [sflag:s18], $0x2800  }
0x220: {  	[sflag:s18] =	ssyncset.done $0x0  }
0x221: {  	s7 =	rddreg [dreg:$0xe];
	[sflag:s18] =	ssyncadd.s32 $0xFFFFD800  }
0x222: {  	[tilespmem:s14], [sflag:$0x1] =	stream.indirect.gather [hbm4b:s2+s13], $0x80, s7, s13, $0xb8;
	[tilespmem:$0x1D800] =	vst v63  }
0x223: {  	_ =	swait.ge [sflag:s19], $0x2800  }
0x224: {  	[sflag:s19] =	ssyncset.done $0x0  }
0x225: {  	s8 =	rddreg [dreg:$0xf];
	[sflag:s19] =	ssyncadd.s32 $0xFFFFD800  }
0x226: {  	[spmem:s3] =	stream.indirect.scatter.add.f32 [tilespmem:s15], [sflag:$0x5], $0x80, s8, s13, $0xb8;
	[tilespmem:$0x1D800] =	vst v63  }
0x227: {  	_ =	swait.ge [sflag:s20], $0x2800  }
0x228: {  	[sflag:s20] =	ssyncset.done $0x0  }
0x229: {  	s9 =	rddreg [dreg:$0x10];
	[sflag:s20] =	ssyncadd.s32 $0xFFFFD800  }
0x22a: {  	[tilespmem:s15], [sflag:$0x2] =	stream.indirect.gather [hbm4b:s2+s13], $0x80, s9, s13, $0xb8;
	[tilespmem:$0x1D800] =	vst v63  }
0x22b: {  	_ =	swait.ge [sflag:s21], $0x2800  }
0x22c: {  	[sflag:s21] =	ssyncset.done $0x0  }
0x22d: {  	s7 =	rddreg [dreg:$0x11];
	[sflag:s21] =	ssyncadd.s32 $0xFFFFD800  }
0x22e: {  	[spmem:s3] =	stream.indirect.scatter.add.f32 [tilespmem:s16], [sflag:$0x6], $0x80, s7, s13, $0xb8;
	[tilespmem:$0x1D800] =	vst v63  }
0x22f: {  	_ =	swait.ge [sflag:s22], $0x2800  }
0x230: {  	[sflag:s22] =	ssyncset.done $0x0  }
0x231: {  	s8 =	rddreg [dreg:$0x12];
	[sflag:s22] =	ssyncadd.s32 $0xFFFFD800  }
0x232: {  	[tilespmem:s16], [sflag:$0x3] =	stream.indirect.gather [hbm4b:s2+s13], $0x80, s8, s13, $0xb8;
	[tilespmem:$0x1D800] =	vst v63  }
0x233: {  	_ =	swait.ge [sflag:s17], $0x2800  }
0x234: {  	[sflag:s17] =	ssyncset.done $0x0  }
0x235: {  	s9 =	rddreg [dreg:$0x13];
	[sflag:s17] =	ssyncadd.s32 $0xFFFFD800  }
0x236: {  	[spmem:s3] =	stream.indirect.scatter.add.f32 [tilespmem:s14], [sflag:$0x4], $0x80, s9, s13, $0xb8;
	[tilespmem:$0x1D800] =	vst v63  }
0x237: {  	_ =	swait.ge [sflag:s18], $0x2800  }
0x238: {  	[sflag:s18] =	ssyncset.done $0x0  }
0x239: {  	s7 =	rddreg [dreg:$0x14];
	[sflag:s18] =	ssyncadd.s32 $0xFFFFD800  }
0x23a: {  	[tilespmem:s14], [sflag:$0x1] =	stream.indirect.gather [hbm4b:s2+s13], $0x80, s7, s13, $0xb8;
	[tilespmem:$0x1D800] =	vst v63  }
0x23b: {  	_ =	swait.ge [sflag:s19], $0x2800  }
0x23c: {  	[sflag:s19] =	ssyncset.done $0x0  }
0x23d: {  	s8 =	rddreg [dreg:$0x15];
	[sflag:s19] =	ssyncadd.s32 $0xFFFFD800  }
0x23e: {  	[spmem:s3] =	stream.indirect.scatter.add.f32 [tilespmem:s15], [sflag:$0x5], $0x80, s8, s13, $0xb8;
	[tilespmem:$0x1D800] =	vst v63  }
0x23f: {  	_ =	swait.ge [sflag:s20], $0x2800  }
0x240: {  	[sflag:s20] =	ssyncset.done $0x0  }
0x241: {  	s9 =	rddreg [dreg:$0x16];
	[sflag:s20] =	ssyncadd.s32 $0xFFFFD800  }
0x242: {  	[tilespmem:s15], [sflag:$0x2] =	stream.indirect.gather [hbm4b:s2+s13], $0x80, s9, s13, $0xb8;
	[tilespmem:$0x1D800] =	vst v63  }
0x243: {  	_ =	swait.ge [sflag:s21], $0x2800  }
0x244: {  	[sflag:s21] =	ssyncset.done $0x0  }
0x245: {  	s7 =	rddreg [dreg:$0x17];
	[sflag:s21] =	ssyncadd.s32 $0xFFFFD800  }
0x246: {  	[spmem:s3] =	stream.indirect.scatter.add.f32 [tilespmem:s16], [sflag:$0x6], $0x80, s7, s13, $0xb8;
	[tilespmem:$0x1D800] =	vst v63  }
0x247: {  	_ =	swait.ge [sflag:s22], $0x2800  }
0x248: {  	[sflag:s22] =	ssyncset.done $0x0  }
0x249: {  	s8 =	rddreg [dreg:$0x18];
	[sflag:s22] =	ssyncadd.s32 $0xFFFFD800  }
0x24a: {  	[tilespmem:s16], [sflag:$0x3] =	stream.indirect.gather [hbm4b:s2+s13], $0x80, s8, s13, $0xb8;
	[tilespmem:$0x1D800] =	vst v63  }
0x24b: {  	_ =	swait.ge [sflag:s17], $0x2800  }
0x24c: {  	[sflag:s17] =	ssyncset.done $0x0  }
0x24d: {  	s9 =	rddreg [dreg:$0x19];
	[sflag:s17] =	ssyncadd.s32 $0xFFFFD800  }
0x24e: {  	[spmem:s3] =	stream.indirect.scatter.add.f32 [tilespmem:s14], [sflag:$0x4], $0x80, s9, s13, $0xb8;
	[tilespmem:$0x1D800] =	vst v63  }
0x24f: {  	_ =	swait.ge [sflag:s18], $0x2800  }
0x250: {  	[sflag:s18] =	ssyncset.done $0x0  }
0x251: {  	s7 =	rddreg [dreg:$0x1a];
	[sflag:s18] =	ssyncadd.s32 $0xFFFFD800  }
0x252: {  	[tilespmem:s14], [sflag:$0x1] =	stream.indirect.gather [hbm4b:s2+s13], $0x80, s7, s13, $0xb8;
	[tilespmem:$0x1D800] =	vst v63  }
0x253: {  	_ =	swait.ge [sflag:s19], $0x2800  }
0x254: {  	[sflag:s19] =	ssyncset.done $0x0  }
0x255: {  	s8 =	rddreg [dreg:$0x1b];
	[sflag:s19] =	ssyncadd.s32 $0xFFFFD800  }
0x256: {  	[spmem:s3] =	stream.indirect.scatter.add.f32 [tilespmem:s15], [sflag:$0x5], $0x80, s8, s13, $0xb8;
	[tilespmem:$0x1D800] =	vst v63  }
0x257: {  	_ =	swait.ge [sflag:s20], $0x2800  }
0x258: {  	[sflag:s20] =	ssyncset.done $0x0  }
0x259: {  	s9 =	rddreg [dreg:$0x1c];
	[sflag:s20] =	ssyncadd.s32 $0xFFFFD800  }
0x25a: {  	[tilespmem:s15], [sflag:$0x2] =	stream.indirect.gather [hbm4b:s2+s13], $0x80, s9, s13, $0xb8;
	[tilespmem:$0x1D800] =	vst v63  }
0x25b: {  	_ =	swait.ge [sflag:s21], $0x2800  }
0x25c: {  	[sflag:s21] =	ssyncset.done $0x0  }
0x25d: {  	s7 =	rddreg [dreg:$0x1d];
	[sflag:s21] =	ssyncadd.s32 $0xFFFFD800  }
0x25e: {  	[spmem:s3] =	stream.indirect.scatter.add.f32 [tilespmem:s16], [sflag:$0x6], $0x80, s7, s13, $0xb8;
	[tilespmem:$0x1D800] =	vst v63  }
0x25f: {  	_ =	swait.ge [sflag:s22], $0x2800  }
0x260: {  	[sflag:s22] =	ssyncset.done $0x0  }
0x261: {  	s8 =	rddreg [dreg:$0x1e];
	[sflag:s22] =	ssyncadd.s32 $0xFFFFD800  }
0x262: {  	[tilespmem:s16], [sflag:$0x3] =	stream.indirect.gather [hbm4b:s2+s13], $0x80, s8, s13, $0xb8;
	[tilespmem:$0x1D800] =	vst v63  }
0x263: {  	_ =	swait.ge [sflag:s17], $0x2800  }
0x264: {  	[sflag:s17] =	ssyncset.done $0x0  }
0x265: {  	s9 =	rddreg [dreg:$0x1f];
	[sflag:s17] =	ssyncadd.s32 $0xFFFFD800  }
0x266: {  	[spmem:s3] =	stream.indirect.scatter.add.f32 [tilespmem:s14], [sflag:$0x4], $0x80, s9, s13, $0xb8;
	[tilespmem:$0x1D800] =	vst v63  }
0x267: {  	_ =	swait.ge [sflag:s18], $0x2800  }
0x268: {  	s7 =	sld [smem:$0x7F1]  }
0x269: {  	[sflag:s18] =	ssyncset.done $0x0  }
0x26a: {  	[sflag:s18] =	ssyncadd.s32 $0xFFFFD800  }
0x26b: {  	[tilespmem:s14], [sflag:$0x1] =	stream.indirect.gather [hbm4b:s2+s13], $0x80, s7, s13, $0xb8;
	[tilespmem:$0x1D800] =	vst v63  }
0x26c: {  	_ =	swait.ge [sflag:s19], $0x2800  }
0x26d: {  	s8 =	sld [smem:$0x7F2]  }
0x26e: {  	[sflag:s19] =	ssyncset.done $0x0  }
0x26f: {  	[sflag:s19] =	ssyncadd.s32 $0xFFFFD800  }
0x270: {  	[spmem:s3] =	stream.indirect.scatter.add.f32 [tilespmem:s15], [sflag:$0x5], $0x80, s8, s13, $0xb8;
	[tilespmem:$0x1D800] =	vst v63  }
0x271: {  	_ =	swait.ge [sflag:s20], $0x2800  }
0x272: {  	s9 =	sld [smem:$0x7F3]  }
0x273: {  	[sflag:s20] =	ssyncset.done $0x0  }
0x274: {  	[sflag:s20] =	ssyncadd.s32 $0xFFFFD800  }
0x275: {  	[tilespmem:s15], [sflag:$0x2] =	stream.indirect.gather [hbm4b:s2+s13], $0x80, s9, s13, $0xb8;
	[tilespmem:$0x1D800] =	vst v63  }
0x276: {  	_ =	swait.ge [sflag:s21], $0x2800  }
0x277: {  	s7 =	sld [smem:$0x7F4]  }
0x278: {  	[sflag:s21] =	ssyncset.done $0x0  }
0x279: {  	[sflag:s21] =	ssyncadd.s32 $0xFFFFD800  }
0x27a: {  	[spmem:s3] =	stream.indirect.scatter.add.f32 [tilespmem:s16], [sflag:$0x6], $0x80, s7, s13, $0xb8;
	[tilespmem:$0x1D800] =	vst v63  }
0x27b: {  	_ =	swait.ge [sflag:s22], $0x2800  }
0x27c: {  	s8 =	sld [smem:$0x7F5]  }
0x27d: {  	[sflag:s22] =	ssyncset.done $0x0  }
0x27e: {  	[sflag:s22] =	ssyncadd.s32 $0xFFFFD800  }
0x27f: {  	[tilespmem:s16], [sflag:$0x3] =	stream.indirect.gather [hbm4b:s2+s13], $0x80, s8, s13, $0xb8;
	[tilespmem:$0x1D800] =	vst v63  }
0x280: {  	_ =	swait.ge [sflag:s17], $0x2800  }
0x281: {  	s9 =	sld [smem:$0x7F6]  }
0x282: {  	[sflag:s17] =	ssyncset.done $0x0  }
0x283: {  	[sflag:s17] =	ssyncadd.s32 $0xFFFFD800  }
0x284: {  	[spmem:s3] =	stream.indirect.scatter.add.f32 [tilespmem:s14], [sflag:$0x4], $0x80, s9, s13, $0xb8;
	[tilespmem:$0x1D800] =	vst v63  }
0x285: {  	_ =	swait.ge [sflag:s18], $0x2800  }
0x286: {  	s7 =	sld [smem:$0x7F7]  }
0x287: {  	[sflag:s18] =	ssyncset.done $0x0  }
0x288: {  	[sflag:s18] =	ssyncadd.s32 $0xFFFFD800  }
0x289: {  	[tilespmem:s14], [sflag:$0x1] =	stream.indirect.gather [hbm4b:s2+s13], $0x80, s7, s13, $0xb8;
	[tilespmem:$0x1D800] =	vst v63  }
0x28a: {  	_ =	swait.ge [sflag:s19], $0x2800  }
0x28b: {  	s8 =	sld [smem:$0x7F8]  }
0x28c: {  	[sflag:s19] =	ssyncset.done $0x0  }
0x28d: {  	[sflag:s19] =	ssyncadd.s32 $0xFFFFD800  }
0x28e: {  	[spmem:s3] =	stream.indirect.scatter.add.f32 [tilespmem:s15], [sflag:$0x5], $0x80, s8, s13, $0xb8;
	[tilespmem:$0x1D800] =	vst v63  }
0x28f: {  	_ =	swait.ge [sflag:s20], $0x2800  }
0x290: {  	s9 =	sld [smem:$0x7F9]  }
0x291: {  	[sflag:s20] =	ssyncset.done $0x0  }
0x292: {  	[sflag:s20] =	ssyncadd.s32 $0xFFFFD800  }
0x293: {  	[tilespmem:s15], [sflag:$0x2] =	stream.indirect.gather [hbm4b:s2+s13], $0x80, s9, s13, $0xb8;
	[tilespmem:$0x1D800] =	vst v63  }
0x294: {  	_ =	swait.ge [sflag:s21], $0x2800  }
0x295: {  	s7 =	sld [smem:$0x7FA]  }
0x296: {  	[sflag:s21] =	ssyncset.done $0x0  }
0x297: {  	[sflag:s21] =	ssyncadd.s32 $0xFFFFD800  }
0x298: {  	[spmem:s3] =	stream.indirect.scatter.add.f32 [tilespmem:s16], [sflag:$0x6], $0x80, s7, s13, $0xb8;
	[tilespmem:$0x1D800] =	vst v63  }
0x299: {  	_ =	swait.ge [sflag:s22], $0x2800  }
0x29a: {  	s8 =	sld [smem:$0x7FB]  }
0x29b: {  	[sflag:s22] =	ssyncset.done $0x0  }
0x29c: {  	[sflag:s22] =	ssyncadd.s32 $0xFFFFD800  }
0x29d: {  	[tilespmem:s16], [sflag:$0x3] =	stream.indirect.gather [hbm4b:s2+s13], $0x80, s8, s13, $0xb8;
	[tilespmem:$0x1D800] =	vst v63  }
0x29e: {  	_ =	swait.ge [sflag:s17], $0x2800  }
0x29f: {  	[sflag:s17] =	ssyncset.done $0x0  }
0x2a0: {  	[sflag:s17] =	ssyncadd.s32 $0xFFFFD800  }
0x2a1: {  	[spmem:s3] =	stream.indirect.scatter.add.f32 [tilespmem:s14], [sflag:$0x4], $0x80, s23, s13, $0xb8;
	[tilespmem:$0x1D800] =	vst v63  }
0x2a2: {  	_ =	swait.ge [sflag:s18], $0x2800  }
0x2a3: {  	[sflag:s18] =	ssyncset.done $0x0  }
0x2a4: {  	[sflag:s18] =	ssyncadd.s32 $0xFFFFD800  }
0x2a5: {  	[tilespmem:s14], [sflag:$0x1] =	stream.indirect.gather [hbm4b:s2+s13], $0x80, s24, s13, $0xb8;
	[tilespmem:$0x1D800] =	vst v63  }
0x2a6: {  	_ =	swait.ge [sflag:s19], $0x2800  }
0x2a7: {  	[sflag:s19] =	ssyncset.done $0x0  }
0x2a8: {  	[sflag:s19] =	ssyncadd.s32 $0xFFFFD800  }
0x2a9: {  	[spmem:s3] =	stream.indirect.scatter.add.f32 [tilespmem:s15], [sflag:$0x5], $0x80, s25, s13, $0xb8;
	[tilespmem:$0x1D800] =	vst v63  }
0x2aa: {  	_ =	swait.ge [sflag:s20], $0x2800  }
0x2ab: {  	[sflag:s20] =	ssyncset.done $0x0  }
0x2ac: {  	[sflag:s20] =	ssyncadd.s32 $0xFFFFD800  }
0x2ad: {  	[tilespmem:s15], [sflag:$0x2] =	stream.indirect.gather [hbm4b:s2+s13], $0x80, s26, s13, $0xb8;
	[tilespmem:$0x1D800] =	vst v63  }
0x2ae: {  	_ =	swait.ge [sflag:s21], $0x2800  }
0x2af: {  	[sflag:s21] =	ssyncset.done $0x0  }
0x2b0: {  	[sflag:s21] =	ssyncadd.s32 $0xFFFFD800  }
0x2b1: {  	[spmem:s3] =	stream.indirect.scatter.add.f32 [tilespmem:s16], [sflag:$0x6], $0x80, s28, s13, $0xb8;
	[tilespmem:$0x1D800] =	vst v63  }
0x2b2: {  	_ =	swait.ge [sflag:s22], $0x2800  }
0x2b3: {  	[sflag:s22] =	ssyncset.done $0x0  }
0x2b4: {  	[sflag:s22] =	ssyncadd.s32 $0xFFFFD800  }
0x2b5: {  	[tilespmem:s16], [sflag:$0x3] =	stream.indirect.gather [hbm4b:s2+s13], $0x80, s29, s13, $0xb8;
	[tilespmem:$0x1D800] =	vst v63  }
0x2b6: {  	_ =	swait.ge [sflag:s17], $0x2800  }
0x2b7: {  	[sflag:s17] =	ssyncset.done $0x0  }
0x2b8: {  	[sflag:s17] =	ssyncadd.s32 $0xFFFFD800  }
0x2b9: {  	[spmem:s3] =	stream.indirect.scatter.add.f32 [tilespmem:s14], [sflag:$0x4], $0x80, s30, s13, $0xb8;
	[tilespmem:$0x1D800] =	vst v63  }
0x2ba: {  	_ =	swait.ge [sflag:s18], $0x2800  }
0x2bb: {  	[sflag:s18] =	ssyncset.done $0x0  }
0x2bc: {  	[sflag:s18] =	ssyncadd.s32 $0xFFFFD800  }
0x2bd: {  	[tilespmem:s14], [sflag:$0x1] =	stream.indirect.gather [hbm4b:s2+s13], $0x80, s31, s13, $0xb8;
	[tilespmem:$0x1D800] =	vst v63  }
0x2be: {  	_ =	swait.ge [sflag:s19], $0x2800  }
0x2bf: {  	[sflag:s19] =	ssyncset.done $0x0  }
0x2c0: {  	[sflag:s19] =	ssyncadd.s32 $0xFFFFD800  }
0x2c1: {  	[spmem:s3] =	stream.indirect.scatter.add.f32 [tilespmem:s15], [sflag:$0x5], $0x80, s1, s13, $0xb8;
	[tilespmem:$0x1D800] =	vst v63  }
0x2c2: {  	_ =	swait.ge [sflag:s20], $0x2800  }
0x2c3: {  	[sflag:s20] =	ssyncset.done $0x0  }
0x2c4: {  	[sflag:s20] =	ssyncadd.s32 $0xFFFFD800  }
0x2c5: {  	_ =	swait.ge [sflag:s21], $0x2800  }
0x2c6: {  	[sflag:s21] =	ssyncset.done $0x0  }
0x2c7: {  	[sflag:s21] =	ssyncadd.s32 $0xFFFFD800  }
0x2c8: {  	[spmem:s3] =	stream.indirect.scatter.add.f32 [tilespmem:s16], [sflag:$0x6], $0x80, s0, s13, $0xb8;
	[tilespmem:$0x1D800] =	vst v63  }
0x2c9: {  	_ =	swait.ge [sflag:s22], $0x2800  }
0x2ca: {  	[sflag:s22] =	ssyncset.done $0x0  }
0x2cb: {  	[sflag:s22] =	ssyncadd.s32 $0xFFFFD800  }
0x2cc: {  	_ =	swait.ge [sflag:s17], $0x2800  }
0x2cd: {  	[sflag:s17] =	ssyncset.done $0x0  }
0x2ce: {  	[sflag:s17] =	ssyncadd.s32 $0xFFFFD800  }
0x2cf: {  	[spmem:s3] =	stream.indirect.scatter.add.f32 [tilespmem:s14], [sflag:$0x4], $0x80, s5, s13, $0xb8;
	[tilespmem:$0x1D800] =	vst v63  }
0x2d0: {  	_ =	swait.ge [sflag:s18], $0x2800  }
0x2d1: {  	[sflag:s18] =	ssyncset.done $0x0  }
0x2d2: {  	[sflag:s18] =	ssyncadd.s32 $0xFFFFD800  }
0x2d3: {  	[bflag:$0x0] =	sbarrier.arrive $0xFFFF  }
0x2d4: {  	s7 =	sld [smem:$0x7FC]  }
0x2d5: {  	s9 =	sld [smem:$0x7EF]  }
0x2d6: {  	s8 =	sld [smem:$0x7FD];
	_ =	sdelay $0x2  }
0x2d7: {  	[hbm:s9], [sflag:s7] =	dma.local [spmem:s8], $0x2800  }
0x2d8: {  	_ =	swait.ge [sflag:s10], $0x2800  }
0x2d9: {  	s6 =	sld [smem:$0x7ED];
	_ =	sdelay $0x2  }
0x2da: {  	s9 =	sadd.s32 $0x1, s6;
	s6 =	sld [smem:$0x7F0];
	_ =	sdelay $0x2  }
0x2db: {  	p0 =	sne.s32 s9, s6  }
.Ltmp1:
0x2dc: {  	_ = 	snop;
	(pc) =	sbr.rel @p0 .LBB2_1-.Ltmp1, $3  }
0x2dd: {  	_ =	sdelay $0x1  }
0x2de: {  	[sflag:s10] =	ssyncset.done $0x0  }
0x2df: {  	[sflag:s10] =	ssyncadd.s32 $0xFFFFD800  }
0x2e0: {  	_ =	sfence.sel $0x180000  }
0x2e1: {  	[bflag:$0x0] =	sbarrier.arrive $0xFFFF  }
0x2e2: {  	_ =	strace $0x9000004A  }
0x2e3: {  	s0 =	stileid.u32;
	[bflag:$0x2] =	sbarrier.arrive $0xFFFF  }
0x2e4: {  	p0 =	sne.s32 s0, $0x0;
	s0 =	rddreg [dreg:$0x3]  }
0x2e5: {  	s0 =	sadd.s32 @!p0 $0x100000, s0  }
0x2e6: {  	[sflag:s0] =	ssyncadd.tile.s32 @!p0 $0x1;
	_ =	shalt  }
.Lfunc_end2:
_tile_overlayer_lowered:
.L_overlay_start_2:
0x2e7: {  	(tag) =	ssettag $0x2  }
0x2e8: {  	s0 =	rddreg [dreg:$0x0];
	s2 =	stileid.u32  }
0x2e9: {  	s1 =	rddreg [dreg:$0x1];
	p0 =	sne.s32 s2, $0x0  }
0x2ea: {  	s3 =	rddreg [dreg:$0x2];
	[bflag:$0x3] =	sbarrier.arrive $0xFFFF;
	s2 =	simm.s32 @!p0 $0x1C07  }
0x2eb: {  	[timem:s3], [sflag:s2] =	dma.local @!p0 [hbm:s0], s1  }
0x2ec: {  	s0 =	simm.s32 @!p0 $0x7  }
0x2ed: {  	_ =	swait.ge @!p0 [sflag:s0], s1  }
0x2ee: {  	s1 =	ssub.s32 @!p0 $0x0, s1;
	[sflag:s0] =	ssyncset.done @!p0 $0x0  }
0x2ef: {  	[sflag:s0] =	ssyncadd.s32 @!p0 s1  }
0x2f0: {  	[bflag:$0x3] =	sbarrier.arrive $0xFFFF  }
0x2f1: {  	_ =	shalt  }

// kernel: kernel.8.cloned.1.call-start
scs
__scs_entry_jumppad:
0x0: {  	(pc) =	sbr.rel $0x88, $3  }
0x1: {  	(tag) =	ssettag $0x0;
	lr =	simm.s32 $0x1  }
0x2: {  	[smem:$0x3F99] =	sst lr;
	_ =	strace $0xD0000000  }
0x3: {  	_ = 	snop  }
0x4: {  	_ = 	snop  }
0x5: {  	_ = 	snop  }
0x6: {  	_ = 	snop  }
0x7: {  	_ = 	snop  }
__scs_overlays_trampoline_lowered:
0x8: {  	[smem:$0x3FA8] =	sst s0  }
0x9: {  	[smem:$0x3FA9] =	sst s1  }
0xa: {  	[smem:$0x3FAA] =	sst s2  }
0xb: {  	[smem:$0x3FAB] =	sst s3  }
0xc: {  	[smem:$0x3FAC] =	sst s4  }
0xd: {  	[smem:$0x3FAD] =	sst s5  }
0xe: {  	[smem:$0x3FAE] =	sst s6  }
0xf: {  	[smem:$0x3FAF] =	sst s7  }
0x10: {  	[smem:$0x3FB0] =	sst s8  }
0x11: {  	[smem:$0x3FB1] =	sst s9;
	s0 =	simm.s32 @!p0 $0x0  }
0x12: {  	s1 =	sld [smem:$0x3F97];
	s0 =	simm.s32 @p0 $0x1  }
0x13: {  	[smem:$0x3FB2] =	sst s0;
	s0 =	simm.s32 @!p1 $0x0  }
0x14: {  	s2 =	sld [smem:$0x3F96];
	s0 =	simm.s32 @p1 $0x1  }
0x15: {  	[smem:$0x3FB3] =	sst s0;
	s0 =	simm.s32 @!p2 $0x0  }
0x16: {  	s3 =	sld [smem:$0x3FDB];
	s0 =	simm.s32 @p2 $0x1  }
0x17: {  	s4 =	simm.s32 $0x1BF5;
	[smem:$0x3FB5] =	sst s0  }
0x18: {  	s0 =	sld [smem:$0x3F98];
	_ =	swait.ge [sflag:s4], $0x0  }
0x19: {  	s7 =	sld [smem:$0x3F99]  }
0x1a: {  	s8 =	sadd.s32 $0xFFFFE003, lr  }
0x1b: {  	s9 =	sadd.s32 $0xFFFFFEF7, lr;
	s5 =	simm.s32 $0xFFFFFFFF;
	p2 =	slt.u32 s8, $0xFFFFF086  }
0x1c: {  	p1 =	slt.u32 s9, $0xF7A;
	s5 =	simm.s32 @!p2 $0x0  }
0x1d: {  	s5 =	simm.s32 @p1 $0x1;
	p0 =	seq.s32 s7, s2  }
0x1e: {  	s7 =	smul.u32 @!p0 $0xF7A, s2;
	p2 =	seq.s32 @!p0 s5, $0x0  }
0x1f: {  	s9 =	smul.u32 $0xF7A, s1;
	s8 =	simm.s32 @!p0 $0x1BF5;
	p2 =	por !p2, p0  }
0x20: {  	[sflag:s8] =	ssyncset.s32 @!p0 $0xFFFFF086;
	s6 =	sadd.s32 @!p0 s3, s7;
	s7 =	simm.s32 @!p0 $0x108  }
0x21: {  	s3 =	sadd.s32 s3, s9;
	s6 =	sadd.s32 @!p0 $0x88, s6;
	s7 =	simm.s32 @p2 $0x1082  }
0x22: {  	[simem:s7], [sflag:s8] =	dma.local @!p0 [hbm:s6], $0xF7A  }
0x23: {  	s9 =	sor.u32 $0xD0000000, s2;
	s6 =	simm.s32 $0x108;
	_ =	swait.ge @!p0 [sflag:s8], $0x0  }
0x24: {  	s3 =	sadd.s32 $0x88, s3;
	s6 =	simm.s32 @!p1 $0x1082;
	[sflag:s4] =	ssyncset.s32 $0xFFFFF086  }
0x25: {  	[simem:s6], [sflag:s4] =	dma.local [hbm:s3], $0xF7A  }
0x26: {  	[smem:$0x3F99] =	sst s1;
	(tag) =	ssettag s2;
	_ =	strace s9  }
0x27: {  	s1 =	sld [smem:$0x3FA9]  }
0x28: {  	s2 =	sld [smem:$0x3FAA]  }
0x29: {  	s4 =	sld [smem:$0x3FAC]  }
0x2a: {  	p0 =	seq.s32 s5, $0x0;
	s5 =	sld [smem:$0x3FAD]  }
0x2b: {  	s6 =	sld [smem:$0x3FAE]  }
0x2c: {  	s7 =	sld [smem:$0x3FAF]  }
0x2d: {  	s3 =	simm.s32 $0x108;
	s8 =	sld [smem:$0x3FB0]  }
0x2e: {  	s3 =	simm.s32 @!p0 $0x1082;
	s9 =	sld [smem:$0x3FB1]  }
0x2f: {  	lr =	sadd.s32 s0, s3;
	s0 =	sld [smem:$0x3FA8]  }
0x30: {  	s3 =	sld [smem:$0x3FAB]  }
0x31: {  	[smem:$0x3FB4] =	sst s10  }
0x32: {  	s10 =	sld [smem:$0x3FB2];
	_ =	sdelay $0x3  }
0x33: {  	p0 =	seq.s32 s10, $0x1;
	s10 =	sld [smem:$0x3FB4];
	_ =	sdelay $0x3  }
0x34: {  	[smem:$0x3FB4] =	sst s10  }
0x35: {  	s10 =	sld [smem:$0x3FB3];
	_ =	sdelay $0x3  }
0x36: {  	p1 =	seq.s32 s10, $0x1;
	s10 =	sld [smem:$0x3FB4];
	_ =	sdelay $0x3  }
0x37: {  	[smem:$0x3FB4] =	sst s10  }
0x38: {  	s10 =	sld [smem:$0x3FB5]  }
0x39: {  	_ = 	snop;
	(pc) =	sbr.ind lr, $3  }
0x3a: {  	_ = 	snop  }
0x3b: {  	_ = 	snop  }
0x3c: {  	p2 =	seq.s32 s10, $0x1;
	s10 =	sld [smem:$0x3FB4]  }
0x3d: {  	_ =	shalt  }
0x3e: {  	_ =	shalt  }
0x3f: {  	_ =	shalt  }
0x40: {  	_ =	shalt  }
0x41: {  	_ =	shalt  }
0x42: {  	_ =	shalt  }
0x43: {  	_ =	shalt  }
0x44: {  	_ =	shalt  }
0x45: {  	_ =	shalt  }
0x46: {  	_ =	shalt  }
0x47: {  	_ =	shalt  }
0x48: {  	_ =	shalt  }
0x49: {  	_ =	shalt  }
0x4a: {  	_ =	shalt  }
0x4b: {  	_ =	shalt  }
0x4c: {  	_ =	shalt  }
0x4d: {  	_ =	shalt  }
0x4e: {  	_ =	shalt  }
0x4f: {  	_ =	shalt  }
0x50: {  	_ =	shalt  }
0x51: {  	_ =	shalt  }
0x52: {  	_ =	shalt  }
0x53: {  	_ =	shalt  }
0x54: {  	_ =	shalt  }
0x55: {  	_ =	shalt  }
0x56: {  	_ =	shalt  }
0x57: {  	_ =	shalt  }
0x58: {  	_ =	shalt  }
0x59: {  	_ =	shalt  }
0x5a: {  	_ =	shalt  }
0x5b: {  	_ =	shalt  }
0x5c: {  	_ =	shalt  }
0x5d: {  	_ =	shalt  }
0x5e: {  	_ =	shalt  }
0x5f: {  	_ =	shalt  }
0x60: {  	_ =	shalt  }
0x61: {  	_ =	shalt  }
0x62: {  	_ =	shalt  }
0x63: {  	_ =	shalt  }
0x64: {  	_ =	shalt  }
0x65: {  	_ =	shalt  }
0x66: {  	_ =	shalt  }
0x67: {  	_ =	shalt  }
0x68: {  	_ =	shalt  }
0x69: {  	_ =	shalt  }
0x6a: {  	_ =	shalt  }
0x6b: {  	_ =	shalt  }
0x6c: {  	_ =	shalt  }
0x6d: {  	_ =	shalt  }
0x6e: {  	_ =	shalt  }
0x6f: {  	_ =	shalt  }
0x70: {  	_ =	shalt  }
0x71: {  	_ =	shalt  }
0x72: {  	_ =	shalt  }
0x73: {  	_ =	shalt  }
0x74: {  	_ =	shalt  }
0x75: {  	_ =	shalt  }
0x76: {  	_ =	shalt  }
0x77: {  	_ =	shalt  }
0x78: {  	_ =	shalt  }
0x79: {  	_ =	shalt  }
0x7a: {  	_ =	shalt  }
0x7b: {  	_ =	shalt  }
0x7c: {  	_ =	shalt  }
0x7d: {  	_ =	shalt  }
0x7e: {  	_ =	shalt  }
0x7f: {  	_ =	shalt  }
0x80: {  	_ =	shalt  }
0x81: {  	_ =	shalt  }
0x82: {  	_ =	shalt  }
0x83: {  	_ =	shalt  }
0x84: {  	_ =	shalt  }
0x85: {  	_ =	shalt  }
0x86: {  	_ =	shalt  }
0x87: {  	_ =	shalt  }
.Lfunc_end0:
.L_simem_size_0:
called_computation_lowered:
.L_overlay_start_0:
0x88: {  	s2 =	sld [smem:$0x3FD9]  }
0x89: {  	s3 =	sld [smem:$0x3FFE];
	_ =	sdelay $0x1  }
0x8a: {  	s1 =	srdreg.scid  }
0x8b: {  	s0 =	sand.u32 $0x1, s1  }
0x8c: {  	s17 =	sshll.u32 s0, $0xA;
	s2 =	sadd.s32 s3, s2  }
0x8d: {  	s2 =	sadd.s32 s2, s17  }
0x8e: {  	[smem:$0x3FC0] =	sst s2  }
0x8f: {  	_ = 	snop  }
0x90: {  	s2 =	sld [smem:$0x3FC9]  }
0x91: {  	s18 =	sld [smem:$0x3FD0];
	(tm) =	ssettm $0x1  }
0x92: {  	s4 =	sld [smem:$0x3FFB];
	_ =	sdelay $0x3  }
0x93: {  	_ =	strace s4  }
0x94: {  	s4 =	sld [smem:$0x3FFC];
	_ =	sdelay $0x3  }
0x95: {  	_ =	strace s4  }
0x96: {  	s4 =	sld [smem:$0x3FFD];
	_ =	sdelay $0x3  }
0x97: {  	_ =	strace s4  }
0x98: {  	_ =	strace $0x8FFFFFFF  }
0x99: {  	s19 =	sld [smem:$0x3FDB];
	_ =	sdelay $0x1  }
0x9a: {  	s5 =	simm.s32 $_scs_section_size  }
0x9b: {  	s6 =	simm.s32 $_size__tile_overlayer_lowered;
	s7 =	simm.s32 $_tile_overlayer_lowered  }
0x9c: {  	s22 =	simm.s32 $0x1BFF;
	s21 =	sshll.u32 s7, $0x1;
	s4 =	sadd.s32 s5, s19  }
0x9d: {  	s8 =	simm.s32 $0x0;
	s20 =	sshll.u32 s6, $0x1;
	s6 =	sadd.s32 s21, s4  }
0x9e: {  	[timem:s8], [sflag:s22] =	dma.local [hbm:s6], s20  }
0x9f: {  	_ =	swait.ge [sflag:s22], s20  }
0xa0: {  	s5 =	ssub.s32 $0x0, s20;
	[sflag:s22] =	ssyncset.done $0x0  }
0xa1: {  	[sflag:s22] =	ssyncadd.s32 s5;
	_ =	sdelay $0x1  }
0xa2: {  	s23 =	simm.s32 $0x1B8B  }
0xa3: {  	_ =	swait.ge [sflag:s23], $0x1  }
0xa4: {  	[sflag:s23] =	ssyncset.done $0x0  }
0xa5: {  	s25 =	simm.s32 $0x1B8E;
	s24 =	sld [smem:$0x3FFE];
	[sflag:s23] =	ssyncadd.s32 $0xFFFFFFFF  }
0xa6: {  	s26 =	simm.s32 $execute0_lowered;
	[smem:$0x3FD2] =	sst s25  }
0xa7: {  	s6 =	sshll.u32 s26, $0x1;
	_ =	strace $0x80000046;
	[dreg:$0x1] =	wrdreg $0xFFFFFFFF  }
0xa8: {  	s28 =	simm.s32 $_size_execute0_lowered;
	s4 =	sadd.s32 s4, s6;
	[dreg:$0x0] =	wrdreg $0x0  }
0xa9: {  	s6 =	sshll.u32 s28, $0x1;
	[dreg:$0x2] =	wrdreg s4  }
0xaa: {  	[dreg:$0x3] =	wrdreg s6  }
0xab: {  	[dreg:$0x4] =	wrdreg $0xC0  }
0xac: {  	_ =	task [dreg:s8], $0x5FFFF  }
0xad: {  	[dreg:$0x1] =	wrdreg $0xFFFFFFFF  }
0xae: {  	[dreg:$0x0] =	wrdreg $0x60  }
0xaf: {  	[dreg:$0x2] =	wrdreg s2  }
0xb0: {  	[dreg:$0x3] =	wrdreg s24  }
0xb1: {  	[dreg:$0x4] =	wrdreg s18  }
0xb2: {  	[dreg:$0x5] =	wrdreg $0x0  }
0xb3: {  	[dreg:$0x6] =	wrdreg $0x9  }
0xb4: {  	_ =	task.clear_ibuf [dreg:s8], $0x7FFFF;
	_ =	strace $0x90000046  }
0xb5: {  	s29 =	simm.s32 $0x9;
	_ =	strace $0x80000048  }
0xb6: {  	_ =	swait.ge [sflag:s29], $0x1  }
0xb7: {  	[sflag:s29] =	ssyncadd.s32 $0xFFFFFFFF  }
0xb8: {  	_ =	strace $0x90000048  }
0xb9: {  	_ =	sfence  }
0xba: {  	s30 =	sld [smem:$0x0];
	_ =	sdelay $0x2  }
0xbb: {  	s31 =	sshll.u32 s1, $0xD;
	s1 =	sshrl.u32 s1, $0x2  }
0xbc: {  	s3 =	sand.u32 $0x4000, s31;
	s1 =	sadd.s32 s1, s30  }
0xbd: {  	s0 =	sor.u32 s3, s0;
	s1 =	sshll.u32 s1, $0x11  }
0xbe: {  	s0 =	sor.u32 s1, s0  }
0xbf: {  	s0 =	sadd.s32 $0x8F2B, s0  }
0xc0: {  	[sflag:s0] =	ssyncadd.remote.s32 $0x1  }
0xc1: {  	_ =	sfence.sel $0xFFFF  }
0xc2: {  	[dreg:$0x0] =	wrdreg $0xFFFFFFFF;
	(pc) =	sbr.abs _section_cstart, $3  }
0xc3: {  	[dreg:$0x1] =	wrdreg $0xFFFFFFFF  }
0xc4: {  	_ =	task.clear_ibuf [dreg:s8], $0x2FFFF;
	_ =	strace $0x9FFFFFFF  }
0xc5: {  	(tm) =	ssettm $0x7FFFFFFF  }
tec
execute0_lowered:
.L_overlay_start_1:
0x0: {  	(tag) =	ssettag $0x1  }
0x1: {  	s1 =	rddreg [dreg:$0x0]  }
0x2: {  	s0 =	rddreg [dreg:$0x1]  }
0x3: {  	s2 =	rddreg [dreg:$0x2]  }
0x4: {  	s3 =	rddreg [dreg:$0x3]  }
0x5: {  	s14 =	stileid.u32;
	s5 =	srdreg.scid;
	s4 =	simm.s32 $0x0  }
0x6: {  	s15 =	simm.s32 $0x14000;
	s16 =	simm.s32 $0x15000;
	s17 =	simm.s32 $0x50  }
0x7: {  	s18 =	simm.s32 $0x16000;
	s19 =	simm.s32 $0x14080;
	s20 =	simm.s32 $0x18800  }
0x8: {  	s28 =	simm.s32 $0x5;
	s29 =	simm.s32 $0x3;
	s30 =	simm.s32 $0x6  }
0x9: {  	s31 =	simm.s32 $0x14C00;
	s6 =	smul.u32 $0x14000, s14;
	s7 =	sand.u32 $0x1, s5  }
0xa: {  	[smem:$0x7FF] =	sst s4;
	s5 =	sadd.s32 $0x16000, s0;
	s10 =	sshll.u32 s14, $0x1  }
0xb: {  	s22 =	smul.u32 $0x50000, s14;
	s11 =	sshrl.u32 s14, $0x2;
	s24 =	sshll.u32 s14, $0x6  }
0xc: {  	s14 =	simm.s32 $0x7;
	s8 =	smul.u32 $0x140000, s7;
	_ =	strace $0x80000047  }
0xd: {  	s21 =	ssub.s32 $0x2, s7;
	s7 =	sor.u32 s7, s10;
	s11 =	smul.u32 $0x14000, s11  }
0xe: {  	s9 =	sshrl.u32 s6, $0x3;
	s12 =	sshrl.u32 s21, $0x1;
	s13 =	sshll.u32 s7, $0x7  }
0xf: {  	s10 =	sshrl.u32 s22, $0x2;
	s22 =	simm.s32 $0x1B000;
	s8 =	sadd.s32 s6, s8  }
0x10: {  	s6 =	sadd.s32 $0x2000, s0;
	s9 =	sadd.s32 s9, s0;
	s23 =	sand.u32 $0x380, s13  }
0x11: {  	s10 =	sadd.s32 s10, s3;
	s8 =	sshrl.u32 s8, $0x3;
	s11 =	sor.u32 s11, s23  }
0x12: {  	s9 =	sadd.s32 $0x2A000, s9;
	s10 =	sshrl.u32 s10, $0x3;
	s23 =	simm.s32 $0x1D800  }
0x13: {  	s0 =	sadd.s32 s8, s0;
	s8 =	ssub.s32 s21, s12;
	[dreg:$0x5] =	wrdreg s9  }
0x14: {  	s12 =	sor.u32 $0x1C07, s24;
	s11 =	sshrl.u32 s11, $0x3;
	[dreg:$0xa] =	wrdreg s10  }
0x15: {  	s9 =	smul.u32 $0x5000, s7;
	s0 =	sadd.s32 $0x52000, s0;
	[dreg:$0x6] =	wrdreg s12  }
0x16: {  	s21 =	simm.s32 $0x14100;
	s25 =	sadd.s32 s2, s11;
	[dreg:$0x7] =	wrdreg s0  }
0x17: {  	s24 =	simm.s32 $0x1;
	s26 =	smax.u32 s8, $0x1;
	[dreg:$0x8] =	wrdreg s25  }
0x18: {  	s7 =	simm.s32 $0x15C00;
	s2 =	simm.s32 $0x15B80;
	[dreg:$0x9] =	wrdreg s26  }
0x19: {  	v0 =	vimm.f32 $0.0e+00;
	s25 =	simm.s32 $0x4;
	s26 =	simm.s32 $0x2;
	s0 =	simm.s32 $0x15B00  }
.LBB2_1:
0x1a: {  	s8 =	rddreg [dreg:$0x5]  }
0x1b: {  	[spmem:s10], [sflag:s12] =	dma.local [hbm:s8], $0x2800  }
0x1c: {  	_ =	swait.ge [sflag:s14], $0x2800  }
0x1d: {  	[sflag:s14] =	ssyncset.done $0x0  }
0x1e: {  	s8 =	simm.s32 $0x40;
	s10 =	simm.s32 $0x0;
	[sflag:s14] =	ssyncadd.s32 $0xFFFFD800  }
.LBB2_2:
0x1f: {  	p0 =	sne.s32 s8, $0x9FC0;
	[tilespmem:s10+$0x1D800] =	vst v0;
	s10 =	smov.u32 s8;
	s8 =	sadd.s32 $0x40, s8  }
.Ltmp0:
0x20: {  	(pc) =	sbr.rel @p0 .LBB2_2-.Ltmp0, $2  }
0x21: {  	_ =	sdelay $0x2  }
0x22: {  	s10 =	sshra.s32 s10, $0x2  }
0x23: {  	[tilespmem:s10+$0x1D800] =	vst v0  }
0x24: {  	s10 =	simm.s32 $0x0;
	s11 =	simm.s32 $0x0;
	[bflag:$0x0] =	sbarrier.arrive $0xFFFF  }
.LBB2_4:
0x25: {  	s8 =	sshll.u32 s11, $0xC  }
0x26: {  	s8 =	sadd.s32 s9, s8  }
0x27: {  	s8 =	sshrl.u32 s8, $0x3  }
0x28: {  	s12 =	sadd.s32 s5, s8  }
0x29: {  	[tilespmem:s15], [sflag:$0x7] =	stream.linear.gather [hbm4b:s12+s10], $0xC80, $0x38;
	v63 =	vld [tilespmem:$0x0]  }
0x2a: {  	_ =	swait.ge [sflag:s14], $0xC80  }
0x2b: {  	[sflag:s14] =	ssyncset.done $0x0  }
0x2c: {  	s8 =	sadd.s32 s6, s8;
	[sflag:s14] =	ssyncadd.s32 $0xFFFFF380  }
0x2d: {  	[tilespmem:s16], [sflag:$0x7] =	stream.linear.gather [hbm4b:s8+s10], $0xC80, $0x38;
	v63 =	vld [tilespmem:$0x0]  }
0x2e: {  	_ =	swait.ge [sflag:s14], $0xC80  }
0x2f: {  	[sflag:s14] =	ssyncset.done $0x0  }
0x30: {  	[sflag:s14] =	ssyncadd.s32 $0xFFFFF380  }
0x31: {  	[tilespmem:s18], [sflag:$0x1] =	stream.indirect.gather [hbm4b:s1+s17], $0x80, s15, s17, $0xb8;
	v63 =	vld [tilespmem:$0x0]  }
0x32: {  	_ = 	snop  }
0x33: {  	[tilespmem:s20], [sflag:$0x2] =	stream.indirect.gather [hbm4b:s1+s17], $0x80, s19, s17, $0xb8;
	v63 =	vld [tilespmem:$0x0]  }
0x34: {  	_ = 	snop  }
0x35: {  	[tilespmem:s22], [sflag:$0x3] =	stream.indirect.gather [hbm4b:s1+s17], $0x80, s21, s17, $0xb8;
	v63 =	vld [tilespmem:$0x0]  }
0x36: {  	v1 =	vld [tilespmem:$0x15000];
	_ =	sdelay $0x4  }
0x37: {  	(xrf1) =	vunique.msk.u32 $0xffff, v1;
	_ =	sdelay $0xd  }
0x38: {  	_, v2, vm0 =	vpop (xrf1);
	_ =	sdelay $0x3  }
0x39: {  	v2 =	vcvt.s32.f32 v2;
	_ =	sdelay $0x1  }
0x3a: {  	[tilespmem:v1+s23+$0x0] =	vst.idx.add.f32.msk vm0, v2  }
0x3b: {  	v1 =	vld [tilespmem:$0x15010];
	_ =	sdelay $0x4  }
0x3c: {  	(xrf1) =	vunique.msk.u32 $0xffff, v1;
	_ =	sdelay $0xd  }
0x3d: {  	_, v2, vm0 =	vpop (xrf1);
	_ =	sdelay $0x3  }
0x3e: {  	v2 =	vcvt.s32.f32 v2;
	_ =	sdelay $0x1  }
0x3f: {  	[tilespmem:v1+s23+$0x0] =	vst.idx.add.f32.msk vm0, v2  }
0x40: {  	v1 =	vld [tilespmem:$0x15020];
	_ =	sdelay $0x4  }
0x41: {  	(xrf1) =	vunique.msk.u32 $0xffff, v1;
	_ =	sdelay $0xd  }
0x42: {  	_, v2, vm0 =	vpop (xrf1);
	_ =	sdelay $0x3  }
0x43: {  	v2 =	vcvt.s32.f32 v2;
	_ =	sdelay $0x1  }
0x44: {  	[tilespmem:v1+s23+$0x0] =	vst.idx.add.f32.msk vm0, v2  }
0x45: {  	v1 =	vld [tilespmem:$0x15030];
	_ =	sdelay $0x4  }
0x46: {  	(xrf1) =	vunique.msk.u32 $0xffff, v1;
	_ =	sdelay $0xd  }
0x47: {  	_, v2, vm0 =	vpop (xrf1);
	_ =	sdelay $0x3  }
0x48: {  	v2 =	vcvt.s32.f32 v2;
	_ =	sdelay $0x1  }
0x49: {  	[tilespmem:v1+s23+$0x0] =	vst.idx.add.f32.msk vm0, v2  }
0x4a: {  	v1 =	vld [tilespmem:$0x15040];
	_ =	sdelay $0x4  }
0x4b: {  	(xrf1) =	vunique.msk.u32 $0xffff, v1;
	_ =	sdelay $0xd  }
0x4c: {  	_, v2, vm0 =	vpop (xrf1);
	_ =	sdelay $0x3  }
0x4d: {  	v2 =	vcvt.s32.f32 v2;
	_ =	sdelay $0x1  }
0x4e: {  	[tilespmem:v1+s23+$0x0] =	vst.idx.add.f32.msk vm0, v2  }
0x4f: {  	_ =	swait.ge [sflag:s24], $0x2800  }
0x50: {  	[sflag:s24] =	ssyncset.done $0x0  }
0x51: {  	s12 =	simm.s32 $0x0;
	[sflag:s24] =	ssyncadd.s32 $0xFFFFD800  }
0x52: {  	[spmem:s3] =	stream.indirect.scatter.add.f32 [tilespmem:s18], [sflag:$0x4], $0x80, s16, s17, $0xb8;
	v63 =	vld [tilespmem:$0x0]  }
.LBB2_5:
0x53: {  	_ =	swait.ge [sflag:s25], $0x2800  }
0x54: {  	s8 =	sshra.s32 s12, $0x2;
	[sflag:s25] =	ssyncset.done $0x0  }
0x55: {  	s13 =	sadd.s32 $0x14180, s8;
	[sflag:s25] =	ssyncadd.s32 $0xFFFFD800  }
0x56: {  	[tilespmem:s18], [sflag:$0x1] =	stream.indirect.gather [hbm4b:s1+s17], $0x80, s13, s17, $0xb8;
	v63 =	vld [tilespmem:$0x0]  }
0x57: {  	v1 =	vld [tilespmem:s8+$0x15080];
	_ =	sdelay $0x4  }
0x58: {  	(xrf1) =	vunique.msk.u32 $0xffff, v1;
	_ =	sdelay $0xd  }
0x59: {  	_, v2, vm0 =	vpop (xrf1);
	_ =	sdelay $0x3  }
0x5a: {  	v2 =	vcvt.s32.f32 v2;
	_ =	sdelay $0x1  }
0x5b: {  	[tilespmem:v1+s23+$0x0] =	vst.idx.add.f32.msk vm0, v2  }
0x5c: {  	v1 =	vld [tilespmem:s8+$0x15090];
	_ =	sdelay $0x4  }
0x5d: {  	(xrf1) =	vunique.msk.u32 $0xffff, v1;
	_ =	sdelay $0xd  }
0x5e: {  	_, v2, vm0 =	vpop (xrf1);
	_ =	sdelay $0x3  }
0x5f: {  	v2 =	vcvt.s32.f32 v2;
	_ =	sdelay $0x1  }
0x60: {  	[tilespmem:v1+s23+$0x0] =	vst.idx.add.f32.msk vm0, v2  }
0x61: {  	v1 =	vld [tilespmem:s8+$0x150A0];
	_ =	sdelay $0x4  }
0x62: {  	(xrf1) =	vunique.msk.u32 $0xffff, v1;
	_ =	sdelay $0xd  }
0x63: {  	_, v2, vm0 =	vpop (xrf1);
	_ =	sdelay $0x3  }
0x64: {  	v2 =	vcvt.s32.f32 v2;
	_ =	sdelay $0x1  }
0x65: {  	[tilespmem:v1+s23+$0x0] =	vst.idx.add.f32.msk vm0, v2  }
0x66: {  	v1 =	vld [tilespmem:s8+$0x150B0];
	_ =	sdelay $0x4  }
0x67: {  	(xrf1) =	vunique.msk.u32 $0xffff, v1;
	_ =	sdelay $0xd  }
0x68: {  	_, v2, vm0 =	vpop (xrf1);
	_ =	sdelay $0x3  }
0x69: {  	v2 =	vcvt.s32.f32 v2;
	_ =	sdelay $0x1  }
0x6a: {  	[tilespmem:v1+s23+$0x0] =	vst.idx.add.f32.msk vm0, v2  }
0x6b: {  	v1 =	vld [tilespmem:s8+$0x150C0];
	_ =	sdelay $0x4  }
0x6c: {  	(xrf1) =	vunique.msk.u32 $0xffff, v1;
	_ =	sdelay $0xd  }
0x6d: {  	_, v2, vm0 =	vpop (xrf1);
	_ =	sdelay $0x3  }
0x6e: {  	v2 =	vcvt.s32.f32 v2;
	_ =	sdelay $0x1  }
0x6f: {  	[tilespmem:v1+s23+$0x0] =	vst.idx.add.f32.msk vm0, v2  }
0x70: {  	_ =	swait.ge [sflag:s26], $0x2800  }
0x71: {  	[sflag:s26] =	ssyncset.done $0x0  }
0x72: {  	s13 =	sadd.s32 $0x15080, s8;
	[sflag:s26] =	ssyncadd.s32 $0xFFFFD800  }
0x73: {  	[spmem:s3] =	stream.indirect.scatter.add.f32 [tilespmem:s20], [sflag:$0x5], $0x80, s13, s17, $0xb8;
	v63 =	vld [tilespmem:$0x0]  }
0x74: {  	_ =	swait.ge [sflag:s28], $0x2800  }
0x75: {  	[sflag:s28] =	ssyncset.done $0x0  }
0x76: {  	s13 =	sadd.s32 $0x14200, s8;
	[sflag:s28] =	ssyncadd.s32 $0xFFFFD800  }
0x77: {  	[tilespmem:s20], [sflag:$0x2] =	stream.indirect.gather [hbm4b:s1+s17], $0x80, s13, s17, $0xb8;
	v63 =	vld [tilespmem:$0x0]  }
0x78: {  	v1 =	vld [tilespmem:s8+$0x15100];
	_ =	sdelay $0x4  }
0x79: {  	(xrf1) =	vunique.msk.u32 $0xffff, v1;
	_ =	sdelay $0xd  }
0x7a: {  	_, v2, vm0 =	vpop (xrf1);
	_ =	sdelay $0x3  }
0x7b: {  	v2 =	vcvt.s32.f32 v2;
	_ =	sdelay $0x1  }
0x7c: {  	[tilespmem:v1+s23+$0x0] =	vst.idx.add.f32.msk vm0, v2  }
0x7d: {  	v1 =	vld [tilespmem:s8+$0x15110];
	_ =	sdelay $0x4  }
0x7e: {  	(xrf1) =	vunique.msk.u32 $0xffff, v1;
	_ =	sdelay $0xd  }
0x7f: {  	_, v2, vm0 =	vpop (xrf1);
	_ =	sdelay $0x3  }
0x80: {  	v2 =	vcvt.s32.f32 v2;
	_ =	sdelay $0x1  }
0x81: {  	[tilespmem:v1+s23+$0x0] =	vst.idx.add.f32.msk vm0, v2  }
0x82: {  	v1 =	vld [tilespmem:s8+$0x15120];
	_ =	sdelay $0x4  }
0x83: {  	(xrf1) =	vunique.msk.u32 $0xffff, v1;
	_ =	sdelay $0xd  }
0x84: {  	_, v2, vm0 =	vpop (xrf1);
	_ =	sdelay $0x3  }
0x85: {  	v2 =	vcvt.s32.f32 v2;
	_ =	sdelay $0x1  }
0x86: {  	[tilespmem:v1+s23+$0x0] =	vst.idx.add.f32.msk vm0, v2  }
0x87: {  	v1 =	vld [tilespmem:s8+$0x15130];
	_ =	sdelay $0x4  }
0x88: {  	(xrf1) =	vunique.msk.u32 $0xffff, v1;
	_ =	sdelay $0xd  }
0x89: {  	_, v2, vm0 =	vpop (xrf1);
	_ =	sdelay $0x3  }
0x8a: {  	v2 =	vcvt.s32.f32 v2;
	_ =	sdelay $0x1  }
0x8b: {  	[tilespmem:v1+s23+$0x0] =	vst.idx.add.f32.msk vm0, v2  }
0x8c: {  	v1 =	vld [tilespmem:s8+$0x15140];
	_ =	sdelay $0x4  }
0x8d: {  	(xrf1) =	vunique.msk.u32 $0xffff, v1;
	_ =	sdelay $0xd  }
0x8e: {  	_, v2, vm0 =	vpop (xrf1);
	_ =	sdelay $0x3  }
0x8f: {  	v2 =	vcvt.s32.f32 v2;
	_ =	sdelay $0x1  }
0x90: {  	[tilespmem:v1+s23+$0x0] =	vst.idx.add.f32.msk vm0, v2  }
0x91: {  	_ =	swait.ge [sflag:s29], $0x2800  }
0x92: {  	[sflag:s29] =	ssyncset.done $0x0  }
0x93: {  	s13 =	sadd.s32 $0x15100, s8;
	[sflag:s29] =	ssyncadd.s32 $0xFFFFD800  }
0x94: {  	[spmem:s3] =	stream.indirect.scatter.add.f32 [tilespmem:s22], [sflag:$0x6], $0x80, s13, s17, $0xb8;
	v63 =	vld [tilespmem:$0x0]  }
0x95: {  	_ =	swait.ge [sflag:s30], $0x2800  }
0x96: {  	[sflag:s30] =	ssyncset.done $0x0  }
0x97: {  	s13 =	sadd.s32 $0x14280, s8;
	[sflag:s30] =	ssyncadd.s32 $0xFFFFD800  }
0x98: {  	[tilespmem:s22], [sflag:$0x3] =	stream.indirect.gather [hbm4b:s1+s17], $0x80, s13, s17, $0xb8;
	v63 =	vld [tilespmem:$0x0]  }
0x99: {  	v1 =	vld [tilespmem:s8+$0x15180];
	_ =	sdelay $0x4  }
0x9a: {  	(xrf1) =	vunique.msk.u32 $0xffff, v1;
	_ =	sdelay $0xd  }
0x9b: {  	_, v2, vm0 =	vpop (xrf1);
	_ =	sdelay $0x3  }
0x9c: {  	v2 =	vcvt.s32.f32 v2;
	_ =	sdelay $0x1  }
0x9d: {  	[tilespmem:v1+s23+$0x0] =	vst.idx.add.f32.msk vm0, v2  }
0x9e: {  	v1 =	vld [tilespmem:s8+$0x15190];
	_ =	sdelay $0x4  }
0x9f: {  	(xrf1) =	vunique.msk.u32 $0xffff, v1;
	_ =	sdelay $0xd  }
0xa0: {  	_, v2, vm0 =	vpop (xrf1);
	_ =	sdelay $0x3  }
0xa1: {  	v2 =	vcvt.s32.f32 v2;
	_ =	sdelay $0x1  }
0xa2: {  	[tilespmem:v1+s23+$0x0] =	vst.idx.add.f32.msk vm0, v2  }
0xa3: {  	v1 =	vld [tilespmem:s8+$0x151A0];
	_ =	sdelay $0x4  }
0xa4: {  	(xrf1) =	vunique.msk.u32 $0xffff, v1;
	_ =	sdelay $0xd  }
0xa5: {  	_, v2, vm0 =	vpop (xrf1);
	_ =	sdelay $0x3  }
0xa6: {  	v2 =	vcvt.s32.f32 v2;
	_ =	sdelay $0x1  }
0xa7: {  	[tilespmem:v1+s23+$0x0] =	vst.idx.add.f32.msk vm0, v2  }
0xa8: {  	v1 =	vld [tilespmem:s8+$0x151B0];
	_ =	sdelay $0x4  }
0xa9: {  	(xrf1) =	vunique.msk.u32 $0xffff, v1;
	_ =	sdelay $0xd  }
0xaa: {  	_, v2, vm0 =	vpop (xrf1);
	_ =	sdelay $0x3  }
0xab: {  	v2 =	vcvt.s32.f32 v2;
	_ =	sdelay $0x1  }
0xac: {  	[tilespmem:v1+s23+$0x0] =	vst.idx.add.f32.msk vm0, v2  }
0xad: {  	v1 =	vld [tilespmem:s8+$0x151C0];
	_ =	sdelay $0x4  }
0xae: {  	(xrf1) =	vunique.msk.u32 $0xffff, v1;
	_ =	sdelay $0xd  }
0xaf: {  	_, v2, vm0 =	vpop (xrf1);
	_ =	sdelay $0x3  }
0xb0: {  	v2 =	vcvt.s32.f32 v2  }
0xb1: {  	p0 =	sne.s32 s12, $0x2400  }
.Ltmp1:
0xb2: {  	[tilespmem:v1+s23+$0x0] =	vst.idx.add.f32.msk vm0, v2;
	(pc) =	sbr.rel @p0 .LBB2_5-.Ltmp1, $4  }
0xb3: {  	_ =	swait.ge [sflag:s24], $0x2800  }
0xb4: {  	[sflag:s24] =	ssyncset.done $0x0  }
0xb5: {  	s12 =	sadd.s32 $0x600, s12;
	s8 =	sadd.s32 $0x15180, s8;
	[sflag:s24] =	ssyncadd.s32 $0xFFFFD800  }
0xb6: {  	[spmem:s3] =	stream.indirect.scatter.add.f32 [tilespmem:s18], [sflag:$0x4], $0x80, s8, s17, $0xb8;
	v63 =	vld [tilespmem:$0x0]  }
0xb7: {  	_ =	swait.ge [sflag:s25], $0x2800  }
0xb8: {  	[sflag:s25] =	ssyncset.done $0x0  }
0xb9: {  	[sflag:s25] =	ssyncadd.s32 $0xFFFFD800  }
0xba: {  	[tilespmem:s18], [sflag:$0x1] =	stream.indirect.gather [hbm4b:s1+s17], $0x80, s31, s17, $0xb8;
	v63 =	vld [tilespmem:$0x0]  }
0xbb: {  	v1 =	vld [tilespmem:$0x15B00];
	_ =	sdelay $0x4  }
0xbc: {  	(xrf1) =	vunique.msk.u32 $0xffff, v1;
	_ =	sdelay $0xd  }
0xbd: {  	_, v2, vm0 =	vpop (xrf1);
	_ =	sdelay $0x3  }
0xbe: {  	v2 =	vcvt.s32.f32 v2;
	_ =	sdelay $0x1  }
0xbf: {  	[tilespmem:v1+s23+$0x0] =	vst.idx.add.f32.msk vm0, v2  }
0xc0: {  	v1 =	vld [tilespmem:$0x15B10];
	_ =	sdelay $0x4  }
0xc1: {  	(xrf1) =	vunique.msk.u32 $0xffff, v1;
	_ =	sdelay $0xd  }
0xc2: {  	_, v2, vm0 =	vpop (xrf1);
	_ =	sdelay $0x3  }
0xc3: {  	v2 =	vcvt.s32.f32 v2;
	_ =	sdelay $0x1  }
0xc4: {  	[tilespmem:v1+s23+$0x0] =	vst.idx.add.f32.msk vm0, v2  }
0xc5: {  	v1 =	vld [tilespmem:$0x15B20];
	_ =	sdelay $0x4  }
0xc6: {  	(xrf1) =	vunique.msk.u32 $0xffff, v1;
	_ =	sdelay $0xd  }
0xc7: {  	_, v2, vm0 =	vpop (xrf1);
	_ =	sdelay $0x3  }
0xc8: {  	v2 =	vcvt.s32.f32 v2;
	_ =	sdelay $0x1  }
0xc9: {  	[tilespmem:v1+s23+$0x0] =	vst.idx.add.f32.msk vm0, v2  }
0xca: {  	v1 =	vld [tilespmem:$0x15B30];
	_ =	sdelay $0x4  }
0xcb: {  	(xrf1) =	vunique.msk.u32 $0xffff, v1;
	_ =	sdelay $0xd  }
0xcc: {  	_, v2, vm0 =	vpop (xrf1);
	_ =	sdelay $0x3  }
0xcd: {  	v2 =	vcvt.s32.f32 v2;
	_ =	sdelay $0x1  }
0xce: {  	[tilespmem:v1+s23+$0x0] =	vst.idx.add.f32.msk vm0, v2  }
0xcf: {  	v1 =	vld [tilespmem:$0x15B40];
	_ =	sdelay $0x4  }
0xd0: {  	(xrf1) =	vunique.msk.u32 $0xffff, v1;
	_ =	sdelay $0xd  }
0xd1: {  	_, v2, vm0 =	vpop (xrf1);
	_ =	sdelay $0x3  }
0xd2: {  	v2 =	vcvt.s32.f32 v2;
	_ =	sdelay $0x1  }
0xd3: {  	[tilespmem:v1+s23+$0x0] =	vst.idx.add.f32.msk vm0, v2  }
0xd4: {  	_ =	swait.ge [sflag:s26], $0x2800  }
0xd5: {  	[sflag:s26] =	ssyncset.done $0x0  }
0xd6: {  	[sflag:s26] =	ssyncadd.s32 $0xFFFFD800  }
0xd7: {  	[spmem:s3] =	stream.indirect.scatter.add.f32 [tilespmem:s20], [sflag:$0x5], $0x80, s0, s17, $0xb8;
	v63 =	vld [tilespmem:$0x0]  }
0xd8: {  	_ =	swait.ge [sflag:s28], $0x2800  }
0xd9: {  	[sflag:s28] =	ssyncset.done $0x0  }
0xda: {  	[sflag:s28] =	ssyncadd.s32 $0xFFFFD800  }
0xdb: {  	v1 =	vld [tilespmem:$0x15B80];
	_ =	sdelay $0x4  }
0xdc: {  	(xrf1) =	vunique.msk.u32 $0xffff, v1;
	_ =	sdelay $0xd  }
0xdd: {  	_, v2, vm0 =	vpop (xrf1);
	_ =	sdelay $0x3  }
0xde: {  	v2 =	vcvt.s32.f32 v2;
	_ =	sdelay $0x1  }
0xdf: {  	[tilespmem:v1+s23+$0x0] =	vst.idx.add.f32.msk vm0, v2  }
0xe0: {  	v1 =	vld [tilespmem:$0x15B90];
	_ =	sdelay $0x4  }
0xe1: {  	(xrf1) =	vunique.msk.u32 $0xffff, v1;
	_ =	sdelay $0xd  }
0xe2: {  	_, v2, vm0 =	vpop (xrf1);
	_ =	sdelay $0x3  }
0xe3: {  	v2 =	vcvt.s32.f32 v2;
	_ =	sdelay $0x1  }
0xe4: {  	[tilespmem:v1+s23+$0x0] =	vst.idx.add.f32.msk vm0, v2  }
0xe5: {  	v1 =	vld [tilespmem:$0x15BA0];
	_ =	sdelay $0x4  }
0xe6: {  	(xrf1) =	vunique.msk.u32 $0xffff, v1;
	_ =	sdelay $0xd  }
0xe7: {  	_, v2, vm0 =	vpop (xrf1);
	_ =	sdelay $0x3  }
0xe8: {  	v2 =	vcvt.s32.f32 v2;
	_ =	sdelay $0x1  }
0xe9: {  	[tilespmem:v1+s23+$0x0] =	vst.idx.add.f32.msk vm0, v2  }
0xea: {  	v1 =	vld [tilespmem:$0x15BB0];
	_ =	sdelay $0x4  }
0xeb: {  	(xrf1) =	vunique.msk.u32 $0xffff, v1;
	_ =	sdelay $0xd  }
0xec: {  	_, v2, vm0 =	vpop (xrf1);
	_ =	sdelay $0x3  }
0xed: {  	v2 =	vcvt.s32.f32 v2;
	_ =	sdelay $0x1  }
0xee: {  	[tilespmem:v1+s23+$0x0] =	vst.idx.add.f32.msk vm0, v2  }
0xef: {  	v1 =	vld [tilespmem:$0x15BC0];
	_ =	sdelay $0x4  }
0xf0: {  	(xrf1) =	vunique.msk.u32 $0xffff, v1;
	_ =	sdelay $0xd  }
0xf1: {  	_, v2, vm0 =	vpop (xrf1);
	_ =	sdelay $0x3  }
0xf2: {  	v2 =	vcvt.s32.f32 v2;
	_ =	sdelay $0x1  }
0xf3: {  	[tilespmem:v1+s23+$0x0] =	vst.idx.add.f32.msk vm0, v2  }
0xf4: {  	_ =	swait.ge [sflag:s29], $0x2800  }
0xf5: {  	[sflag:s29] =	ssyncset.done $0x0  }
0xf6: {  	[sflag:s29] =	ssyncadd.s32 $0xFFFFD800  }
0xf7: {  	[spmem:s3] =	stream.indirect.scatter.add.f32 [tilespmem:s22], [sflag:$0x6], $0x80, s2, s17, $0xb8;
	v63 =	vld [tilespmem:$0x0]  }
0xf8: {  	_ =	swait.ge [sflag:s30], $0x2800  }
0xf9: {  	[sflag:s30] =	ssyncset.done $0x0  }
0xfa: {  	[sflag:s30] =	ssyncadd.s32 $0xFFFFD800  }
0xfb: {  	v1 =	vld [tilespmem:$0x15C00];
	_ =	sdelay $0x4  }
0xfc: {  	(xrf1) =	vunique.msk.u32 $0xffff, v1;
	_ =	sdelay $0xd  }
0xfd: {  	_, v2, vm0 =	vpop (xrf1);
	_ =	sdelay $0x3  }
0xfe: {  	v2 =	vcvt.s32.f32 v2;
	_ =	sdelay $0x1  }
0xff: {  	[tilespmem:v1+s23+$0x0] =	vst.idx.add.f32.msk vm0, v2  }
0x100: {  	v1 =	vld [tilespmem:$0x15C10];
	_ =	sdelay $0x4  }
0x101: {  	(xrf1) =	vunique.msk.u32 $0xffff, v1;
	_ =	sdelay $0xd  }
0x102: {  	_, v2, vm0 =	vpop (xrf1);
	_ =	sdelay $0x3  }
0x103: {  	v2 =	vcvt.s32.f32 v2;
	_ =	sdelay $0x1  }
0x104: {  	[tilespmem:v1+s23+$0x0] =	vst.idx.add.f32.msk vm0, v2  }
0x105: {  	v1 =	vld [tilespmem:$0x15C20];
	_ =	sdelay $0x4  }
0x106: {  	(xrf1) =	vunique.msk.u32 $0xffff, v1;
	_ =	sdelay $0xd  }
0x107: {  	_, v2, vm0 =	vpop (xrf1);
	_ =	sdelay $0x3  }
0x108: {  	v2 =	vcvt.s32.f32 v2;
	_ =	sdelay $0x1  }
0x109: {  	[tilespmem:v1+s23+$0x0] =	vst.idx.add.f32.msk vm0, v2  }
0x10a: {  	v1 =	vld [tilespmem:$0x15C30];
	_ =	sdelay $0x4  }
0x10b: {  	(xrf1) =	vunique.msk.u32 $0xffff, v1;
	_ =	sdelay $0xd  }
0x10c: {  	_, v2, vm0 =	vpop (xrf1);
	_ =	sdelay $0x3  }
0x10d: {  	v2 =	vcvt.s32.f32 v2;
	_ =	sdelay $0x1  }
0x10e: {  	[tilespmem:v1+s23+$0x0] =	vst.idx.add.f32.msk vm0, v2  }
0x10f: {  	v1 =	vld [tilespmem:$0x15C40];
	_ =	sdelay $0x4  }
0x110: {  	(xrf1) =	vunique.msk.u32 $0xffff, v1;
	_ =	sdelay $0xd  }
0x111: {  	_, v2, vm0 =	vpop (xrf1);
	_ =	sdelay $0x3  }
0x112: {  	v2 =	vcvt.s32.f32 v2;
	_ =	sdelay $0x1  }
0x113: {  	[tilespmem:v1+s23+$0x0] =	vst.idx.add.f32.msk vm0, v2  }
0x114: {  	s11 =	sadd.s32 $0x1, s11;
	_ =	swait.ge [sflag:s24], $0x2800  }
0x115: {  	p0 =	sne.s32 s11, $0x5;
	[sflag:s24] =	ssyncset.done $0x0  }
.Ltmp2:
0x116: {  	[sflag:s24] =	ssyncadd.s32 $0xFFFFD800;
	(pc) =	sbr.rel @p0 .LBB2_4-.Ltmp2, $4  }
0x117: {  	[spmem:s3] =	stream.indirect.scatter.add.f32 [tilespmem:s18], [sflag:$0x4], $0x80, s7, s17, $0xb8;
	v63 =	vld [tilespmem:$0x0]  }
0x118: {  	_ =	swait.ge [sflag:s25], $0x2800  }
0x119: {  	[sflag:s25] =	ssyncset.done $0x0  }
0x11a: {  	[sflag:s25] =	ssyncadd.s32 $0xFFFFD800  }
0x11b: {  	[bflag:$0x0] =	sbarrier.arrive $0xFFFF  }
0x11c: {  	s12 =	rddreg [dreg:$0x6]  }
0x11d: {  	s8 =	rddreg [dreg:$0x7]  }
0x11e: {  	s10 =	rddreg [dreg:$0xa]  }
0x11f: {  	[hbm:s8], [sflag:s12] =	dma.local [spmem:s10], $0x2800  }
0x120: {  	_ =	swait.ge [sflag:s14], $0x2800  }
0x121: {  	s11 =	simm.s32 $0x80;
	[sflag:s14] =	ssyncset.done $0x0  }
0x122: {  	s13 =	simm.s32 $0x400;
	s8 =	rddreg [dreg:$0x8];
	[sflag:s14] =	ssyncadd.s32 $0xFFFFD800  }
0x123: {  	[hbm4b:s8+s11] =	stream.strided.scatter [tilespmem:s23], [sflag:$0x7], $0x2800, s13, s11, $0x38;
	v63 =	vld [tilespmem:$0x0]  }
0x124: {  	_ =	swait.ge [sflag:s14], $0x2800  }
0x125: {  	s4 =	sadd.s32 $0x1, s4;
	s13 =	rddreg [dreg:$0x9]  }
0x126: {  	p0 =	sne.s32 s4, s13  }
.Ltmp3:
0x127: {  	_ = 	snop;
	(pc) =	sbr.rel @p0 .LBB2_1-.Ltmp3, $3  }
0x128: {  	_ =	sdelay $0x1  }
0x129: {  	[sflag:s14] =	ssyncset.done $0x0  }
0x12a: {  	[sflag:s14] =	ssyncadd.s32 $0xFFFFD800  }
0x12b: {  	_ =	sfence.sel $0x180000  }
0x12c: {  	[bflag:$0x0] =	sbarrier.arrive $0xFFFF  }
0x12d: {  	_ =	strace $0x90000047  }
0x12e: {  	s0 =	stileid.u32;
	[bflag:$0x2] =	sbarrier.arrive $0xFFFF  }
0x12f: {  	p0 =	sne.s32 s0, $0x0;
	s0 =	rddreg [dreg:$0x4]  }
0x130: {  	s0 =	sadd.s32 @!p0 $0x100000, s0  }
0x131: {  	[sflag:s0] =	ssyncadd.tile.s32 @!p0 $0x1;
	_ =	shalt  }
.Lfunc_end2:
_tile_overlayer_lowered:
.L_overlay_start_2:
0x132: {  	(tag) =	ssettag $0x2  }
0x133: {  	s0 =	rddreg [dreg:$0x0];
	s2 =	stileid.u32  }
0x134: {  	s1 =	rddreg [dreg:$0x1];
	p0 =	sne.s32 s2, $0x0  }
0x135: {  	s3 =	rddreg [dreg:$0x2];
	[bflag:$0x3] =	sbarrier.arrive $0xFFFF;
	s2 =	simm.s32 @!p0 $0x1C07  }
0x136: {  	[timem:s3], [sflag:s2] =	dma.local @!p0 [hbm:s0], s1  }
0x137: {  	s0 =	simm.s32 @!p0 $0x7  }
0x138: {  	_ =	swait.ge @!p0 [sflag:s0], s1  }
0x139: {  	s1 =	ssub.s32 @!p0 $0x0, s1;
	[sflag:s0] =	ssyncset.done @!p0 $0x0  }
0x13a: {  	[sflag:s0] =	ssyncadd.s32 @!p0 s1  }
0x13b: {  	[bflag:$0x3] =	sbarrier.arrive $0xFFFF  }
0x13c: {  	_ =	shalt  }

</sc_bundles>
